<compile_context>
chip_gen: v7x
topology: tpu7x:2x2x1
jax: 0.10.2.dev20260603
libtpu: 0.0.44.dev20260713+nightly
codegen_flags: <defaults>
</compile_context>

<pallas_src>
import functools

import jax
import jax.numpy as jnp
from jax import lax
from jax.experimental import pallas as pl
from jax.experimental.pallas import tpu as pltpu
from jax.experimental.pallas import tpu_sc as plsc

K = 16
NUM_GRAPHS = 8
N_POINTS = 8192
CLASSES = 40
NEDGES = N_POINTS * K

_RB = 256
_CH = 512
_BIGI = 2 ** 30

_EB = 2048
_PB = _EB // K



def _knn_body(lo_ref, hi_ref, xr_ref, xt_ref, sqr_ref, sqc_ref,
              br_ref, bc_ref, out_ref):
    i = pl.program_id(0)
    lo = lo_ref[i]
    hi = hi_ref[i]
    clo = lo // _CH
    chi = (hi + _CH - 1) // _CH

    xr = xr_ref[...]
    sqr = sqr_ref[...]
    br = br_ref[...]

    def chunk(c, carry):
        run_v, run_i = carry
        xc = xt_ref[:, pl.ds(c * _CH, _CH)]
        dots = lax.dot_general(xr, xc, (((1,), (0,)), ((), ())),
                               preferred_element_type=jnp.float32)
        sqc = sqc_ref[:, pl.ds(c * _CH, _CH)]
        d2 = (sqr + sqc) - 2.0 * dots
        bc = bc_ref[:, pl.ds(c * _CH, _CH)]
        valid = br == bc
        v = jnp.concatenate(
            [run_v, jnp.where(valid, d2, jnp.inf)], axis=1)
        ci = jnp.concatenate(
            [run_i, c * _CH + lax.broadcasted_iota(jnp.int32, (_RB, _CH), 1)],
            axis=1)
        nv, ni = [], []
        for _ in range(K):
            vmin = jnp.min(v, axis=1, keepdims=True)
            imin = jnp.min(jnp.where(v == vmin, ci, _BIGI),
                           axis=1, keepdims=True)
            nv.append(vmin)
            ni.append(imin)
            v = jnp.where(ci == imin, jnp.inf, v)
        return jnp.concatenate(nv, axis=1), jnp.concatenate(ni, axis=1)

    init = (jnp.full((_RB, K), jnp.inf, jnp.float32),
            jnp.full((_RB, K), _BIGI, jnp.int32))
    _, run_i = lax.fori_loop(clo, chi, chunk, init)
    out_ref[...] = run_i


def _knn_pallas(xp, sq, batchf, lo, hi):
    n = xp.shape[0]
    xt = xp.T
    br = batchf.reshape(n, 1)
    bc = batchf.reshape(1, n)
    grid = n // _RB
    return pl.pallas_call(
        _knn_body,
        grid=(grid,),
        in_specs=[
            pl.BlockSpec(memory_space=pltpu.SMEM),
            pl.BlockSpec(memory_space=pltpu.SMEM),
            pl.BlockSpec((_RB, 128), lambda i: (i, 0)),
            pl.BlockSpec((128, n), lambda i: (0, 0)),
            pl.BlockSpec((_RB, 1), lambda i: (i, 0)),
            pl.BlockSpec((1, n), lambda i: (0, 0)),
            pl.BlockSpec((_RB, 1), lambda i: (i, 0)),
            pl.BlockSpec((1, n), lambda i: (0, 0)),
        ],
        out_specs=pl.BlockSpec((_RB, K), lambda i: (i, 0)),
        out_shape=jax.ShapeDtypeStruct((n, K), jnp.int32),
    )(lo, hi, xp, xt, sq.reshape(n, 1), sq.reshape(1, n), br, bc)



def _gather_rows(table, idx):
    V, F = table.shape
    B = idx.shape[0]
    NW = 32
    b_per_w = B // NW
    ch = 128
    nch = b_per_w // ch
    mesh = plsc.VectorSubcoreMesh(core_axis_name="c", subcore_axis_name="s")

    @functools.partial(
        pl.kernel, mesh=mesh,
        out_type=jax.ShapeDtypeStruct((B, F), jnp.float32),
        scratch_types=[
            pltpu.VMEM((b_per_w,), jnp.int32),
            pltpu.VMEM((ch, F), jnp.float32),
            pltpu.VMEM((ch, F), jnp.float32),
            pltpu.SemaphoreType.DMA,
            pltpu.SemaphoreType.DMA,
            pltpu.SemaphoreType.DMA,
            pltpu.SemaphoreType.DMA,
        ],
    )
    def gk(table_hbm, idx_hbm, out_hbm, idx_v, buf0, buf1,
           gs0, gs1, os0, os1):
        wid = lax.axis_index("s") * 2 + lax.axis_index("c")
        base = wid * b_per_w
        pltpu.sync_copy(idx_hbm.at[pl.ds(base, b_per_w)], idx_v)

        def drain(buf, sem):
            pltpu.make_async_copy(buf, out_hbm.at[pl.ds(base, ch)], sem).wait()

        def body(c, _):
            c0 = 2 * c
            c1 = 2 * c + 1

            @pl.when(c > 0)
            def _():
                drain(buf0, os0)

            g0 = pltpu.async_copy(
                table_hbm.at[idx_v.at[pl.ds(c0 * ch, ch)]], buf0, gs0)

            @pl.when(c > 0)
            def _():
                drain(buf1, os1)

            g1 = pltpu.async_copy(
                table_hbm.at[idx_v.at[pl.ds(c1 * ch, ch)]], buf1, gs1)
            g0.wait()
            pltpu.async_copy(buf0, out_hbm.at[pl.ds(base + c0 * ch, ch)], os0)
            g1.wait()
            pltpu.async_copy(buf1, out_hbm.at[pl.ds(base + c1 * ch, ch)], os1)
            return 0

        lax.fori_loop(0, nch // 2, body, 0)
        drain(buf0, os0)
        drain(buf1, os1)

    return gk(table, idx)



def _edge_feat(xg_ref, x_ref, dp):
    xi = x_ref[...]
    xi_rep = jnp.broadcast_to(xi[:, None, :], (_PB, K, dp)).reshape(_EB, dp)
    xj = xg_ref[...]
    return jnp.concatenate([xi_rep, xj - xi_rep], axis=1)


def _stats_body(xg_ref, x_ref, w1_ref, b1_ref, st_ref):
    i = pl.program_id(0)
    dp = x_ref.shape[1]
    e = _edge_feat(xg_ref, x_ref, dp)
    h = lax.dot_general(e, w1_ref[...], (((1,), (0,)), ((), ())),
                        preferred_element_type=jnp.float32) + b1_ref[...]

    @pl.when(i == 0)
    def _():
        st_ref[...] = jnp.zeros_like(st_ref)

    st_ref[0:1, :] += jnp.sum(h, axis=0, keepdims=True)
    st_ref[1:2, :] += jnp.sum(h * h, axis=0, keepdims=True)


def _stats_pallas(xg, x, w1p, b1):
    dp = x.shape[1]
    f1 = w1p.shape[1]
    return pl.pallas_call(
        _stats_body,
        grid=(NEDGES // _EB,),
        in_specs=[
            pl.BlockSpec((_EB, dp), lambda i: (i, 0)),
            pl.BlockSpec((_PB, dp), lambda i: (i, 0)),
            pl.BlockSpec((2 * dp, f1), lambda i: (0, 0)),
            pl.BlockSpec((1, f1), lambda i: (0, 0)),
        ],
        out_specs=pl.BlockSpec((8, f1), lambda i: (0, 0)),
        out_shape=jax.ShapeDtypeStruct((8, f1), jnp.float32),
    )(xg, x, w1p, b1)


def _mlp2_body(xg_ref, x_ref, w1_ref, b1_ref, c1_ref, w2_ref, b2_ref,
               mx_ref, mn_ref, st_ref):
    i = pl.program_id(0)
    dp = x_ref.shape[1]
    f2 = mx_ref.shape[1]
    e = _edge_feat(xg_ref, x_ref, dp)
    h1 = lax.dot_general(e, w1_ref[...], (((1,), (0,)), ((), ())),
                         preferred_element_type=jnp.float32) + b1_ref[...]
    y = jnp.maximum(h1 * c1_ref[0:1, :] + c1_ref[1:2, :], 0.0)
    h2 = lax.dot_general(y, w2_ref[...], (((1,), (0,)), ((), ())),
                         preferred_element_type=jnp.float32) + b2_ref[...]
    h3 = h2.reshape(_PB, K, f2)
    mx_ref[...] = jnp.max(h3, axis=1)
    mn_ref[...] = jnp.min(h3, axis=1)

    @pl.when(i == 0)
    def _():
        st_ref[...] = jnp.zeros_like(st_ref)

    st_ref[0:1, :] += jnp.sum(h2, axis=0, keepdims=True)
    st_ref[1:2, :] += jnp.sum(h2 * h2, axis=0, keepdims=True)


def _mlp2_pallas(xg, x, w1p, b1, c1, w2t, b2):
    dp = x.shape[1]
    f1 = w1p.shape[1]
    f2 = w2t.shape[1]
    return pl.pallas_call(
        _mlp2_body,
        grid=(NEDGES // _EB,),
        in_specs=[
            pl.BlockSpec((_EB, dp), lambda i: (i, 0)),
            pl.BlockSpec((_PB, dp), lambda i: (i, 0)),
            pl.BlockSpec((2 * dp, f1), lambda i: (0, 0)),
            pl.BlockSpec((1, f1), lambda i: (0, 0)),
            pl.BlockSpec((8, f1), lambda i: (0, 0)),
            pl.BlockSpec((f1, f2), lambda i: (0, 0)),
            pl.BlockSpec((1, f2), lambda i: (0, 0)),
        ],
        out_specs=[
            pl.BlockSpec((_PB, f2), lambda i: (i, 0)),
            pl.BlockSpec((_PB, f2), lambda i: (i, 0)),
            pl.BlockSpec((8, f2), lambda i: (0, 0)),
        ],
        out_shape=[
            jax.ShapeDtypeStruct((N_POINTS, f2), jnp.float32),
            jax.ShapeDtypeStruct((N_POINTS, f2), jnp.float32),
            jax.ShapeDtypeStruct((8, f2), jnp.float32),
        ],
    )(xg, x, w1p, b1, c1, w2t, b2)


def _epi_body(mx_ref, mn_ref, c_ref, o_ref):
    c = c_ref[...]
    s = c[0:1, :]
    t = c[1:2, :]
    o_ref[...] = jnp.maximum(
        jnp.where(s >= 0, s * mx_ref[...], s * mn_ref[...]) + t, 0.0)


def _epi_pallas(mx, mn, c2):
    n, f = mx.shape
    blk = 1024
    return pl.pallas_call(
        _epi_body,
        grid=(n // blk,),
        in_specs=[
            pl.BlockSpec((blk, f), lambda i: (i, 0)),
            pl.BlockSpec((blk, f), lambda i: (i, 0)),
            pl.BlockSpec((8, f), lambda i: (0, 0)),
        ],
        out_specs=pl.BlockSpec((blk, f), lambda i: (i, 0)),
        out_shape=jax.ShapeDtypeStruct((n, f), jnp.float32),
    )(mx, mn, c2)


def _bn_coef(st, n, g, beta):
    mean = st[0] / n
    var = st[1] / n - mean * mean
    s = g * lax.rsqrt(var + 1e-5)
    t = beta - mean * s
    return jnp.stack([s, t] + [jnp.zeros_like(s)] * 6, axis=0)


def _edge_conv(x, batchf, lo, hi, p1, p2):
    n, d = x.shape
    f1 = p1['W'].shape[0]
    f2 = p2['W'].shape[0]
    dp = 128
    xp = x if d == dp else jnp.zeros((n, dp), jnp.float32).at[:, :d].set(x)
    sq = jnp.sum(x * x, axis=1)
    idx = _knn_pallas(xp, sq, batchf, lo, hi)
    w1t = p1['W'].T
    w1p = jnp.zeros((2 * dp, f1), jnp.float32)
    w1p = w1p.at[0:d, :].set(w1t[0:d, :])
    w1p = w1p.at[dp:dp + d, :].set(w1t[d:2 * d, :])
    b1 = p1['b'].reshape(1, f1)
    xg = _gather_rows(xp, idx.reshape(-1))
    st1 = _stats_pallas(xg, xp, w1p, b1)
    c1 = _bn_coef(st1, float(NEDGES), p1['g'], p1['beta'])
    mx, mn, st2 = _mlp2_pallas(xg, xp, w1p, b1, c1, p2['W'].T,
                               p2['b'].reshape(1, f2))
    c2 = _bn_coef(st2, float(NEDGES), p2['g'], p2['beta'])
    return _epi_pallas(mx, mn, c2)



def _align_body(p_ref, w_ref, b_ref, o_ref):
    o_ref[...] = lax.dot_general(
        p_ref[...], w_ref[...], (((1,), (0,)), ((), ())),
        preferred_element_type=jnp.float32) + b_ref[...]


def _align_pallas(pos, wt, b):
    n, d = pos.shape
    do = wt.shape[1]
    blk = 1024
    return pl.pallas_call(
        _align_body,
        grid=(n // blk,),
        in_specs=[
            pl.BlockSpec((blk, d), lambda i: (i, 0)),
            pl.BlockSpec((d, do), lambda i: (0, 0)),
            pl.BlockSpec((1, do), lambda i: (0, 0)),
        ],
        out_specs=pl.BlockSpec((blk, do), lambda i: (i, 0)),
        out_shape=jax.ShapeDtypeStruct((n, do), jnp.float32),
    )(pos, wt, b)


def _hmlp_body(h_ref, w_ref, b_ref, o_ref, st_ref):
    i = pl.program_id(0)
    hh = lax.dot_general(h_ref[...], w_ref[...], (((1,), (0,)), ((), ())),
                         preferred_element_type=jnp.float32) + b_ref[...]
    o_ref[...] = hh

    @pl.when(i == 0)
    def _():
        st_ref[...] = jnp.zeros_like(st_ref)

    st_ref[0:1, :] += jnp.sum(hh, axis=0, keepdims=True)
    st_ref[1:2, :] += jnp.sum(hh * hh, axis=0, keepdims=True)


def _hmlp_pallas(h, wt, b):
    n, d = h.shape
    f = wt.shape[1]
    blk = 512
    return pl.pallas_call(
        _hmlp_body,
        grid=(n // blk,),
        in_specs=[
            pl.BlockSpec((blk, d), lambda i: (i, 0)),
            pl.BlockSpec((d, f), lambda i: (0, 0)),
            pl.BlockSpec((1, f), lambda i: (0, 0)),
        ],
        out_specs=[
            pl.BlockSpec((blk, f), lambda i: (i, 0)),
            pl.BlockSpec((8, f), lambda i: (0, 0)),
        ],
        out_shape=[
            jax.ShapeDtypeStruct((n, f), jnp.float32),
            jax.ShapeDtypeStruct((8, f), jnp.float32),
        ],
    )(h, wt, b)


def _segmax_body(hh_ref, c_ref, bf_ref, o_ref):
    i = pl.program_id(0)
    y = jnp.maximum(hh_ref[...] * c_ref[0:1, :] + c_ref[1:2, :], 0.0)
    bf = bf_ref[...]

    @pl.when(i == 0)
    def _():
        o_ref[...] = jnp.full_like(o_ref, -jnp.inf)

    for g in range(NUM_GRAPHS):
        mg = jnp.max(jnp.where(bf == float(g), y, -jnp.inf),
                     axis=0, keepdims=True)
        o_ref[g:g + 1, :] = jnp.maximum(o_ref[g:g + 1, :], mg)


def _segmax_pallas(hh, c, batchf):
    n, f = hh.shape
    blk = 512
    return pl.pallas_call(
        _segmax_body,
        grid=(n // blk,),
        in_specs=[
            pl.BlockSpec((blk, f), lambda i: (i, 0)),
            pl.BlockSpec((8, f), lambda i: (0, 0)),
            pl.BlockSpec((blk, 1), lambda i: (i, 0)),
        ],
        out_specs=pl.BlockSpec((NUM_GRAPHS, f), lambda i: (0, 0)),
        out_shape=jax.ShapeDtypeStruct((NUM_GRAPHS, f), jnp.float32),
    )(hh, c, batchf.reshape(n, 1))


def _fc_body(g_ref, w1_ref, c1_ref, w2_ref, c2_ref, w3_ref, b3_ref, o_ref):
    def bnrelu(h, g, beta):
        m = jnp.mean(h, axis=0, keepdims=True)
        v = jnp.mean((h - m) ** 2, axis=0, keepdims=True)
        return jnp.maximum(g * (h - m) * lax.rsqrt(v + 1e-5) + beta, 0.0)

    h = lax.dot_general(g_ref[...], w1_ref[...], (((1,), (0,)), ((), ())),
                        preferred_element_type=jnp.float32) + c1_ref[0:1, :]
    h = bnrelu(h, c1_ref[1:2, :], c1_ref[2:3, :])
    h = lax.dot_general(h, w2_ref[...], (((1,), (0,)), ((), ())),
                        preferred_element_type=jnp.float32) + c2_ref[0:1, :]
    h = bnrelu(h, c2_ref[1:2, :], c2_ref[2:3, :])
    logits = lax.dot_general(h, w3_ref[...], (((1,), (0,)), ((), ())),
                             preferred_element_type=jnp.float32) + b3_ref[...]
    m = jnp.max(logits, axis=1, keepdims=True)
    sh = logits - m
    o_ref[...] = sh - jnp.log(jnp.sum(jnp.exp(sh), axis=1, keepdims=True))


def _fc_pallas(g, p_fc1, p_fc2, p_fc3):
    c1 = jnp.stack([p_fc1['b'], p_fc1['g'], p_fc1['beta']] +
                   [jnp.zeros_like(p_fc1['b'])] * 5, axis=0)
    c2 = jnp.stack([p_fc2['b'], p_fc2['g'], p_fc2['beta']] +
                   [jnp.zeros_like(p_fc2['b'])] * 5, axis=0)
    w3 = jnp.zeros((p_fc3['W'].shape[1], 128), jnp.float32)
    w3 = w3.at[:, :CLASSES].set(p_fc3['W'].T)
    b3 = jnp.full((1, 128), -1e30, jnp.float32)
    b3 = b3.at[0, :CLASSES].set(p_fc3['b'])
    out = pl.pallas_call(
        _fc_body,
        in_specs=[pl.BlockSpec(x.shape, lambda: tuple([0] * x.ndim))
                  for x in (g, p_fc1['W'].T, c1, p_fc2['W'].T, c2, w3, b3)],
        out_specs=pl.BlockSpec((NUM_GRAPHS, 128), lambda: (0, 0)),
        out_shape=jax.ShapeDtypeStruct((NUM_GRAPHS, 128), jnp.float32),
    )(g, p_fc1['W'].T, c1, p_fc2['W'].T, c2, w3, b3)
    return out[:, :CLASSES]



def _seg_bounds(batch):
    g = jnp.arange(NUM_GRAPHS, dtype=jnp.int32)
    seg_start = jnp.searchsorted(batch, g, side='left').astype(jnp.int32)
    seg_end = jnp.searchsorted(batch, g, side='right').astype(jnp.int32)
    r0 = jnp.arange(N_POINTS // _RB, dtype=jnp.int32) * _RB
    lo = seg_start[batch[r0]]
    hi = seg_end[batch[r0 + _RB - 1]]
    return lo, hi


def kernel(pos, params, batch):
    batchf = batch.astype(jnp.float32)
    lo, hi = _seg_bounds(batch)
    x = _align_pallas(pos, params['align']['W'].T,
                      params['align']['b'].reshape(1, -1))
    o1 = _edge_conv(x, batchf, lo, hi, params['ec1_1'], params['ec1_2'])
    o2 = _edge_conv(o1, batchf, lo, hi, params['ec2_1'], params['ec2_2'])
    o3 = _edge_conv(o2, batchf, lo, hi, params['ec3_1'], params['ec3_2'])
    h = jnp.concatenate([o1, o2, o3], axis=1)
    hh, sth = _hmlp_pallas(h, params['mlp']['W'].T,
                           params['mlp']['b'].reshape(1, -1))
    ch = _bn_coef(sth, float(N_POINTS), params['mlp']['g'],
                  params['mlp']['beta'])
    g = _segmax_pallas(hh, ch, batchf)
    return _fc_pallas(g, params['fc1'], params['fc2'], params['fc3'])

# --- scband reference (transcript-rebuilt; emitter-appended) ---
"""Pipeline reference for scband-dgcnnclassifier-30124900614159 (READ-ONLY COPY).

The authoritative reference and input builder live on the scoring server;
editing this copy changes nothing except your own understanding.
"""

import jax, jax.numpy as jnp
import numpy as np

K = 16
NUM_GRAPHS = 8
N_POINTS = 8192
CLASSES = 40


def _bn(x, g, b):
    m = jnp.mean(x, axis=0)
    v = jnp.var(x, axis=0)
    return g * (x - m) * jax.lax.rsqrt(v + 1e-5) + b


def _mlp(x, p):
    # Linear -> BatchNorm1d (batch stats) -> ReLU, matching MLP module
    h = x @ p['W'].T + p['b']
    return jax.nn.relu(_bn(h, p['g'], p['beta']))


def _knn_idx(x, batch, k):
    # kNN within each graph (includes self, like PyG knn(x, x, k, batch))
    xs = jax.lax.stop_gradient(x)
    sq = jnp.sum(xs * xs, axis=1)
    d2 = sq[:, None] + sq[None, :] - 2.0 * (xs @ xs.T)
    mask = batch[:, None] != batch[None, :]
    d2 = jnp.where(mask, jnp.inf, d2)
    _, idx = jax.lax.top_k(-d2, k)
    return idx


def _dyn_edge_conv(x, batch, p1, p2, k=K):
    n, d = x.shape
    idx = _knn_idx(x, batch, k)
    xi = jnp.broadcast_to(x[:, None, :], (n, k, d))
    xj = x[idx]
    e = jnp.concatenate([xi, xj - xi], axis=-1).reshape(n * k, 2 * d)
    m = _mlp(_mlp(e, p1), p2).reshape(n, k, -1)
    return jnp.max(m, axis=1)  # aggr='max'


def _forward(pos, params, batch):
    out = pos @ params['align']['W'].T + params['align']['b']
    o1 = _dyn_edge_conv(out, batch, params['ec1_1'], params['ec1_2'])
    o2 = _dyn_edge_conv(o1, batch, params['ec2_1'], params['ec2_2'])
    o3 = _dyn_edge_conv(o2, batch, params['ec3_1'], params['ec3_2'])
    h = jnp.concatenate([o1, o2, o3], axis=1)
    h = _mlp(h, params['mlp'])
    g = jax.ops.segment_max(h, batch, num_segments=NUM_GRAPHS)
    g = _mlp(g, params['fc1'])
    g = _mlp(g, params['fc2'])
    logits = g @ params['fc3']['W'].T + params['fc3']['b']
    return jax.nn.log_softmax(logits, axis=-1)


def _lin(key, fin, fout, bn=True):
    k1, _ = jax.random.split(key)
    p = {'W': jax.random.normal(k1, (fout, fin), jnp.float32) * (1.0 / np.sqrt(fin)),
         'b': jnp.zeros((fout,), jnp.float32)}
    if bn:
        p['g'] = jnp.ones((fout,), jnp.float32)
        p['beta'] = jnp.zeros((fout,), jnp.float32)
    return p


def setup_inputs(seed: int = 0) -> dict:
    key = jax.random.key(seed)
    ks = jax.random.split(key, 14)
    pos = jax.random.normal(ks[0], (N_POINTS, 3), jnp.float32)
    batch = jnp.sort(jax.random.randint(ks[1], (N_POINTS,), 0, NUM_GRAPHS, jnp.int32))
    params = {
        'align': _lin(ks[2], 3, 3, bn=False),
        'ec1_1': _lin(ks[3], 6, 128),
        'ec1_2': _lin(ks[4], 128, 64),
        'ec2_1': _lin(ks[5], 128, 128),
        'ec2_2': _lin(ks[6], 128, 64),
        'ec3_1': _lin(ks[7], 128, 256),
        'ec3_2': _lin(ks[8], 256, 128),
        'mlp': _lin(ks[9], 256, 1024),
        'fc1': _lin(ks[10], 1024, 512),
        'fc2': _lin(ks[11], 512, 256),
        'fc3': _lin(ks[12], 256, CLASSES, bn=False),
    }
    return {'pos': pos, 'params': params, 'batch': batch}


def reference(pos, params, batch):
    return _forward(pos, params, batch)

if __name__ == "__main__":
    import jax
    _d = setup_inputs()
    print(jax.jit(kernel)(*tuple(_d.values())))

</pallas_src>

<mosaic_0001>
#map = affine_map<(d0, d1) -> (0, 0)>
#map1 = affine_map<(d0, d1) -> (0)>
module attributes {stable_mosaic.version = 14 : i64} {
  func.func @gk(%arg0: i32, %arg1: i32, %arg2: memref<8192x128xf32, #tpu.memory_space<hbm>>, %arg3: memref<131072xi32, #tpu.memory_space<hbm>>, %arg4: memref<131072x128xf32, #tpu.memory_space<hbm>>, %arg5: memref<4096xi32, #tpu.memory_space<vmem>>, %arg6: memref<128x128xf32, #tpu.memory_space<vmem>>, %arg7: memref<128x128xf32, #tpu.memory_space<vmem>>, %arg8: memref<!tpu.dma_semaphore, #tpu.memory_space<semaphore_mem>>, %arg9: memref<!tpu.dma_semaphore, #tpu.memory_space<semaphore_mem>>, %arg10: memref<!tpu.dma_semaphore, #tpu.memory_space<semaphore_mem>>, %arg11: memref<!tpu.dma_semaphore, #tpu.memory_space<semaphore_mem>>) attributes {dimension_semantics = [#tpu.dimension_semantics<core_parallel>, #tpu.dimension_semantics<subcore_parallel>], iteration_bounds = array<i64: 2, 16>, scalar_prefetch = 0 : i64, scratch_operands = 7 : i64, tpu.core_type = #tpu.core_type<sc_vector_subcore>, window_params = [{transform_indices = #map}, {transform_indices = #map1}, {transform_indices = #map}]} {
    %mul3A = arith.constant 2 : i32
    %mul3A_0 = arith.muli %arg1, %mul3A : i32
    %add3A = arith.addi %mul3A_0, %arg0 : i32
    %mul3A_1 = arith.constant 4096 : i32
    %mul3A_2 = arith.muli %add3A, %mul3A_1 : i32
    "tpu.region"() ({
      %run_scoped3A = tpu.sem_alloc : memref<!tpu.dma_semaphore, #tpu.memory_space<semaphore_mem>>
      %dma_start3A = tpu.memref_slice %arg3[%mul3A_2] : memref<131072xi32, #tpu.memory_space<hbm>> -> memref<4096xi32, #tpu.memory_space<hbm>>
      %dma_start3A_16 = tpu.memref_slice %arg3[%mul3A_2] : memref<131072xi32, #tpu.memory_space<hbm>> -> memref<4096xi32, #tpu.memory_space<hbm>>
      tpu.enqueue_dma source(%dma_start3A_16 : memref<4096xi32, #tpu.memory_space<hbm>>) target(%arg5 : memref<4096xi32, #tpu.memory_space<vmem>>) target_semaphore(%run_scoped3A : memref<!tpu.dma_semaphore, #tpu.memory_space<semaphore_mem>>)
      %dma_wait3A_17 = tpu.memref_slice %arg3[%mul3A_2] : memref<131072xi32, #tpu.memory_space<hbm>> -> memref<4096xi32, #tpu.memory_space<hbm>>
      %dma_wait3A_18 = tpu.memref_slice %arg3[%mul3A_2] : memref<131072xi32, #tpu.memory_space<hbm>> -> memref<4096xi32, #tpu.memory_space<hbm>>
      tpu.wait_dma2 semaphore(%run_scoped3A : memref<!tpu.dma_semaphore, #tpu.memory_space<semaphore_mem>>) src(%dma_wait3A_18 : memref<4096xi32, #tpu.memory_space<hbm>>) dst(%arg5 : memref<4096xi32, #tpu.memory_space<vmem>>)
      tpu.yield
    }) : () -> ()
    %scan3A = arith.constant 0 : i32
    %scan3A_3 = arith.constant 0 : i32
    %scan3A_4 = arith.constant 16 : i32
    %scan3A_5 = arith.addi %scan3A_3, %scan3A_4 : i32
    %scan3A_6 = arith.constant 1 : i32
    %scan3A_7 = scf.for %scan3A_16 = %scan3A_3 to %scan3A_5 step %scan3A_6 iter_args(%scan3A_17 = %scan3A) -> (i32)  : i32 {
      %mul3A_18 = arith.constant 2 : i32
      %mul3A_19 = arith.muli %mul3A_18, %scan3A_16 : i32
      %mul3A_20 = arith.constant 2 : i32
      %mul3A_21 = arith.muli %mul3A_20, %scan3A_16 : i32
      %add3A_22 = arith.constant 1 : i32
      %add3A_23 = arith.addi %mul3A_21, %add3A_22 : i32
      %gt3A = arith.constant 0 : i32
      %gt3A_24 = arith.cmpi sgt, %scan3A_16, %gt3A : i32
      %convert_element_type3A = arith.extui %gt3A_24 : i1 to i32
      %cond3A = arith.constant 0 : i32
      %cond3A_25 = arith.cmpi ne, %convert_element_type3A, %cond3A : i32
      scf.if %cond3A_25 {
        %dma_wait3A_65 = arith.constant 0 : i32
        %dma_wait3A_66 = tpu.memref_slice %arg4[%mul3A_2, %dma_wait3A_65] : memref<131072x128xf32, #tpu.memory_space<hbm>> -> memref<128x128xf32, #tpu.memory_space<hbm>>
        %dma_wait3A_67 = arith.constant 0 : i32
        %dma_wait3A_68 = tpu.memref_slice %arg4[%mul3A_2, %dma_wait3A_67] : memref<131072x128xf32, #tpu.memory_space<hbm>> -> memref<128x128xf32, #tpu.memory_space<hbm>>
        tpu.wait_dma2 semaphore(%arg10 : memref<!tpu.dma_semaphore, #tpu.memory_space<semaphore_mem>>) src(%arg6 : memref<128x128xf32, #tpu.memory_space<vmem>>) dst(%dma_wait3A_68 : memref<128x128xf32, #tpu.memory_space<hbm>>)
      } else {
      }
      %mul3A_26 = arith.constant 128 : i32
      %mul3A_27 = arith.muli %mul3A_19, %mul3A_26 : i32
      %dma_start3A = tpu.memref_slice %arg5[%mul3A_27] : memref<4096xi32, #tpu.memory_space<vmem>> -> memref<128xi32, #tpu.memory_space<vmem>>
      %dma_start3A_28 = arith.constant 0 : i32
      %dma_start3A_29 = arith.constant 0 : i32
      %dma_start3A_30 = tpu.memref_slice %arg2[%dma_start3A_28, %dma_start3A_29] : memref<8192x128xf32, #tpu.memory_space<hbm>> -> memref<8192x128xf32, #tpu.memory_space<hbm>>
      tpu.enqueue_indirect_dma source(%dma_start3A_30 : memref<8192x128xf32, #tpu.memory_space<hbm>>) target(%arg6 : memref<128x128xf32, #tpu.memory_space<vmem>>) offsets(%dma_start3A : memref<128xi32, #tpu.memory_space<vmem>>) semaphore(%arg8 : memref<!tpu.dma_semaphore, #tpu.memory_space<semaphore_mem>>)
      %gt3A_31 = arith.constant 0 : i32
      %gt3A_32 = arith.cmpi sgt, %scan3A_16, %gt3A_31 : i32
      %convert_element_type3A_33 = arith.extui %gt3A_32 : i1 to i32
      %cond3A_34 = arith.constant 0 : i32
      %cond3A_35 = arith.cmpi ne, %convert_element_type3A_33, %cond3A_34 : i32
      scf.if %cond3A_35 {
        %dma_wait3A_65 = arith.constant 0 : i32
        %dma_wait3A_66 = tpu.memref_slice %arg4[%mul3A_2, %dma_wait3A_65] : memref<131072x128xf32, #tpu.memory_space<hbm>> -> memref<128x128xf32, #tpu.memory_space<hbm>>
        %dma_wait3A_67 = arith.constant 0 : i32
        %dma_wait3A_68 = tpu.memref_slice %arg4[%mul3A_2, %dma_wait3A_67] : memref<131072x128xf32, #tpu.memory_space<hbm>> -> memref<128x128xf32, #tpu.memory_space<hbm>>
        tpu.wait_dma2 semaphore(%arg11 : memref<!tpu.dma_semaphore, #tpu.memory_space<semaphore_mem>>) src(%arg7 : memref<128x128xf32, #tpu.memory_space<vmem>>) dst(%dma_wait3A_68 : memref<128x128xf32, #tpu.memory_space<hbm>>)
      } else {
      }
      %mul3A_36 = arith.constant 128 : i32
      %mul3A_37 = arith.muli %add3A_23, %mul3A_36 : i32
      %dma_start3A_38 = tpu.memref_slice %arg5[%mul3A_37] : memref<4096xi32, #tpu.memory_space<vmem>> -> memref<128xi32, #tpu.memory_space<vmem>>
      %dma_start3A_39 = arith.constant 0 : i32
      %dma_start3A_40 = arith.constant 0 : i32
      %dma_start3A_41 = tpu.memref_slice %arg2[%dma_start3A_39, %dma_start3A_40] : memref<8192x128xf32, #tpu.memory_space<hbm>> -> memref<8192x128xf32, #tpu.memory_space<hbm>>
      tpu.enqueue_indirect_dma source(%dma_start3A_41 : memref<8192x128xf32, #tpu.memory_space<hbm>>) target(%arg7 : memref<128x128xf32, #tpu.memory_space<vmem>>) offsets(%dma_start3A_38 : memref<128xi32, #tpu.memory_space<vmem>>) semaphore(%arg9 : memref<!tpu.dma_semaphore, #tpu.memory_space<semaphore_mem>>)
      %dma_wait3A_42 = tpu.memref_slice %arg5[%mul3A_27] : memref<4096xi32, #tpu.memory_space<vmem>> -> memref<128xi32, #tpu.memory_space<vmem>>
      %dma_wait3A_43 = arith.constant 0 : i32
      %dma_wait3A_44 = arith.constant 0 : i32
      %dma_wait3A_45 = tpu.memref_slice %arg2[%dma_wait3A_43, %dma_wait3A_44] : memref<8192x128xf32, #tpu.memory_space<hbm>> -> memref<8192x128xf32, #tpu.memory_space<hbm>>
      tpu.wait_indirect_dma semaphore(%arg8 : memref<!tpu.dma_semaphore, #tpu.memory_space<semaphore_mem>>) src(%dma_wait3A_45 : memref<8192x128xf32, #tpu.memory_space<hbm>>) dst(%arg6 : memref<128x128xf32, #tpu.memory_space<vmem>>)
      %mul3A_46 = arith.constant 128 : i32
      %mul3A_47 = arith.muli %mul3A_19, %mul3A_46 : i32
      %add3A_48 = arith.addi %mul3A_2, %mul3A_47 : i32
      %dma_start3A_49 = arith.constant 0 : i32
      %dma_start3A_50 = tpu.memref_slice %arg4[%add3A_48, %dma_start3A_49] : memref<131072x128xf32, #tpu.memory_space<hbm>> -> memref<128x128xf32, #tpu.memory_space<hbm>>
      %dma_start3A_51 = arith.constant 0 : i32
      %dma_start3A_52 = tpu.memref_slice %arg4[%add3A_48, %dma_start3A_51] : memref<131072x128xf32, #tpu.memory_space<hbm>> -> memref<128x128xf32, #tpu.memory_space<hbm>>
      tpu.enqueue_dma source(%arg6 : memref<128x128xf32, #tpu.memory_space<vmem>>) target(%dma_start3A_52 : memref<128x128xf32, #tpu.memory_space<hbm>>) target_semaphore(%arg10 : memref<!tpu.dma_semaphore, #tpu.memory_space<semaphore_mem>>)
      %dma_wait3A_53 = tpu.memref_slice %arg5[%mul3A_37] : memref<4096xi32, #tpu.memory_space<vmem>> -> memref<128xi32, #tpu.memory_space<vmem>>
      %dma_wait3A_54 = arith.constant 0 : i32
      %dma_wait3A_55 = arith.constant 0 : i32
      %dma_wait3A_56 = tpu.memref_slice %arg2[%dma_wait3A_54, %dma_wait3A_55] : memref<8192x128xf32, #tpu.memory_space<hbm>> -> memref<8192x128xf32, #tpu.memory_space<hbm>>
      tpu.wait_indirect_dma semaphore(%arg9 : memref<!tpu.dma_semaphore, #tpu.memory_space<semaphore_mem>>) src(%dma_wait3A_56 : memref<8192x128xf32, #tpu.memory_space<hbm>>) dst(%arg7 : memref<128x128xf32, #tpu.memory_space<vmem>>)
      %mul3A_57 = arith.constant 128 : i32
      %mul3A_58 = arith.muli %add3A_23, %mul3A_57 : i32
      %add3A_59 = arith.addi %mul3A_2, %mul3A_58 : i32
      %dma_start3A_60 = arith.constant 0 : i32
      %dma_start3A_61 = tpu.memref_slice %arg4[%add3A_59, %dma_start3A_60] : memref<131072x128xf32, #tpu.memory_space<hbm>> -> memref<128x128xf32, #tpu.memory_space<hbm>>
      %dma_start3A_62 = arith.constant 0 : i32
      %dma_start3A_63 = tpu.memref_slice %arg4[%add3A_59, %dma_start3A_62] : memref<131072x128xf32, #tpu.memory_space<hbm>> -> memref<128x128xf32, #tpu.memory_space<hbm>>
      tpu.enqueue_dma source(%arg7 : memref<128x128xf32, #tpu.memory_space<vmem>>) target(%dma_start3A_63 : memref<128x128xf32, #tpu.memory_space<hbm>>) target_semaphore(%arg11 : memref<!tpu.dma_semaphore, #tpu.memory_space<semaphore_mem>>)
      %scan3A_64 = arith.constant 0 : i32
      scf.yield %scan3A_64 : i32
    }
    %scan3A_8 = arith.constant 16 : i32
    %dma_wait3A = arith.constant 0 : i32
    %dma_wait3A_9 = tpu.memref_slice %arg4[%mul3A_2, %dma_wait3A] : memref<131072x128xf32, #tpu.memory_space<hbm>> -> memref<128x128xf32, #tpu.memory_space<hbm>>
    %dma_wait3A_10 = arith.constant 0 : i32
    %dma_wait3A_11 = tpu.memref_slice %arg4[%mul3A_2, %dma_wait3A_10] : memref<131072x128xf32, #tpu.memory_space<hbm>> -> memref<128x128xf32, #tpu.memory_space<hbm>>
    tpu.wait_dma2 semaphore(%arg10 : memref<!tpu.dma_semaphore, #tpu.memory_space<semaphore_mem>>) src(%arg6 : memref<128x128xf32, #tpu.memory_space<vmem>>) dst(%dma_wait3A_11 : memref<128x128xf32, #tpu.memory_space<hbm>>)
    %dma_wait3A_12 = arith.constant 0 : i32
    %dma_wait3A_13 = tpu.memref_slice %arg4[%mul3A_2, %dma_wait3A_12] : memref<131072x128xf32, #tpu.memory_space<hbm>> -> memref<128x128xf32, #tpu.memory_space<hbm>>
    %dma_wait3A_14 = arith.constant 0 : i32
    %dma_wait3A_15 = tpu.memref_slice %arg4[%mul3A_2, %dma_wait3A_14] : memref<131072x128xf32, #tpu.memory_space<hbm>> -> memref<128x128xf32, #tpu.memory_space<hbm>>
    tpu.wait_dma2 semaphore(%arg11 : memref<!tpu.dma_semaphore, #tpu.memory_space<semaphore_mem>>) src(%arg7 : memref<128x128xf32, #tpu.memory_space<vmem>>) dst(%dma_wait3A_15 : memref<128x128xf32, #tpu.memory_space<hbm>>)
    return
  }
}

#map = affine_map<(d0, d1) -> (0, 0)>
#map1 = affine_map<(d0, d1) -> (0)>
module attributes {stable_mosaic.version = 14 : i64} {
  func.func @gk(%arg0: i32, %arg1: i32, %arg2: memref<8192x128xf32, #tpu.memory_space<hbm>>, %arg3: memref<131072xi32, #tpu.memory_space<hbm>>, %arg4: memref<131072x128xf32, #tpu.memory_space<hbm>>, %arg5: memref<4096xi32, #tpu.memory_space<vmem>>, %arg6: memref<128x128xf32, #tpu.memory_space<vmem>>, %arg7: memref<128x128xf32, #tpu.memory_space<vmem>>, %arg8: memref<!tpu.dma_semaphore, #tpu.memory_space<semaphore_mem>>, %arg9: memref<!tpu.dma_semaphore, #tpu.memory_space<semaphore_mem>>, %arg10: memref<!tpu.dma_semaphore, #tpu.memory_space<semaphore_mem>>, %arg11: memref<!tpu.dma_semaphore, #tpu.memory_space<semaphore_mem>>) attributes {dimension_semantics = [#tpu.dimension_semantics<core_parallel>, #tpu.dimension_semantics<subcore_parallel>], iteration_bounds = array<i64: 2, 16>, scalar_prefetch = 0 : i64, scratch_operands = 7 : i64, tpu.core_type = #tpu.core_type<sc_vector_subcore>, window_params = [{transform_indices = #map}, {transform_indices = #map1}, {transform_indices = #map}]} {
    %mul3A = arith.constant 2 : i32
    %mul3A_0 = arith.muli %arg1, %mul3A : i32
    %add3A = arith.addi %mul3A_0, %arg0 : i32
    %mul3A_1 = arith.constant 4096 : i32
    %mul3A_2 = arith.muli %add3A, %mul3A_1 : i32
    "tpu.region"() ({
      %run_scoped3A = tpu.sem_alloc : memref<!tpu.dma_semaphore, #tpu.memory_space<semaphore_mem>>
      %dma_start3A = tpu.memref_slice %arg3[%mul3A_2] : memref<131072xi32, #tpu.memory_space<hbm>> -> memref<4096xi32, #tpu.memory_space<hbm>>
      %dma_start3A_16 = tpu.memref_slice %arg3[%mul3A_2] : memref<131072xi32, #tpu.memory_space<hbm>> -> memref<4096xi32, #tpu.memory_space<hbm>>
      tpu.enqueue_dma source(%dma_start3A_16 : memref<4096xi32, #tpu.memory_space<hbm>>) target(%arg5 : memref<4096xi32, #tpu.memory_space<vmem>>) target_semaphore(%run_scoped3A : memref<!tpu.dma_semaphore, #tpu.memory_space<semaphore_mem>>)
      %dma_wait3A_17 = tpu.memref_slice %arg3[%mul3A_2] : memref<131072xi32, #tpu.memory_space<hbm>> -> memref<4096xi32, #tpu.memory_space<hbm>>
      %dma_wait3A_18 = tpu.memref_slice %arg3[%mul3A_2] : memref<131072xi32, #tpu.memory_space<hbm>> -> memref<4096xi32, #tpu.memory_space<hbm>>
      tpu.wait_dma2 semaphore(%run_scoped3A : memref<!tpu.dma_semaphore, #tpu.memory_space<semaphore_mem>>) src(%dma_wait3A_18 : memref<4096xi32, #tpu.memory_space<hbm>>) dst(%arg5 : memref<4096xi32, #tpu.memory_space<vmem>>)
      tpu.yield
    }) : () -> ()
    %scan3A = arith.constant 0 : i32
    %scan3A_3 = arith.constant 0 : i32
    %scan3A_4 = arith.constant 16 : i32
    %scan3A_5 = arith.addi %scan3A_3, %scan3A_4 : i32
    %scan3A_6 = arith.constant 1 : i32
    %scan3A_7 = scf.for %scan3A_16 = %scan3A_3 to %scan3A_5 step %scan3A_6 iter_args(%scan3A_17 = %scan3A) -> (i32)  : i32 {
      %mul3A_18 = arith.constant 2 : i32
      %mul3A_19 = arith.muli %mul3A_18, %scan3A_16 : i32
      %mul3A_20 = arith.constant 2 : i32
      %mul3A_21 = arith.muli %mul3A_20, %scan3A_16 : i32
      %add3A_22 = arith.constant 1 : i32
      %add3A_23 = arith.addi %mul3A_21, %add3A_22 : i32
      %gt3A = arith.constant 0 : i32
      %gt3A_24 = arith.cmpi sgt, %scan3A_16, %gt3A : i32
      %convert_element_type3A = arith.extui %gt3A_24 : i1 to i32
      %cond3A = arith.constant 0 : i32
      %cond3A_25 = arith.cmpi ne, %convert_element_type3A, %cond3A : i32
      scf.if %cond3A_25 {
        %dma_wait3A_65 = arith.constant 0 : i32
        %dma_wait3A_66 = tpu.memref_slice %arg4[%mul3A_2, %dma_wait3A_65] : memref<131072x128xf32, #tpu.memory_space<hbm>> -> memref<128x128xf32, #tpu.memory_space<hbm>>
        %dma_wait3A_67 = arith.constant 0 : i32
        %dma_wait3A_68 = tpu.memref_slice %arg4[%mul3A_2, %dma_wait3A_67] : memref<131072x128xf32, #tpu.memory_space<hbm>> -> memref<128x128xf32, #tpu.memory_space<hbm>>
        tpu.wait_dma2 semaphore(%arg10 : memref<!tpu.dma_semaphore, #tpu.memory_space<semaphore_mem>>) src(%arg6 : memref<128x128xf32, #tpu.memory_space<vmem>>) dst(%dma_wait3A_68 : memref<128x128xf32, #tpu.memory_space<hbm>>)
      } else {
      }
      %mul3A_26 = arith.constant 128 : i32
      %mul3A_27 = arith.muli %mul3A_19, %mul3A_26 : i32
      %dma_start3A = tpu.memref_slice %arg5[%mul3A_27] : memref<4096xi32, #tpu.memory_space<vmem>> -> memref<128xi32, #tpu.memory_space<vmem>>
      %dma_start3A_28 = arith.constant 0 : i32
      %dma_start3A_29 = arith.constant 0 : i32
      %dma_start3A_30 = tpu.memref_slice %arg2[%dma_start3A_28, %dma_start3A_29] : memref<8192x128xf32, #tpu.memory_space<hbm>> -> memref<8192x128xf32, #tpu.memory_space<hbm>>
      tpu.enqueue_indirect_dma source(%dma_start3A_30 : memref<8192x128xf32, #tpu.memory_space<hbm>>) target(%arg6 : memref<128x128xf32, #tpu.memory_space<vmem>>) offsets(%dma_start3A : memref<128xi32, #tpu.memory_space<vmem>>) semaphore(%arg8 : memref<!tpu.dma_semaphore, #tpu.memory_space<semaphore_mem>>)
      %gt3A_31 = arith.constant 0 : i32
      %gt3A_32 = arith.cmpi sgt, %scan3A_16, %gt3A_31 : i32
      %convert_element_type3A_33 = arith.extui %gt3A_32 : i1 to i32
      %cond3A_34 = arith.constant 0 : i32
      %cond3A_35 = arith.cmpi ne, %convert_element_type3A_33, %cond3A_34 : i32
      scf.if %cond3A_35 {
        %dma_wait3A_65 = arith.constant 0 : i32
        %dma_wait3A_66 = tpu.memref_slice %arg4[%mul3A_2, %dma_wait3A_65] : memref<131072x128xf32, #tpu.memory_space<hbm>> -> memref<128x128xf32, #tpu.memory_space<hbm>>
        %dma_wait3A_67 = arith.constant 0 : i32
        %dma_wait3A_68 = tpu.memref_slice %arg4[%mul3A_2, %dma_wait3A_67] : memref<131072x128xf32, #tpu.memory_space<hbm>> -> memref<128x128xf32, #tpu.memory_space<hbm>>
        tpu.wait_dma2 semaphore(%arg11 : memref<!tpu.dma_semaphore, #tpu.memory_space<semaphore_mem>>) src(%arg7 : memref<128x128xf32, #tpu.memory_space<vmem>>) dst(%dma_wait3A_68 : memref<128x128xf32, #tpu.memory_space<hbm>>)
      } else {
      }
      %mul3A_36 = arith.constant 128 : i32
      %mul3A_37 = arith.muli %add3A_23, %mul3A_36 : i32
      %dma_start3A_38 = tpu.memref_slice %arg5[%mul3A_37] : memref<4096xi32, #tpu.memory_space<vmem>> -> memref<128xi32, #tpu.memory_space<vmem>>
      %dma_start3A_39 = arith.constant 0 : i32
      %dma_start3A_40 = arith.constant 0 : i32
      %dma_start3A_41 = tpu.memref_slice %arg2[%dma_start3A_39, %dma_start3A_40] : memref<8192x128xf32, #tpu.memory_space<hbm>> -> memref<8192x128xf32, #tpu.memory_space<hbm>>
      tpu.enqueue_indirect_dma source(%dma_start3A_41 : memref<8192x128xf32, #tpu.memory_space<hbm>>) target(%arg7 : memref<128x128xf32, #tpu.memory_space<vmem>>) offsets(%dma_start3A_38 : memref<128xi32, #tpu.memory_space<vmem>>) semaphore(%arg9 : memref<!tpu.dma_semaphore, #tpu.memory_space<semaphore_mem>>)
      %dma_wait3A_42 = tpu.memref_slice %arg5[%mul3A_27] : memref<4096xi32, #tpu.memory_space<vmem>> -> memref<128xi32, #tpu.memory_space<vmem>>
      %dma_wait3A_43 = arith.constant 0 : i32
      %dma_wait3A_44 = arith.constant 0 : i32
      %dma_wait3A_45 = tpu.memref_slice %arg2[%dma_wait3A_43, %dma_wait3A_44] : memref<8192x128xf32, #tpu.memory_space<hbm>> -> memref<8192x128xf32, #tpu.memory_space<hbm>>
      tpu.wait_indirect_dma semaphore(%arg8 : memref<!tpu.dma_semaphore, #tpu.memory_space<semaphore_mem>>) src(%dma_wait3A_45 : memref<8192x128xf32, #tpu.memory_space<hbm>>) dst(%arg6 : memref<128x128xf32, #tpu.memory_space<vmem>>)
      %mul3A_46 = arith.constant 128 : i32
      %mul3A_47 = arith.muli %mul3A_19, %mul3A_46 : i32
      %add3A_48 = arith.addi %mul3A_2, %mul3A_47 : i32
      %dma_start3A_49 = arith.constant 0 : i32
      %dma_start3A_50 = tpu.memref_slice %arg4[%add3A_48, %dma_start3A_49] : memref<131072x128xf32, #tpu.memory_space<hbm>> -> memref<128x128xf32, #tpu.memory_space<hbm>>
      %dma_start3A_51 = arith.constant 0 : i32
      %dma_start3A_52 = tpu.memref_slice %arg4[%add3A_48, %dma_start3A_51] : memref<131072x128xf32, #tpu.memory_space<hbm>> -> memref<128x128xf32, #tpu.memory_space<hbm>>
      tpu.enqueue_dma source(%arg6 : memref<128x128xf32, #tpu.memory_space<vmem>>) target(%dma_start3A_52 : memref<128x128xf32, #tpu.memory_space<hbm>>) target_semaphore(%arg10 : memref<!tpu.dma_semaphore, #tpu.memory_space<semaphore_mem>>)
      %dma_wait3A_53 = tpu.memref_slice %arg5[%mul3A_37] : memref<4096xi32, #tpu.memory_space<vmem>> -> memref<128xi32, #tpu.memory_space<vmem>>
      %dma_wait3A_54 = arith.constant 0 : i32
      %dma_wait3A_55 = arith.constant 0 : i32
      %dma_wait3A_56 = tpu.memref_slice %arg2[%dma_wait3A_54, %dma_wait3A_55] : memref<8192x128xf32, #tpu.memory_space<hbm>> -> memref<8192x128xf32, #tpu.memory_space<hbm>>
      tpu.wait_indirect_dma semaphore(%arg9 : memref<!tpu.dma_semaphore, #tpu.memory_space<semaphore_mem>>) src(%dma_wait3A_56 : memref<8192x128xf32, #tpu.memory_space<hbm>>) dst(%arg7 : memref<128x128xf32, #tpu.memory_space<vmem>>)
      %mul3A_57 = arith.constant 128 : i32
      %mul3A_58 = arith.muli %add3A_23, %mul3A_57 : i32
      %add3A_59 = arith.addi %mul3A_2, %mul3A_58 : i32
      %dma_start3A_60 = arith.constant 0 : i32
      %dma_start3A_61 = tpu.memref_slice %arg4[%add3A_59, %dma_start3A_60] : memref<131072x128xf32, #tpu.memory_space<hbm>> -> memref<128x128xf32, #tpu.memory_space<hbm>>
      %dma_start3A_62 = arith.constant 0 : i32
      %dma_start3A_63 = tpu.memref_slice %arg4[%add3A_59, %dma_start3A_62] : memref<131072x128xf32, #tpu.memory_space<hbm>> -> memref<128x128xf32, #tpu.memory_space<hbm>>
      tpu.enqueue_dma source(%arg7 : memref<128x128xf32, #tpu.memory_space<vmem>>) target(%dma_start3A_63 : memref<128x128xf32, #tpu.memory_space<hbm>>) target_semaphore(%arg11 : memref<!tpu.dma_semaphore, #tpu.memory_space<semaphore_mem>>)
      %scan3A_64 = arith.constant 0 : i32
      scf.yield %scan3A_64 : i32
    }
    %scan3A_8 = arith.constant 16 : i32
    %dma_wait3A = arith.constant 0 : i32
    %dma_wait3A_9 = tpu.memref_slice %arg4[%mul3A_2, %dma_wait3A] : memref<131072x128xf32, #tpu.memory_space<hbm>> -> memref<128x128xf32, #tpu.memory_space<hbm>>
    %dma_wait3A_10 = arith.constant 0 : i32
    %dma_wait3A_11 = tpu.memref_slice %arg4[%mul3A_2, %dma_wait3A_10] : memref<131072x128xf32, #tpu.memory_space<hbm>> -> memref<128x128xf32, #tpu.memory_space<hbm>>
    tpu.wait_dma2 semaphore(%arg10 : memref<!tpu.dma_semaphore, #tpu.memory_space<semaphore_mem>>) src(%arg6 : memref<128x128xf32, #tpu.memory_space<vmem>>) dst(%dma_wait3A_11 : memref<128x128xf32, #tpu.memory_space<hbm>>)
    %dma_wait3A_12 = arith.constant 0 : i32
    %dma_wait3A_13 = tpu.memref_slice %arg4[%mul3A_2, %dma_wait3A_12] : memref<131072x128xf32, #tpu.memory_space<hbm>> -> memref<128x128xf32, #tpu.memory_space<hbm>>
    %dma_wait3A_14 = arith.constant 0 : i32
    %dma_wait3A_15 = tpu.memref_slice %arg4[%mul3A_2, %dma_wait3A_14] : memref<131072x128xf32, #tpu.memory_space<hbm>> -> memref<128x128xf32, #tpu.memory_space<hbm>>
    tpu.wait_dma2 semaphore(%arg11 : memref<!tpu.dma_semaphore, #tpu.memory_space<semaphore_mem>>) src(%arg7 : memref<128x128xf32, #tpu.memory_space<vmem>>) dst(%dma_wait3A_15 : memref<128x128xf32, #tpu.memory_space<hbm>>)
    return
  }
}

#map = affine_map<(d0, d1) -> (0, 0)>
#map1 = affine_map<(d0, d1) -> (0)>
module attributes {stable_mosaic.version = 14 : i64} {
  func.func @gk(%arg0: i32, %arg1: i32, %arg2: memref<8192x128xf32, #tpu.memory_space<hbm>>, %arg3: memref<131072xi32, #tpu.memory_space<hbm>>, %arg4: memref<131072x128xf32, #tpu.memory_space<hbm>>, %arg5: memref<4096xi32, #tpu.memory_space<vmem>>, %arg6: memref<128x128xf32, #tpu.memory_space<vmem>>, %arg7: memref<128x128xf32, #tpu.memory_space<vmem>>, %arg8: memref<!tpu.dma_semaphore, #tpu.memory_space<semaphore_mem>>, %arg9: memref<!tpu.dma_semaphore, #tpu.memory_space<semaphore_mem>>, %arg10: memref<!tpu.dma_semaphore, #tpu.memory_space<semaphore_mem>>, %arg11: memref<!tpu.dma_semaphore, #tpu.memory_space<semaphore_mem>>) attributes {dimension_semantics = [#tpu.dimension_semantics<core_parallel>, #tpu.dimension_semantics<subcore_parallel>], iteration_bounds = array<i64: 2, 16>, scalar_prefetch = 0 : i64, scratch_operands = 7 : i64, tpu.core_type = #tpu.core_type<sc_vector_subcore>, window_params = [{transform_indices = #map}, {transform_indices = #map1}, {transform_indices = #map}]} {
    %mul3A = arith.constant 2 : i32
    %mul3A_0 = arith.muli %arg1, %mul3A : i32
    %add3A = arith.addi %mul3A_0, %arg0 : i32
    %mul3A_1 = arith.constant 4096 : i32
    %mul3A_2 = arith.muli %add3A, %mul3A_1 : i32
    "tpu.region"() ({
      %run_scoped3A = tpu.sem_alloc : memref<!tpu.dma_semaphore, #tpu.memory_space<semaphore_mem>>
      %dma_start3A = tpu.memref_slice %arg3[%mul3A_2] : memref<131072xi32, #tpu.memory_space<hbm>> -> memref<4096xi32, #tpu.memory_space<hbm>>
      %dma_start3A_16 = tpu.memref_slice %arg3[%mul3A_2] : memref<131072xi32, #tpu.memory_space<hbm>> -> memref<4096xi32, #tpu.memory_space<hbm>>
      tpu.enqueue_dma source(%dma_start3A_16 : memref<4096xi32, #tpu.memory_space<hbm>>) target(%arg5 : memref<4096xi32, #tpu.memory_space<vmem>>) target_semaphore(%run_scoped3A : memref<!tpu.dma_semaphore, #tpu.memory_space<semaphore_mem>>)
      %dma_wait3A_17 = tpu.memref_slice %arg3[%mul3A_2] : memref<131072xi32, #tpu.memory_space<hbm>> -> memref<4096xi32, #tpu.memory_space<hbm>>
      %dma_wait3A_18 = tpu.memref_slice %arg3[%mul3A_2] : memref<131072xi32, #tpu.memory_space<hbm>> -> memref<4096xi32, #tpu.memory_space<hbm>>
      tpu.wait_dma2 semaphore(%run_scoped3A : memref<!tpu.dma_semaphore, #tpu.memory_space<semaphore_mem>>) src(%dma_wait3A_18 : memref<4096xi32, #tpu.memory_space<hbm>>) dst(%arg5 : memref<4096xi32, #tpu.memory_space<vmem>>)
      tpu.yield
    }) : () -> ()
    %scan3A = arith.constant 0 : i32
    %scan3A_3 = arith.constant 0 : i32
    %scan3A_4 = arith.constant 16 : i32
    %scan3A_5 = arith.addi %scan3A_3, %scan3A_4 : i32
    %scan3A_6 = arith.constant 1 : i32
    %scan3A_7 = scf.for %scan3A_16 = %scan3A_3 to %scan3A_5 step %scan3A_6 iter_args(%scan3A_17 = %scan3A) -> (i32)  : i32 {
      %mul3A_18 = arith.constant 2 : i32
      %mul3A_19 = arith.muli %mul3A_18, %scan3A_16 : i32
      %mul3A_20 = arith.constant 2 : i32
      %mul3A_21 = arith.muli %mul3A_20, %scan3A_16 : i32
      %add3A_22 = arith.constant 1 : i32
      %add3A_23 = arith.addi %mul3A_21, %add3A_22 : i32
      %gt3A = arith.constant 0 : i32
      %gt3A_24 = arith.cmpi sgt, %scan3A_16, %gt3A : i32
      %convert_element_type3A = arith.extui %gt3A_24 : i1 to i32
      %cond3A = arith.constant 0 : i32
      %cond3A_25 = arith.cmpi ne, %convert_element_type3A, %cond3A : i32
      scf.if %cond3A_25 {
        %dma_wait3A_65 = arith.constant 0 : i32
        %dma_wait3A_66 = tpu.memref_slice %arg4[%mul3A_2, %dma_wait3A_65] : memref<131072x128xf32, #tpu.memory_space<hbm>> -> memref<128x128xf32, #tpu.memory_space<hbm>>
        %dma_wait3A_67 = arith.constant 0 : i32
        %dma_wait3A_68 = tpu.memref_slice %arg4[%mul3A_2, %dma_wait3A_67] : memref<131072x128xf32, #tpu.memory_space<hbm>> -> memref<128x128xf32, #tpu.memory_space<hbm>>
        tpu.wait_dma2 semaphore(%arg10 : memref<!tpu.dma_semaphore, #tpu.memory_space<semaphore_mem>>) src(%arg6 : memref<128x128xf32, #tpu.memory_space<vmem>>) dst(%dma_wait3A_68 : memref<128x128xf32, #tpu.memory_space<hbm>>)
      } else {
      }
      %mul3A_26 = arith.constant 128 : i32
      %mul3A_27 = arith.muli %mul3A_19, %mul3A_26 : i32
      %dma_start3A = tpu.memref_slice %arg5[%mul3A_27] : memref<4096xi32, #tpu.memory_space<vmem>> -> memref<128xi32, #tpu.memory_space<vmem>>
      %dma_start3A_28 = arith.constant 0 : i32
      %dma_start3A_29 = arith.constant 0 : i32
      %dma_start3A_30 = tpu.memref_slice %arg2[%dma_start3A_28, %dma_start3A_29] : memref<8192x128xf32, #tpu.memory_space<hbm>> -> memref<8192x128xf32, #tpu.memory_space<hbm>>
      tpu.enqueue_indirect_dma source(%dma_start3A_30 : memref<8192x128xf32, #tpu.memory_space<hbm>>) target(%arg6 : memref<128x128xf32, #tpu.memory_space<vmem>>) offsets(%dma_start3A : memref<128xi32, #tpu.memory_space<vmem>>) semaphore(%arg8 : memref<!tpu.dma_semaphore, #tpu.memory_space<semaphore_mem>>)
      %gt3A_31 = arith.constant 0 : i32
      %gt3A_32 = arith.cmpi sgt, %scan3A_16, %gt3A_31 : i32
      %convert_element_type3A_33 = arith.extui %gt3A_32 : i1 to i32
      %cond3A_34 = arith.constant 0 : i32
      %cond3A_35 = arith.cmpi ne, %convert_element_type3A_33, %cond3A_34 : i32
      scf.if %cond3A_35 {
        %dma_wait3A_65 = arith.constant 0 : i32
        %dma_wait3A_66 = tpu.memref_slice %arg4[%mul3A_2, %dma_wait3A_65] : memref<131072x128xf32, #tpu.memory_space<hbm>> -> memref<128x128xf32, #tpu.memory_space<hbm>>
        %dma_wait3A_67 = arith.constant 0 : i32
        %dma_wait3A_68 = tpu.memref_slice %arg4[%mul3A_2, %dma_wait3A_67] : memref<131072x128xf32, #tpu.memory_space<hbm>> -> memref<128x128xf32, #tpu.memory_space<hbm>>
        tpu.wait_dma2 semaphore(%arg11 : memref<!tpu.dma_semaphore, #tpu.memory_space<semaphore_mem>>) src(%arg7 : memref<128x128xf32, #tpu.memory_space<vmem>>) dst(%dma_wait3A_68 : memref<128x128xf32, #tpu.memory_space<hbm>>)
      } else {
      }
      %mul3A_36 = arith.constant 128 : i32
      %mul3A_37 = arith.muli %add3A_23, %mul3A_36 : i32
      %dma_start3A_38 = tpu.memref_slice %arg5[%mul3A_37] : memref<4096xi32, #tpu.memory_space<vmem>> -> memref<128xi32, #tpu.memory_space<vmem>>
      %dma_start3A_39 = arith.constant 0 : i32
      %dma_start3A_40 = arith.constant 0 : i32
      %dma_start3A_41 = tpu.memref_slice %arg2[%dma_start3A_39, %dma_start3A_40] : memref<8192x128xf32, #tpu.memory_space<hbm>> -> memref<8192x128xf32, #tpu.memory_space<hbm>>
      tpu.enqueue_indirect_dma source(%dma_start3A_41 : memref<8192x128xf32, #tpu.memory_space<hbm>>) target(%arg7 : memref<128x128xf32, #tpu.memory_space<vmem>>) offsets(%dma_start3A_38 : memref<128xi32, #tpu.memory_space<vmem>>) semaphore(%arg9 : memref<!tpu.dma_semaphore, #tpu.memory_space<semaphore_mem>>)
      %dma_wait3A_42 = tpu.memref_slice %arg5[%mul3A_27] : memref<4096xi32, #tpu.memory_space<vmem>> -> memref<128xi32, #tpu.memory_space<vmem>>
      %dma_wait3A_43 = arith.constant 0 : i32
      %dma_wait3A_44 = arith.constant 0 : i32
      %dma_wait3A_45 = tpu.memref_slice %arg2[%dma_wait3A_43, %dma_wait3A_44] : memref<8192x128xf32, #tpu.memory_space<hbm>> -> memref<8192x128xf32, #tpu.memory_space<hbm>>
      tpu.wait_indirect_dma semaphore(%arg8 : memref<!tpu.dma_semaphore, #tpu.memory_space<semaphore_mem>>) src(%dma_wait3A_45 : memref<8192x128xf32, #tpu.memory_space<hbm>>) dst(%arg6 : memref<128x128xf32, #tpu.memory_space<vmem>>)
      %mul3A_46 = arith.constant 128 : i32
      %mul3A_47 = arith.muli %mul3A_19, %mul3A_46 : i32
      %add3A_48 = arith.addi %mul3A_2, %mul3A_47 : i32
      %dma_start3A_49 = arith.constant 0 : i32
      %dma_start3A_50 = tpu.memref_slice %arg4[%add3A_48, %dma_start3A_49] : memref<131072x128xf32, #tpu.memory_space<hbm>> -> memref<128x128xf32, #tpu.memory_space<hbm>>
      %dma_start3A_51 = arith.constant 0 : i32
      %dma_start3A_52 = tpu.memref_slice %arg4[%add3A_48, %dma_start3A_51] : memref<131072x128xf32, #tpu.memory_space<hbm>> -> memref<128x128xf32, #tpu.memory_space<hbm>>
      tpu.enqueue_dma source(%arg6 : memref<128x128xf32, #tpu.memory_space<vmem>>) target(%dma_start3A_52 : memref<128x128xf32, #tpu.memory_space<hbm>>) target_semaphore(%arg10 : memref<!tpu.dma_semaphore, #tpu.memory_space<semaphore_mem>>)
      %dma_wait3A_53 = tpu.memref_slice %arg5[%mul3A_37] : memref<4096xi32, #tpu.memory_space<vmem>> -> memref<128xi32, #tpu.memory_space<vmem>>
      %dma_wait3A_54 = arith.constant 0 : i32
      %dma_wait3A_55 = arith.constant 0 : i32
      %dma_wait3A_56 = tpu.memref_slice %arg2[%dma_wait3A_54, %dma_wait3A_55] : memref<8192x128xf32, #tpu.memory_space<hbm>> -> memref<8192x128xf32, #tpu.memory_space<hbm>>
      tpu.wait_indirect_dma semaphore(%arg9 : memref<!tpu.dma_semaphore, #tpu.memory_space<semaphore_mem>>) src(%dma_wait3A_56 : memref<8192x128xf32, #tpu.memory_space<hbm>>) dst(%arg7 : memref<128x128xf32, #tpu.memory_space<vmem>>)
      %mul3A_57 = arith.constant 128 : i32
      %mul3A_58 = arith.muli %add3A_23, %mul3A_57 : i32
      %add3A_59 = arith.addi %mul3A_2, %mul3A_58 : i32
      %dma_start3A_60 = arith.constant 0 : i32
      %dma_start3A_61 = tpu.memref_slice %arg4[%add3A_59, %dma_start3A_60] : memref<131072x128xf32, #tpu.memory_space<hbm>> -> memref<128x128xf32, #tpu.memory_space<hbm>>
      %dma_start3A_62 = arith.constant 0 : i32
      %dma_start3A_63 = tpu.memref_slice %arg4[%add3A_59, %dma_start3A_62] : memref<131072x128xf32, #tpu.memory_space<hbm>> -> memref<128x128xf32, #tpu.memory_space<hbm>>
      tpu.enqueue_dma source(%arg7 : memref<128x128xf32, #tpu.memory_space<vmem>>) target(%dma_start3A_63 : memref<128x128xf32, #tpu.memory_space<hbm>>) target_semaphore(%arg11 : memref<!tpu.dma_semaphore, #tpu.memory_space<semaphore_mem>>)
      %scan3A_64 = arith.constant 0 : i32
      scf.yield %scan3A_64 : i32
    }
    %scan3A_8 = arith.constant 16 : i32
    %dma_wait3A = arith.constant 0 : i32
    %dma_wait3A_9 = tpu.memref_slice %arg4[%mul3A_2, %dma_wait3A] : memref<131072x128xf32, #tpu.memory_space<hbm>> -> memref<128x128xf32, #tpu.memory_space<hbm>>
    %dma_wait3A_10 = arith.constant 0 : i32
    %dma_wait3A_11 = tpu.memref_slice %arg4[%mul3A_2, %dma_wait3A_10] : memref<131072x128xf32, #tpu.memory_space<hbm>> -> memref<128x128xf32, #tpu.memory_space<hbm>>
    tpu.wait_dma2 semaphore(%arg10 : memref<!tpu.dma_semaphore, #tpu.memory_space<semaphore_mem>>) src(%arg6 : memref<128x128xf32, #tpu.memory_space<vmem>>) dst(%dma_wait3A_11 : memref<128x128xf32, #tpu.memory_space<hbm>>)
    %dma_wait3A_12 = arith.constant 0 : i32
    %dma_wait3A_13 = tpu.memref_slice %arg4[%mul3A_2, %dma_wait3A_12] : memref<131072x128xf32, #tpu.memory_space<hbm>> -> memref<128x128xf32, #tpu.memory_space<hbm>>
    %dma_wait3A_14 = arith.constant 0 : i32
    %dma_wait3A_15 = tpu.memref_slice %arg4[%mul3A_2, %dma_wait3A_14] : memref<131072x128xf32, #tpu.memory_space<hbm>> -> memref<128x128xf32, #tpu.memory_space<hbm>>
    tpu.wait_dma2 semaphore(%arg11 : memref<!tpu.dma_semaphore, #tpu.memory_space<semaphore_mem>>) src(%arg7 : memref<128x128xf32, #tpu.memory_space<vmem>>) dst(%dma_wait3A_15 : memref<128x128xf32, #tpu.memory_space<hbm>>)
    return
  }
}

module attributes {stable_mosaic.version = 14 : i64} {
  func.func @_align_body(%arg0: i32, %arg1: memref<1024x3xf32, #tpu.memory_space<vmem>>, %arg2: memref<3x3xf32, #tpu.memory_space<vmem>>, %arg3: memref<1x3xf32, #tpu.memory_space<vmem>>, %arg4: memref<1024x3xf32, #tpu.memory_space<vmem>>) attributes {dimension_semantics = [#tpu.dimension_semantics<arbitrary>], iteration_bounds = array<i64: 8>, scalar_prefetch = 0 : i64, scratch_operands = 0 : i64, tpu.core_type = #tpu.core_type<tc>, window_params = [{transform_indices = @transform_0, window_bounds = array<i64: 1024, 3>}, {pipeline_mode = #tpu.pipeline_mode<synchronous>, transform_indices = @transform_1, window_bounds = array<i64: 3, 3>}, {pipeline_mode = #tpu.pipeline_mode<synchronous>, transform_indices = @transform_2, window_bounds = array<i64: 1, 3>}, {transform_indices = @transform_3, window_bounds = array<i64: 1024, 3>}]} {
    %get3A = arith.constant 0 : index
    %get3A_0 = arith.constant 0 : index
    %get3A_1 = vector.load %arg1[%get3A, %get3A_0] : memref<1024x3xf32, #tpu.memory_space<vmem>>, vector<1024x3xf32>
    %get3A_2 = arith.constant 0 : index
    %get3A_3 = arith.constant 0 : index
    %get3A_4 = vector.load %arg2[%get3A_2, %get3A_3] : memref<3x3xf32, #tpu.memory_space<vmem>>, vector<3x3xf32>
    %dot_general3A = arith.constant dense<0.000000e+00> : vector<1024x3xf32>
    %dot_general3A_5 = tpu.matmul %get3A_1, %get3A_4, %dot_general3A {dimension_numbers = #tpu.dot_dimension_numbers<[1], [0], [0], [1], [0, 0, 1, 1], [], []>, transpose_lhs_hint = false} : vector<1024x3xf32>, vector<3x3xf32>, vector<1024x3xf32> -> vector<1024x3xf32>
    %get3A_6 = arith.constant 0 : index
    %get3A_7 = arith.constant 0 : index
    %get3A_8 = vector.load %arg3[%get3A_6, %get3A_7] : memref<1x3xf32, #tpu.memory_space<vmem>>, vector<1x3xf32>
    %add3A = vector.broadcast %get3A_8 : vector<1x3xf32> to vector<1024x3xf32>
    %add3A_9 = arith.addf %dot_general3A_5, %add3A : vector<1024x3xf32>
    %swap3A = arith.constant 0 : index
    %swap3A_10 = arith.constant 0 : index
    %swap3A_11 = vector.load %arg4[%swap3A, %swap3A_10] : memref<1024x3xf32, #tpu.memory_space<vmem>>, vector<1024x3xf32>
    tpu.vector_store %arg4[%swap3A, %swap3A_10], %add3A_9 {strides = array<i32>} : memref<1024x3xf32, #tpu.memory_space<vmem>>, vector<1024x3xf32>,
    return
  }
  func.func @transform_0(%arg0: i32) -> (i32, i32) {
    %c0_i32 = arith.constant 0 : i32
    %c0_i32_0 = arith.constant 0 : i32
    return %arg0, %c0_i32 : i32, i32
  }
  func.func @transform_1(%arg0: i32) -> (i32, i32) {
    %c0_i32 = arith.constant 0 : i32
    %c0_i32_0 = arith.constant 0 : i32
    %c0_i32_1 = arith.constant 0 : i32
    return %c0_i32, %c0_i32_0 : i32, i32
  }
  func.func @transform_2(%arg0: i32) -> (i32, i32) {
    %c0_i32 = arith.constant 0 : i32
    %c0_i32_0 = arith.constant 0 : i32
    %c0_i32_1 = arith.constant 0 : i32
    return %c0_i32, %c0_i32_0 : i32, i32
  }
  func.func @transform_3(%arg0: i32) -> (i32, i32) {
    %c0_i32 = arith.constant 0 : i32
    %c0_i32_0 = arith.constant 0 : i32
    return %arg0, %c0_i32 : i32, i32
  }
}

module attributes {stable_mosaic.version = 14 : i64} {
  func.func @_knn_body(%arg0: i32, %arg1: memref<32xi32, #tpu.memory_space<smem>>, %arg2: memref<32xi32, #tpu.memory_space<smem>>, %arg3: memref<256x128xf32, #tpu.memory_space<vmem>>, %arg4: memref<128x8192xf32, #tpu.memory_space<vmem>>, %arg5: memref<256x1xf32, #tpu.memory_space<vmem>>, %arg6: memref<1x8192xf32, #tpu.memory_space<vmem>>, %arg7: memref<256x1xf32, #tpu.memory_space<vmem>>, %arg8: memref<1x8192xf32, #tpu.memory_space<vmem>>, %arg9: memref<256x16xi32, #tpu.memory_space<vmem>>) attributes {dimension_semantics = [#tpu.dimension_semantics<arbitrary>], iteration_bounds = array<i64: 32>, scalar_prefetch = 0 : i64, scratch_operands = 0 : i64, tpu.core_type = #tpu.core_type<tc>, window_params = [{transform_indices = @transform_0, window_bounds = array<i64: 32>}, {transform_indices = @transform_1, window_bounds = array<i64: 32>}, {transform_indices = @transform_2, window_bounds = array<i64: 256, 128>}, {pipeline_mode = #tpu.pipeline_mode<synchronous>, transform_indices = @transform_3, window_bounds = array<i64: 128, 8192>}, {transform_indices = @transform_4, window_bounds = array<i64: 256, 1>}, {pipeline_mode = #tpu.pipeline_mode<synchronous>, transform_indices = @transform_5, window_bounds = array<i64: 1, 8192>}, {transform_indices = @transform_6, window_bounds = array<i64: 256, 1>}, {pipeline_mode = #tpu.pipeline_mode<synchronous>, transform_indices = @transform_7, window_bounds = array<i64: 1, 8192>}, {transform_indices = @transform_8, window_bounds = array<i64: 256, 16>}]} {
    %get3A = arith.index_cast %arg0 : i32 to index
    %get3A_0 = memref.load %arg1[%get3A] : memref<32xi32, #tpu.memory_space<smem>>
    %get3A_1 = arith.index_cast %arg0 : i32 to index
    %get3A_2 = memref.load %arg2[%get3A_1] : memref<32xi32, #tpu.memory_space<smem>>
    %jit3A = arith.constant 512 : i32
    %div3A = arith.divsi %get3A_0, %jit3A : i32
    %sign3A = arith.constant 0 : i32
    %sign3A_3 = arith.cmpi sgt, %get3A_0, %sign3A : i32
    %sign3A_4 = arith.extui %sign3A_3 : i1 to i32
    %sign3A_5 = arith.constant 0 : i32
    %sign3A_6 = arith.cmpi slt, %get3A_0, %sign3A_5 : i32
    %sign3A_7 = arith.extui %sign3A_6 : i1 to i32
    %sign3A_8 = arith.subi %sign3A_4, %sign3A_7 : i32
    %sign3A_9 = arith.constant 0 : i32
    %sign3A_10 = arith.cmpi sgt, %jit3A, %sign3A_9 : i32
    %sign3A_11 = arith.extui %sign3A_10 : i1 to i32
    %sign3A_12 = arith.constant 0 : i32
    %sign3A_13 = arith.cmpi slt, %jit3A, %sign3A_12 : i32
    %sign3A_14 = arith.extui %sign3A_13 : i1 to i32
    %sign3A_15 = arith.subi %sign3A_11, %sign3A_14 : i32
    %ne3A = arith.cmpi ne, %sign3A_8, %sign3A_15 : i32
    %rem3A = arith.remsi %get3A_0, %jit3A : i32
    %ne3A_16 = arith.constant 0 : i32
    %ne3A_17 = arith.cmpi ne, %rem3A, %ne3A_16 : i32
    %and3A = arith.andi %ne3A, %ne3A_17 : i1
    %sub3A = arith.constant 1 : i32
    %sub3A_18 = arith.subi %div3A, %sub3A : i32
    %select_n3A = arith.select %and3A, %sub3A_18, %div3A : i32
    %add3A = arith.constant 512 : i32
    %add3A_19 = arith.addi %get3A_2, %add3A : i32
    %sub3A_20 = arith.constant 1 : i32
    %sub3A_21 = arith.subi %add3A_19, %sub3A_20 : i32
    %jit3A_22 = arith.constant 512 : i32
    %div3A_23 = arith.divsi %sub3A_21, %jit3A_22 : i32
    %sign3A_24 = arith.constant 0 : i32
    %sign3A_25 = arith.cmpi sgt, %sub3A_21, %sign3A_24 : i32
    %sign3A_26 = arith.extui %sign3A_25 : i1 to i32
    %sign3A_27 = arith.constant 0 : i32
    %sign3A_28 = arith.cmpi slt, %sub3A_21, %sign3A_27 : i32
    %sign3A_29 = arith.extui %sign3A_28 : i1 to i32
    %sign3A_30 = arith.subi %sign3A_26, %sign3A_29 : i32
    %sign3A_31 = arith.constant 0 : i32
    %sign3A_32 = arith.cmpi sgt, %jit3A_22, %sign3A_31 : i32
    %sign3A_33 = arith.extui %sign3A_32 : i1 to i32
    %sign3A_34 = arith.constant 0 : i32
    %sign3A_35 = arith.cmpi slt, %jit3A_22, %sign3A_34 : i32
    %sign3A_36 = arith.extui %sign3A_35 : i1 to i32
    %sign3A_37 = arith.subi %sign3A_33, %sign3A_36 : i32
    %ne3A_38 = arith.cmpi ne, %sign3A_30, %sign3A_37 : i32
    %rem3A_39 = arith.remsi %sub3A_21, %jit3A_22 : i32
    %ne3A_40 = arith.constant 0 : i32
    %ne3A_41 = arith.cmpi ne, %rem3A_39, %ne3A_40 : i32
    %and3A_42 = arith.andi %ne3A_38, %ne3A_41 : i1
    %sub3A_43 = arith.constant 1 : i32
    %sub3A_44 = arith.subi %div3A_23, %sub3A_43 : i32
    %select_n3A_45 = arith.select %and3A_42, %sub3A_44, %div3A_23 : i32
    %get3A_46 = arith.constant 0 : index
    %get3A_47 = arith.constant 0 : index
    %get3A_48 = vector.load %arg3[%get3A_46, %get3A_47] : memref<256x128xf32, #tpu.memory_space<vmem>>, vector<256x128xf32>
    %get3A_49 = arith.constant 0 : index
    %get3A_50 = arith.constant 0 : index
    %get3A_51 = vector.load %arg5[%get3A_49, %get3A_50] : memref<256x1xf32, #tpu.memory_space<vmem>>, vector<256x1xf32>
    %get3A_52 = arith.constant 0 : index
    %get3A_53 = arith.constant 0 : index
    %get3A_54 = vector.load %arg7[%get3A_52, %get3A_53] : memref<256x1xf32, #tpu.memory_space<vmem>>, vector<256x1xf32>
    %broadcast_in_dim3A = arith.constant 0x7F800000 : f32
    %broadcast_in_dim3A_55 = vector.broadcast %broadcast_in_dim3A : f32 to vector<256x16xf32>
    %broadcast_in_dim3A_56 = arith.constant 1073741824 : i32
    %broadcast_in_dim3A_57 = vector.broadcast %broadcast_in_dim3A_56 : i32 to vector<256x16xi32>
    %while3A = arith.subi %select_n3A_45, %select_n3A : i32
    %while3A_58 = arith.addi %select_n3A, %while3A : i32
    %while3A_59 = arith.constant 1 : i32
    %while3A_60 = arith.divsi %while3A, %while3A_59 : i32
    %while3A_61 = arith.muli %while3A_60, %while3A_59 : i32
    %while3A_62 = arith.addi %select_n3A, %while3A_61 : i32
    %while3A_63 = arith.constant 1 : i32
    %while3A_64:2 = scf.for %while3A_69 = %select_n3A to %while3A_62 step %while3A_63 iter_args(%while3A_70 = %broadcast_in_dim3A_55, %while3A_71 = %broadcast_in_dim3A_57) -> (vector<256x16xf32>, vector<256x16xi32>)  : i32 {
      %mul3A = arith.constant 512 : i32
      %mul3A_72 = arith.muli %while3A_69, %mul3A : i32
      %get3A_73 = arith.constant 0 : index
      %get3A_74 = arith.index_cast %mul3A_72 : i32 to index
      %get3A_75 = vector.load %arg4[%get3A_73, %get3A_74] : memref<128x8192xf32, #tpu.memory_space<vmem>>, vector<128x512xf32>
      %dot_general3A = arith.constant dense<0.000000e+00> : vector<256x512xf32>
      %dot_general3A_76 = tpu.matmul %get3A_48, %get3A_75, %dot_general3A {dimension_numbers = #tpu.dot_dimension_numbers<[1], [0], [0], [1], [0, 0, 1, 1], [], []>, transpose_lhs_hint = false} : vector<256x128xf32>, vector<128x512xf32>, vector<256x512xf32> -> vector<256x512xf32>
      %mul3A_77 = arith.constant 512 : i32
      %mul3A_78 = arith.muli %while3A_69, %mul3A_77 : i32
      %get3A_79 = arith.constant 0 : index
      %get3A_80 = arith.index_cast %mul3A_78 : i32 to index
      %get3A_81 = vector.load %arg6[%get3A_79, %get3A_80] : memref<1x8192xf32, #tpu.memory_space<vmem>>, vector<1x512xf32>
      %add3A_82 = vector.broadcast %get3A_51 : vector<256x1xf32> to vector<256x512xf32>
      %add3A_83 = vector.broadcast %get3A_81 : vector<1x512xf32> to vector<256x512xf32>
      %add3A_84 = arith.addf %add3A_82, %add3A_83 : vector<256x512xf32>
      %mul3A_85 = arith.constant 2.000000e+00 : f32
      %mul3A_86 = vector.broadcast %mul3A_85 : f32 to vector<256x512xf32>
      %mul3A_87 = arith.mulf %mul3A_86, %dot_general3A_76 : vector<256x512xf32>
      %sub3A_88 = arith.subf %add3A_84, %mul3A_87 : vector<256x512xf32>
      %mul3A_89 = arith.constant 512 : i32
      %mul3A_90 = arith.muli %while3A_69, %mul3A_89 : i32
      %get3A_91 = arith.constant 0 : index
      %get3A_92 = arith.index_cast %mul3A_90 : i32 to index
      %get3A_93 = vector.load %arg8[%get3A_91, %get3A_92] : memref<1x8192xf32, #tpu.memory_space<vmem>>, vector<1x512xf32>
      %eq3A = vector.broadcast %get3A_54 : vector<256x1xf32> to vector<256x512xf32>
      %eq3A_94 = vector.broadcast %get3A_93 : vector<1x512xf32> to vector<256x512xf32>
      %eq3A_95 = arith.cmpf oeq, %eq3A, %eq3A_94 : vector<256x512xf32>
      %jit3A_96 = arith.constant 0x7F800000 : f32
      %broadcast_in_dim3A_97 = vector.broadcast %jit3A_96 : f32 to vector<256x512xf32>
      %select_n3A_98 = arith.select %eq3A_95, %sub3A_88, %broadcast_in_dim3A_97 : vector<256x512xi1>, vector<256x512xf32>
      %concatenate3A = tpu.concatenate %while3A_70, %select_n3A_98 in 1 : vector<256x16xf32>, vector<256x512xf32> -> vector<256x528xf32>
      %mul3A_99 = arith.constant 512 : i32
      %mul3A_100 = arith.muli %while3A_69, %mul3A_99 : i32
      %iota3A = tpu.iota {dimensions = array<i32: 1>} : vector<256x512xi32>
      %add3A_101 = vector.broadcast %mul3A_100 : i32 to vector<256x512xi32>
      %add3A_102 = arith.addi %add3A_101, %iota3A : vector<256x512xi32>
      %concatenate3A_103 = tpu.concatenate %while3A_71, %add3A_102 in 1 : vector<256x16xi32>, vector<256x512xi32> -> vector<256x528xi32>
      %reduce_min3A = arith.constant dense<0x7F800000> : vector<256xf32>
      %reduce_min3A_104 = vector.multi_reduction <minimumf>, %concatenate3A, %reduce_min3A [1] : vector<256x528xf32> to vector<256xf32>
      %broadcast_in_dim3A_105 = vector.shape_cast %reduce_min3A_104 : vector<256xf32> to vector<256x1xf32>
      %eq3A_106 = vector.broadcast %broadcast_in_dim3A_105 : vector<256x1xf32> to vector<256x528xf32>
      %eq3A_107 = arith.cmpf oeq, %concatenate3A, %eq3A_106 : vector<256x528xf32>
      %jit3A_108 = arith.constant 1073741824 : i32
      %broadcast_in_dim3A_109 = vector.broadcast %jit3A_108 : i32 to vector<256x528xi32>
      %select_n3A_110 = arith.select %eq3A_107, %concatenate3A_103, %broadcast_in_dim3A_109 : vector<256x528xi1>, vector<256x528xi32>
      %reduce_min3A_111 = arith.constant dense<2147483647> : vector<256xi32>
      %reduce_min3A_112 = vector.multi_reduction <minsi>, %select_n3A_110, %reduce_min3A_111 [1] : vector<256x528xi32> to vector<256xi32>
      %broadcast_in_dim3A_113 = vector.shape_cast %reduce_min3A_112 : vector<256xi32> to vector<256x1xi32>
      %eq3A_114 = vector.broadcast %broadcast_in_dim3A_113 : vector<256x1xi32> to vector<256x528xi32>
      %eq3A_115 = arith.cmpi eq, %concatenate3A_103, %eq3A_114 : vector<256x528xi32>
      %jit3A_116 = arith.constant 0x7F800000 : f32
      %broadcast_in_dim3A_117 = vector.broadcast %jit3A_116 : f32 to vector<256x528xf32>
      %select_n3A_118 = arith.select %eq3A_115, %broadcast_in_dim3A_117, %concatenate3A : vector<256x528xi1>, vector<256x528xf32>
      %reduce_min3A_119 = arith.constant dense<0x7F800000> : vector<256xf32>
      %reduce_min3A_120 = vector.multi_reduction <minimumf>, %select_n3A_118, %reduce_min3A_119 [1] : vector<256x528xf32> to vector<256xf32>
      %broadcast_in_dim3A_121 = vector.shape_cast %reduce_min3A_120 : vector<256xf32> to vector<256x1xf32>
      %eq3A_122 = vector.broadcast %broadcast_in_dim3A_121 : vector<256x1xf32> to vector<256x528xf32>
      %eq3A_123 = arith.cmpf oeq, %select_n3A_118, %eq3A_122 : vector<256x528xf32>
      %jit3A_124 = arith.constant 1073741824 : i32
      %broadcast_in_dim3A_125 = vector.broadcast %jit3A_124 : i32 to vector<256x528xi32>
      %select_n3A_126 = arith.select %eq3A_123, %concatenate3A_103, %broadcast_in_dim3A_125 : vector<256x528xi1>, vector<256x528xi32>
      %reduce_min3A_127 = arith.constant dense<2147483647> : vector<256xi32>
      %reduce_min3A_128 = vector.multi_reduction <minsi>, %select_n3A_126, %reduce_min3A_127 [1] : vector<256x528xi32> to vector<256xi32>
      %broadcast_in_dim3A_129 = vector.shape_cast %reduce_min3A_128 : vector<256xi32> to vector<256x1xi32>
      %eq3A_130 = vector.broadcast %broadcast_in_dim3A_129 : vector<256x1xi32> to vector<256x528xi32>
      %eq3A_131 = arith.cmpi eq, %concatenate3A_103, %eq3A_130 : vector<256x528xi32>
      %jit3A_132 = arith.constant 0x7F800000 : f32
      %broadcast_in_dim3A_133 = vector.broadcast %jit3A_132 : f32 to vector<256x528xf32>
      %select_n3A_134 = arith.select %eq3A_131, %broadcast_in_dim3A_133, %select_n3A_118 : vector<256x528xi1>, vector<256x528xf32>
      %reduce_min3A_135 = arith.constant dense<0x7F800000> : vector<256xf32>
      %reduce_min3A_136 = vector.multi_reduction <minimumf>, %select_n3A_134, %reduce_min3A_135 [1] : vector<256x528xf32> to vector<256xf32>
      %broadcast_in_dim3A_137 = vector.shape_cast %reduce_min3A_136 : vector<256xf32> to vector<256x1xf32>
      %eq3A_138 = vector.broadcast %broadcast_in_dim3A_137 : vector<256x1xf32> to vector<256x528xf32>
      %eq3A_139 = arith.cmpf oeq, %select_n3A_134, %eq3A_138 : vector<256x528xf32>
      %jit3A_140 = arith.constant 1073741824 : i32
      %broadcast_in_dim3A_141 = vector.broadcast %jit3A_140 : i32 to vector<256x528xi32>
      %select_n3A_142 = arith.select %eq3A_139, %concatenate3A_103, %broadcast_in_dim3A_141 : vector<256x528xi1>, vector<256x528xi32>
      %reduce_min3A_143 = arith.constant dense<2147483647> : vector<256xi32>
      %reduce_min3A_144 = vector.multi_reduction <minsi>, %select_n3A_142, %reduce_min3A_143 [1] : vector<256x528xi32> to vector<256xi32>
      %broadcast_in_dim3A_145 = vector.shape_cast %reduce_min3A_144 : vector<256xi32> to vector<256x1xi32>
      %eq3A_146 = vector.broadcast %broadcast_in_dim3A_145 : vector<256x1xi32> to vector<256x528xi32>
      %eq3A_147 = arith.cmpi eq, %concatenate3A_103, %eq3A_146 : vector<256x528xi32>
      %jit3A_148 = arith.constant 0x7F800000 : f32
      %broadcast_in_dim3A_149 = vector.broadcast %jit3A_148 : f32 to vector<256x528xf32>
      %select_n3A_150 = arith.select %eq3A_147, %broadcast_in_dim3A_149, %select_n3A_134 : vector<256x528xi1>, vector<256x528xf32>
      %reduce_min3A_151 = arith.constant dense<0x7F800000> : vector<256xf32>
      %reduce_min3A_152 = vector.multi_reduction <minimumf>, %select_n3A_150, %reduce_min3A_151 [1] : vector<256x528xf32> to vector<256xf32>
      %broadcast_in_dim3A_153 = vector.shape_cast %reduce_min3A_152 : vector<256xf32> to vector<256x1xf32>
      %eq3A_154 = vector.broadcast %broadcast_in_dim3A_153 : vector<256x1xf32> to vector<256x528xf32>
      %eq3A_155 = arith.cmpf oeq, %select_n3A_150, %eq3A_154 : vector<256x528xf32>
      %jit3A_156 = arith.constant 1073741824 : i32
      %broadcast_in_dim3A_157 = vector.broadcast %jit3A_156 : i32 to vector<256x528xi32>
      %select_n3A_158 = arith.select %eq3A_155, %concatenate3A_103, %broadcast_in_dim3A_157 : vector<256x528xi1>, vector<256x528xi32>
      %reduce_min3A_159 = arith.constant dense<2147483647> : vector<256xi32>
      %reduce_min3A_160 = vector.multi_reduction <minsi>, %select_n3A_158, %reduce_min3A_159 [1] : vector<256x528xi32> to vector<256xi32>
      %broadcast_in_dim3A_161 = vector.shape_cast %reduce_min3A_160 : vector<256xi32> to vector<256x1xi32>
      %eq3A_162 = vector.broadcast %broadcast_in_dim3A_161 : vector<256x1xi32> to vector<256x528xi32>
      %eq3A_163 = arith.cmpi eq, %concatenate3A_103, %eq3A_162 : vector<256x528xi32>
      %jit3A_164 = arith.constant 0x7F800000 : f32
      %broadcast_in_dim3A_165 = vector.broadcast %jit3A_164 : f32 to vector<256x528xf32>
      %select_n3A_166 = arith.select %eq3A_163, %broadcast_in_dim3A_165, %select_n3A_150 : vector<256x528xi1>, vector<256x528xf32>
      %reduce_min3A_167 = arith.constant dense<0x7F800000> : vector<256xf32>
      %reduce_min3A_168 = vector.multi_reduction <minimumf>, %select_n3A_166, %reduce_min3A_167 [1] : vector<256x528xf32> to vector<256xf32>
      %broadcast_in_dim3A_169 = vector.shape_cast %reduce_min3A_168 : vector<256xf32> to vector<256x1xf32>
      %eq3A_170 = vector.broadcast %broadcast_in_dim3A_169 : vector<256x1xf32> to vector<256x528xf32>
      %eq3A_171 = arith.cmpf oeq, %select_n3A_166, %eq3A_170 : vector<256x528xf32>
      %jit3A_172 = arith.constant 1073741824 : i32
      %broadcast_in_dim3A_173 = vector.broadcast %jit3A_172 : i32 to vector<256x528xi32>
      %select_n3A_174 = arith.select %eq3A_171, %concatenate3A_103, %broadcast_in_dim3A_173 : vector<256x528xi1>, vector<256x528xi32>
      %reduce_min3A_175 = arith.constant dense<2147483647> : vector<256xi32>
      %reduce_min3A_176 = vector.multi_reduction <minsi>, %select_n3A_174, %reduce_min3A_175 [1] : vector<256x528xi32> to vector<256xi32>
      %broadcast_in_dim3A_177 = vector.shape_cast %reduce_min3A_176 : vector<256xi32> to vector<256x1xi32>
      %eq3A_178 = vector.broadcast %broadcast_in_dim3A_177 : vector<256x1xi32> to vector<256x528xi32>
      %eq3A_179 = arith.cmpi eq, %concatenate3A_103, %eq3A_178 : vector<256x528xi32>
      %jit3A_180 = arith.constant 0x7F800000 : f32
      %broadcast_in_dim3A_181 = vector.broadcast %jit3A_180 : f32 to vector<256x528xf32>
      %select_n3A_182 = arith.select %eq3A_179, %broadcast_in_dim3A_181, %select_n3A_166 : vector<256x528xi1>, vector<256x528xf32>
      %reduce_min3A_183 = arith.constant dense<0x7F800000> : vector<256xf32>
      %reduce_min3A_184 = vector.multi_reduction <minimumf>, %select_n3A_182, %reduce_min3A_183 [1] : vector<256x528xf32> to vector<256xf32>
      %broadcast_in_dim3A_185 = vector.shape_cast %reduce_min3A_184 : vector<256xf32> to vector<256x1xf32>
      %eq3A_186 = vector.broadcast %broadcast_in_dim3A_185 : vector<256x1xf32> to vector<256x528xf32>
      %eq3A_187 = arith.cmpf oeq, %select_n3A_182, %eq3A_186 : vector<256x528xf32>
      %jit3A_188 = arith.constant 1073741824 : i32
      %broadcast_in_dim3A_189 = vector.broadcast %jit3A_188 : i32 to vector<256x528xi32>
      %select_n3A_190 = arith.select %eq3A_187, %concatenate3A_103, %broadcast_in_dim3A_189 : vector<256x528xi1>, vector<256x528xi32>
      %reduce_min3A_191 = arith.constant dense<2147483647> : vector<256xi32>
      %reduce_min3A_192 = vector.multi_reduction <minsi>, %select_n3A_190, %reduce_min3A_191 [1] : vector<256x528xi32> to vector<256xi32>
      %broadcast_in_dim3A_193 = vector.shape_cast %reduce_min3A_192 : vector<256xi32> to vector<256x1xi32>
      %eq3A_194 = vector.broadcast %broadcast_in_dim3A_193 : vector<256x1xi32> to vector<256x528xi32>
      %eq3A_195 = arith.cmpi eq, %concatenate3A_103, %eq3A_194 : vector<256x528xi32>
      %jit3A_196 = arith.constant 0x7F800000 : f32
      %broadcast_in_dim3A_197 = vector.broadcast %jit3A_196 : f32 to vector<256x528xf32>
      %select_n3A_198 = arith.select %eq3A_195, %broadcast_in_dim3A_197, %select_n3A_182 : vector<256x528xi1>, vector<256x528xf32>
      %reduce_min3A_199 = arith.constant dense<0x7F800000> : vector<256xf32>
      %reduce_min3A_200 = vector.multi_reduction <minimumf>, %select_n3A_198, %reduce_min3A_199 [1] : vector<256x528xf32> to vector<256xf32>
      %broadcast_in_dim3A_201 = vector.shape_cast %reduce_min3A_200 : vector<256xf32> to vector<256x1xf32>
      %eq3A_202 = vector.broadcast %broadcast_in_dim3A_201 : vector<256x1xf32> to vector<256x528xf32>
      %eq3A_203 = arith.cmpf oeq, %select_n3A_198, %eq3A_202 : vector<256x528xf32>
      %jit3A_204 = arith.constant 1073741824 : i32
      %broadcast_in_dim3A_205 = vector.broadcast %jit3A_204 : i32 to vector<256x528xi32>
      %select_n3A_206 = arith.select %eq3A_203, %concatenate3A_103, %broadcast_in_dim3A_205 : vector<256x528xi1>, vector<256x528xi32>
      %reduce_min3A_207 = arith.constant dense<2147483647> : vector<256xi32>
      %reduce_min3A_208 = vector.multi_reduction <minsi>, %select_n3A_206, %reduce_min3A_207 [1] : vector<256x528xi32> to vector<256xi32>
      %broadcast_in_dim3A_209 = vector.shape_cast %reduce_min3A_208 : vector<256xi32> to vector<256x1xi32>
      %eq3A_210 = vector.broadcast %broadcast_in_dim3A_209 : vector<256x1xi32> to vector<256x528xi32>
      %eq3A_211 = arith.cmpi eq, %concatenate3A_103, %eq3A_210 : vector<256x528xi32>
      %jit3A_212 = arith.constant 0x7F800000 : f32
      %broadcast_in_dim3A_213 = vector.broadcast %jit3A_212 : f32 to vector<256x528xf32>
      %select_n3A_214 = arith.select %eq3A_211, %broadcast_in_dim3A_213, %select_n3A_198 : vector<256x528xi1>, vector<256x528xf32>
      %reduce_min3A_215 = arith.constant dense<0x7F800000> : vector<256xf32>
      %reduce_min3A_216 = vector.multi_reduction <minimumf>, %select_n3A_214, %reduce_min3A_215 [1] : vector<256x528xf32> to vector<256xf32>
      %broadcast_in_dim3A_217 = vector.shape_cast %reduce_min3A_216 : vector<256xf32> to vector<256x1xf32>
      %eq3A_218 = vector.broadcast %broadcast_in_dim3A_217 : vector<256x1xf32> to vector<256x528xf32>
      %eq3A_219 = arith.cmpf oeq, %select_n3A_214, %eq3A_218 : vector<256x528xf32>
      %jit3A_220 = arith.constant 1073741824 : i32
      %broadcast_in_dim3A_221 = vector.broadcast %jit3A_220 : i32 to vector<256x528xi32>
      %select_n3A_222 = arith.select %eq3A_219, %concatenate3A_103, %broadcast_in_dim3A_221 : vector<256x528xi1>, vector<256x528xi32>
      %reduce_min3A_223 = arith.constant dense<2147483647> : vector<256xi32>
      %reduce_min3A_224 = vector.multi_reduction <minsi>, %select_n3A_222, %reduce_min3A_223 [1] : vector<256x528xi32> to vector<256xi32>
      %broadcast_in_dim3A_225 = vector.shape_cast %reduce_min3A_224 : vector<256xi32> to vector<256x1xi32>
      %eq3A_226 = vector.broadcast %broadcast_in_dim3A_225 : vector<256x1xi32> to vector<256x528xi32>
      %eq3A_227 = arith.cmpi eq, %concatenate3A_103, %eq3A_226 : vector<256x528xi32>
      %jit3A_228 = arith.constant 0x7F800000 : f32
      %broadcast_in_dim3A_229 = vector.broadcast %jit3A_228 : f32 to vector<256x528xf32>
      %select_n3A_230 = arith.select %eq3A_227, %broadcast_in_dim3A_229, %select_n3A_214 : vector<256x528xi1>, vector<256x528xf32>
      %reduce_min3A_231 = arith.constant dense<0x7F800000> : vector<256xf32>
      %reduce_min3A_232 = vector.multi_reduction <minimumf>, %select_n3A_230, %reduce_min3A_231 [1] : vector<256x528xf32> to vector<256xf32>
      %broadcast_in_dim3A_233 = vector.shape_cast %reduce_min3A_232 : vector<256xf32> to vector<256x1xf32>
      %eq3A_234 = vector.broadcast %broadcast_in_dim3A_233 : vector<256x1xf32> to vector<256x528xf32>
      %eq3A_235 = arith.cmpf oeq, %select_n3A_230, %eq3A_234 : vector<256x528xf32>
      %jit3A_236 = arith.constant 1073741824 : i32
      %broadcast_in_dim3A_237 = vector.broadcast %jit3A_236 : i32 to vector<256x528xi32>
      %select_n3A_238 = arith.select %eq3A_235, %concatenate3A_103, %broadcast_in_dim3A_237 : vector<256x528xi1>, vector<256x528xi32>
      %reduce_min3A_239 = arith.constant dense<2147483647> : vector<256xi32>
      %reduce_min3A_240 = vector.multi_reduction <minsi>, %select_n3A_238, %reduce_min3A_239 [1] : vector<256x528xi32> to vector<256xi32>
      %broadcast_in_dim3A_241 = vector.shape_cast %reduce_min3A_240 : vector<256xi32> to vector<256x1xi32>
      %eq3A_242 = vector.broadcast %broadcast_in_dim3A_241 : vector<256x1xi32> to vector<256x528xi32>
      %eq3A_243 = arith.cmpi eq, %concatenate3A_103, %eq3A_242 : vector<256x528xi32>
      %jit3A_244 = arith.constant 0x7F800000 : f32
      %broadcast_in_dim3A_245 = vector.broadcast %jit3A_244 : f32 to vector<256x528xf32>
      %select_n3A_246 = arith.select %eq3A_243, %broadcast_in_dim3A_245, %select_n3A_230 : vector<256x528xi1>, vector<256x528xf32>
      %reduce_min3A_247 = arith.constant dense<0x7F800000> : vector<256xf32>
      %reduce_min3A_248 = vector.multi_reduction <minimumf>, %select_n3A_246, %reduce_min3A_247 [1] : vector<256x528xf32> to vector<256xf32>
      %broadcast_in_dim3A_249 = vector.shape_cast %reduce_min3A_248 : vector<256xf32> to vector<256x1xf32>
      %eq3A_250 = vector.broadcast %broadcast_in_dim3A_249 : vector<256x1xf32> to vector<256x528xf32>
      %eq3A_251 = arith.cmpf oeq, %select_n3A_246, %eq3A_250 : vector<256x528xf32>
      %jit3A_252 = arith.constant 1073741824 : i32
      %broadcast_in_dim3A_253 = vector.broadcast %jit3A_252 : i32 to vector<256x528xi32>
      %select_n3A_254 = arith.select %eq3A_251, %concatenate3A_103, %broadcast_in_dim3A_253 : vector<256x528xi1>, vector<256x528xi32>
      %reduce_min3A_255 = arith.constant dense<2147483647> : vector<256xi32>
      %reduce_min3A_256 = vector.multi_reduction <minsi>, %select_n3A_254, %reduce_min3A_255 [1] : vector<256x528xi32> to vector<256xi32>
      %broadcast_in_dim3A_257 = vector.shape_cast %reduce_min3A_256 : vector<256xi32> to vector<256x1xi32>
      %eq3A_258 = vector.broadcast %broadcast_in_dim3A_257 : vector<256x1xi32> to vector<256x528xi32>
      %eq3A_259 = arith.cmpi eq, %concatenate3A_103, %eq3A_258 : vector<256x528xi32>
      %jit3A_260 = arith.constant 0x7F800000 : f32
      %broadcast_in_dim3A_261 = vector.broadcast %jit3A_260 : f32 to vector<256x528xf32>
      %select_n3A_262 = arith.select %eq3A_259, %broadcast_in_dim3A_261, %select_n3A_246 : vector<256x528xi1>, vector<256x528xf32>
      %reduce_min3A_263 = arith.constant dense<0x7F800000> : vector<256xf32>
      %reduce_min3A_264 = vector.multi_reduction <minimumf>, %select_n3A_262, %reduce_min3A_263 [1] : vector<256x528xf32> to vector<256xf32>
      %broadcast_in_dim3A_265 = vector.shape_cast %reduce_min3A_264 : vector<256xf32> to vector<256x1xf32>
      %eq3A_266 = vector.broadcast %broadcast_in_dim3A_265 : vector<256x1xf32> to vector<256x528xf32>
      %eq3A_267 = arith.cmpf oeq, %select_n3A_262, %eq3A_266 : vector<256x528xf32>
      %jit3A_268 = arith.constant 1073741824 : i32
      %broadcast_in_dim3A_269 = vector.broadcast %jit3A_268 : i32 to vector<256x528xi32>
      %select_n3A_270 = arith.select %eq3A_267, %concatenate3A_103, %broadcast_in_dim3A_269 : vector<256x528xi1>, vector<256x528xi32>
      %reduce_min3A_271 = arith.constant dense<2147483647> : vector<256xi32>
      %reduce_min3A_272 = vector.multi_reduction <minsi>, %select_n3A_270, %reduce_min3A_271 [1] : vector<256x528xi32> to vector<256xi32>
      %broadcast_in_dim3A_273 = vector.shape_cast %reduce_min3A_272 : vector<256xi32> to vector<256x1xi32>
      %eq3A_274 = vector.broadcast %broadcast_in_dim3A_273 : vector<256x1xi32> to vector<256x528xi32>
      %eq3A_275 = arith.cmpi eq, %concatenate3A_103, %eq3A_274 : vector<256x528xi32>
      %jit3A_276 = arith.constant 0x7F800000 : f32
      %broadcast_in_dim3A_277 = vector.broadcast %jit3A_276 : f32 to vector<256x528xf32>
      %select_n3A_278 = arith.select %eq3A_275, %broadcast_in_dim3A_277, %select_n3A_262 : vector<256x528xi1>, vector<256x528xf32>
      %reduce_min3A_279 = arith.constant dense<0x7F800000> : vector<256xf32>
      %reduce_min3A_280 = vector.multi_reduction <minimumf>, %select_n3A_278, %reduce_min3A_279 [1] : vector<256x528xf32> to vector<256xf32>
      %broadcast_in_dim3A_281 = vector.shape_cast %reduce_min3A_280 : vector<256xf32> to vector<256x1xf32>
      %eq3A_282 = vector.broadcast %broadcast_in_dim3A_281 : vector<256x1xf32> to vector<256x528xf32>
      %eq3A_283 = arith.cmpf oeq, %select_n3A_278, %eq3A_282 : vector<256x528xf32>
      %jit3A_284 = arith.constant 1073741824 : i32
      %broadcast_in_dim3A_285 = vector.broadcast %jit3A_284 : i32 to vector<256x528xi32>
      %select_n3A_286 = arith.select %eq3A_283, %concatenate3A_103, %broadcast_in_dim3A_285 : vector<256x528xi1>, vector<256x528xi32>
      %reduce_min3A_287 = arith.constant dense<2147483647> : vector<256xi32>
      %reduce_min3A_288 = vector.multi_reduction <minsi>, %select_n3A_286, %reduce_min3A_287 [1] : vector<256x528xi32> to vector<256xi32>
      %broadcast_in_dim3A_289 = vector.shape_cast %reduce_min3A_288 : vector<256xi32> to vector<256x1xi32>
      %eq3A_290 = vector.broadcast %broadcast_in_dim3A_289 : vector<256x1xi32> to vector<256x528xi32>
      %eq3A_291 = arith.cmpi eq, %concatenate3A_103, %eq3A_290 : vector<256x528xi32>
      %jit3A_292 = arith.constant 0x7F800000 : f32
      %broadcast_in_dim3A_293 = vector.broadcast %jit3A_292 : f32 to vector<256x528xf32>
      %select_n3A_294 = arith.select %eq3A_291, %broadcast_in_dim3A_293, %select_n3A_278 : vector<256x528xi1>, vector<256x528xf32>
      %reduce_min3A_295 = arith.constant dense<0x7F800000> : vector<256xf32>
      %reduce_min3A_296 = vector.multi_reduction <minimumf>, %select_n3A_294, %reduce_min3A_295 [1] : vector<256x528xf32> to vector<256xf32>
      %broadcast_in_dim3A_297 = vector.shape_cast %reduce_min3A_296 : vector<256xf32> to vector<256x1xf32>
      %eq3A_298 = vector.broadcast %broadcast_in_dim3A_297 : vector<256x1xf32> to vector<256x528xf32>
      %eq3A_299 = arith.cmpf oeq, %select_n3A_294, %eq3A_298 : vector<256x528xf32>
      %jit3A_300 = arith.constant 1073741824 : i32
      %broadcast_in_dim3A_301 = vector.broadcast %jit3A_300 : i32 to vector<256x528xi32>
      %select_n3A_302 = arith.select %eq3A_299, %concatenate3A_103, %broadcast_in_dim3A_301 : vector<256x528xi1>, vector<256x528xi32>
      %reduce_min3A_303 = arith.constant dense<2147483647> : vector<256xi32>
      %reduce_min3A_304 = vector.multi_reduction <minsi>, %select_n3A_302, %reduce_min3A_303 [1] : vector<256x528xi32> to vector<256xi32>
      %broadcast_in_dim3A_305 = vector.shape_cast %reduce_min3A_304 : vector<256xi32> to vector<256x1xi32>
      %eq3A_306 = vector.broadcast %broadcast_in_dim3A_305 : vector<256x1xi32> to vector<256x528xi32>
      %eq3A_307 = arith.cmpi eq, %concatenate3A_103, %eq3A_306 : vector<256x528xi32>
      %jit3A_308 = arith.constant 0x7F800000 : f32
      %broadcast_in_dim3A_309 = vector.broadcast %jit3A_308 : f32 to vector<256x528xf32>
      %select_n3A_310 = arith.select %eq3A_307, %broadcast_in_dim3A_309, %select_n3A_294 : vector<256x528xi1>, vector<256x528xf32>
      %reduce_min3A_311 = arith.constant dense<0x7F800000> : vector<256xf32>
      %reduce_min3A_312 = vector.multi_reduction <minimumf>, %select_n3A_310, %reduce_min3A_311 [1] : vector<256x528xf32> to vector<256xf32>
      %broadcast_in_dim3A_313 = vector.shape_cast %reduce_min3A_312 : vector<256xf32> to vector<256x1xf32>
      %eq3A_314 = vector.broadcast %broadcast_in_dim3A_313 : vector<256x1xf32> to vector<256x528xf32>
      %eq3A_315 = arith.cmpf oeq, %select_n3A_310, %eq3A_314 : vector<256x528xf32>
      %jit3A_316 = arith.constant 1073741824 : i32
      %broadcast_in_dim3A_317 = vector.broadcast %jit3A_316 : i32 to vector<256x528xi32>
      %select_n3A_318 = arith.select %eq3A_315, %concatenate3A_103, %broadcast_in_dim3A_317 : vector<256x528xi1>, vector<256x528xi32>
      %reduce_min3A_319 = arith.constant dense<2147483647> : vector<256xi32>
      %reduce_min3A_320 = vector.multi_reduction <minsi>, %select_n3A_318, %reduce_min3A_319 [1] : vector<256x528xi32> to vector<256xi32>
      %broadcast_in_dim3A_321 = vector.shape_cast %reduce_min3A_320 : vector<256xi32> to vector<256x1xi32>
      %eq3A_322 = vector.broadcast %broadcast_in_dim3A_321 : vector<256x1xi32> to vector<256x528xi32>
      %eq3A_323 = arith.cmpi eq, %concatenate3A_103, %eq3A_322 : vector<256x528xi32>
      %jit3A_324 = arith.constant 0x7F800000 : f32
      %broadcast_in_dim3A_325 = vector.broadcast %jit3A_324 : f32 to vector<256x528xf32>
      %select_n3A_326 = arith.select %eq3A_323, %broadcast_in_dim3A_325, %select_n3A_310 : vector<256x528xi1>, vector<256x528xf32>
      %reduce_min3A_327 = arith.constant dense<0x7F800000> : vector<256xf32>
      %reduce_min3A_328 = vector.multi_reduction <minimumf>, %select_n3A_326, %reduce_min3A_327 [1] : vector<256x528xf32> to vector<256xf32>
      %broadcast_in_dim3A_329 = vector.shape_cast %reduce_min3A_328 : vector<256xf32> to vector<256x1xf32>
      %eq3A_330 = vector.broadcast %broadcast_in_dim3A_329 : vector<256x1xf32> to vector<256x528xf32>
      %eq3A_331 = arith.cmpf oeq, %select_n3A_326, %eq3A_330 : vector<256x528xf32>
      %jit3A_332 = arith.constant 1073741824 : i32
      %broadcast_in_dim3A_333 = vector.broadcast %jit3A_332 : i32 to vector<256x528xi32>
      %select_n3A_334 = arith.select %eq3A_331, %concatenate3A_103, %broadcast_in_dim3A_333 : vector<256x528xi1>, vector<256x528xi32>
      %reduce_min3A_335 = arith.constant dense<2147483647> : vector<256xi32>
      %reduce_min3A_336 = vector.multi_reduction <minsi>, %select_n3A_334, %reduce_min3A_335 [1] : vector<256x528xi32> to vector<256xi32>
      %broadcast_in_dim3A_337 = vector.shape_cast %reduce_min3A_336 : vector<256xi32> to vector<256x1xi32>
      %eq3A_338 = vector.broadcast %broadcast_in_dim3A_337 : vector<256x1xi32> to vector<256x528xi32>
      %eq3A_339 = arith.cmpi eq, %concatenate3A_103, %eq3A_338 : vector<256x528xi32>
      %jit3A_340 = arith.constant 0x7F800000 : f32
      %broadcast_in_dim3A_341 = vector.broadcast %jit3A_340 : f32 to vector<256x528xf32>
      %select_n3A_342 = arith.select %eq3A_339, %broadcast_in_dim3A_341, %select_n3A_326 : vector<256x528xi1>, vector<256x528xf32>
      %reduce_min3A_343 = arith.constant dense<0x7F800000> : vector<256xf32>
      %reduce_min3A_344 = vector.multi_reduction <minimumf>, %select_n3A_342, %reduce_min3A_343 [1] : vector<256x528xf32> to vector<256xf32>
      %broadcast_in_dim3A_345 = vector.shape_cast %reduce_min3A_344 : vector<256xf32> to vector<256x1xf32>
      %eq3A_346 = vector.broadcast %broadcast_in_dim3A_345 : vector<256x1xf32> to vector<256x528xf32>
      %eq3A_347 = arith.cmpf oeq, %select_n3A_342, %eq3A_346 : vector<256x528xf32>
      %jit3A_348 = arith.constant 1073741824 : i32
      %broadcast_in_dim3A_349 = vector.broadcast %jit3A_348 : i32 to vector<256x528xi32>
      %select_n3A_350 = arith.select %eq3A_347, %concatenate3A_103, %broadcast_in_dim3A_349 : vector<256x528xi1>, vector<256x528xi32>
      %reduce_min3A_351 = arith.constant dense<2147483647> : vector<256xi32>
      %reduce_min3A_352 = vector.multi_reduction <minsi>, %select_n3A_350, %reduce_min3A_351 [1] : vector<256x528xi32> to vector<256xi32>
      %broadcast_in_dim3A_353 = vector.shape_cast %reduce_min3A_352 : vector<256xi32> to vector<256x1xi32>
      %eq3A_354 = vector.broadcast %broadcast_in_dim3A_353 : vector<256x1xi32> to vector<256x528xi32>
      %eq3A_355 = arith.cmpi eq, %concatenate3A_103, %eq3A_354 : vector<256x528xi32>
      %jit3A_356 = arith.constant 0x7F800000 : f32
      %broadcast_in_dim3A_357 = vector.broadcast %jit3A_356 : f32 to vector<256x528xf32>
      %select_n3A_358 = arith.select %eq3A_355, %broadcast_in_dim3A_357, %select_n3A_342 : vector<256x528xi1>, vector<256x528xf32>
      %concatenate3A_359 = tpu.concatenate %broadcast_in_dim3A_105, %broadcast_in_dim3A_121, %broadcast_in_dim3A_137, %broadcast_in_dim3A_153, %broadcast_in_dim3A_169, %broadcast_in_dim3A_185, %broadcast_in_dim3A_201, %broadcast_in_dim3A_217, %broadcast_in_dim3A_233, %broadcast_in_dim3A_249, %broadcast_in_dim3A_265, %broadcast_in_dim3A_281, %broadcast_in_dim3A_297, %broadcast_in_dim3A_313, %broadcast_in_dim3A_329, %broadcast_in_dim3A_345 in 1 : vector<256x1xf32>, vector<256x1xf32>, vector<256x1xf32>, vector<256x1xf32>, vector<256x1xf32>, vector<256x1xf32>, vector<256x1xf32>, vector<256x1xf32>, vector<256x1xf32>, vector<256x1xf32>, vector<256x1xf32>, vector<256x1xf32>, vector<256x1xf32>, vector<256x1xf32>, vector<256x1xf32>, vector<256x1xf32> -> vector<256x16xf32>
      %concatenate3A_360 = tpu.concatenate %broadcast_in_dim3A_113, %broadcast_in_dim3A_129, %broadcast_in_dim3A_145, %broadcast_in_dim3A_161, %broadcast_in_dim3A_177, %broadcast_in_dim3A_193, %broadcast_in_dim3A_209, %broadcast_in_dim3A_225, %broadcast_in_dim3A_241, %broadcast_in_dim3A_257, %broadcast_in_dim3A_273, %broadcast_in_dim3A_289, %broadcast_in_dim3A_305, %broadcast_in_dim3A_321, %broadcast_in_dim3A_337, %broadcast_in_dim3A_353 in 1 : vector<256x1xi32>, vector<256x1xi32>, vector<256x1xi32>, vector<256x1xi32>, vector<256x1xi32>, vector<256x1xi32>, vector<256x1xi32>, vector<256x1xi32>, vector<256x1xi32>, vector<256x1xi32>, vector<256x1xi32>, vector<256x1xi32>, vector<256x1xi32>, vector<256x1xi32>, vector<256x1xi32>, vector<256x1xi32> -> vector<256x16xi32>
      scf.yield %concatenate3A_359, %concatenate3A_360 : vector<256x16xf32>, vector<256x16xi32>
    }
    %while3A_65 = arith.constant 1 : i32
    %while3A_66:2 = scf.for %while3A_69 = %while3A_62 to %while3A_58 step %while3A_65 iter_args(%while3A_70 = %while3A_64#0, %while3A_71 = %while3A_64#1) -> (vector<256x16xf32>, vector<256x16xi32>)  : i32 {
      %mul3A = arith.constant 512 : i32
      %mul3A_72 = arith.muli %while3A_69, %mul3A : i32
      %get3A_73 = arith.constant 0 : index
      %get3A_74 = arith.index_cast %mul3A_72 : i32 to index
      %get3A_75 = vector.load %arg4[%get3A_73, %get3A_74] : memref<128x8192xf32, #tpu.memory_space<vmem>>, vector<128x512xf32>
      %dot_general3A = arith.constant dense<0.000000e+00> : vector<256x512xf32>
      %dot_general3A_76 = tpu.matmul %get3A_48, %get3A_75, %dot_general3A {dimension_numbers = #tpu.dot_dimension_numbers<[1], [0], [0], [1], [0, 0, 1, 1], [], []>, transpose_lhs_hint = false} : vector<256x128xf32>, vector<128x512xf32>, vector<256x512xf32> -> vector<256x512xf32>
      %mul3A_77 = arith.constant 512 : i32
      %mul3A_78 = arith.muli %while3A_69, %mul3A_77 : i32
      %get3A_79 = arith.constant 0 : index
      %get3A_80 = arith.index_cast %mul3A_78 : i32 to index
      %get3A_81 = vector.load %arg6[%get3A_79, %get3A_80] : memref<1x8192xf32, #tpu.memory_space<vmem>>, vector<1x512xf32>
      %add3A_82 = vector.broadcast %get3A_51 : vector<256x1xf32> to vector<256x512xf32>
      %add3A_83 = vector.broadcast %get3A_81 : vector<1x512xf32> to vector<256x512xf32>
      %add3A_84 = arith.addf %add3A_82, %add3A_83 : vector<256x512xf32>
      %mul3A_85 = arith.constant 2.000000e+00 : f32
      %mul3A_86 = vector.broadcast %mul3A_85 : f32 to vector<256x512xf32>
      %mul3A_87 = arith.mulf %mul3A_86, %dot_general3A_76 : vector<256x512xf32>
      %sub3A_88 = arith.subf %add3A_84, %mul3A_87 : vector<256x512xf32>
      %mul3A_89 = arith.constant 512 : i32
      %mul3A_90 = arith.muli %while3A_69, %mul3A_89 : i32
      %get3A_91 = arith.constant 0 : index
      %get3A_92 = arith.index_cast %mul3A_90 : i32 to index
      %get3A_93 = vector.load %arg8[%get3A_91, %get3A_92] : memref<1x8192xf32, #tpu.memory_space<vmem>>, vector<1x512xf32>
      %eq3A = vector.broadcast %get3A_54 : vector<256x1xf32> to vector<256x512xf32>
      %eq3A_94 = vector.broadcast %get3A_93 : vector<1x512xf32> to vector<256x512xf32>
      %eq3A_95 = arith.cmpf oeq, %eq3A, %eq3A_94 : vector<256x512xf32>
      %jit3A_96 = arith.constant 0x7F800000 : f32
      %broadcast_in_dim3A_97 = vector.broadcast %jit3A_96 : f32 to vector<256x512xf32>
      %select_n3A_98 = arith.select %eq3A_95, %sub3A_88, %broadcast_in_dim3A_97 : vector<256x512xi1>, vector<256x512xf32>
      %concatenate3A = tpu.concatenate %while3A_70, %select_n3A_98 in 1 : vector<256x16xf32>, vector<256x512xf32> -> vector<256x528xf32>
      %mul3A_99 = arith.constant 512 : i32
      %mul3A_100 = arith.muli %while3A_69, %mul3A_99 : i32
      %iota3A = tpu.iota {dimensions = array<i32: 1>} : vector<256x512xi32>
      %add3A_101 = vector.broadcast %mul3A_100 : i32 to vector<256x512xi32>
      %add3A_102 = arith.addi %add3A_101, %iota3A : vector<256x512xi32>
      %concatenate3A_103 = tpu.concatenate %while3A_71, %add3A_102 in 1 : vector<256x16xi32>, vector<256x512xi32> -> vector<256x528xi32>
      %reduce_min3A = arith.constant dense<0x7F800000> : vector<256xf32>
      %reduce_min3A_104 = vector.multi_reduction <minimumf>, %concatenate3A, %reduce_min3A [1] : vector<256x528xf32> to vector<256xf32>
      %broadcast_in_dim3A_105 = vector.shape_cast %reduce_min3A_104 : vector<256xf32> to vector<256x1xf32>
      %eq3A_106 = vector.broadcast %broadcast_in_dim3A_105 : vector<256x1xf32> to vector<256x528xf32>
      %eq3A_107 = arith.cmpf oeq, %concatenate3A, %eq3A_106 : vector<256x528xf32>
      %jit3A_108 = arith.constant 1073741824 : i32
      %broadcast_in_dim3A_109 = vector.broadcast %jit3A_108 : i32 to vector<256x528xi32>
      %select_n3A_110 = arith.select %eq3A_107, %concatenate3A_103, %broadcast_in_dim3A_109 : vector<256x528xi1>, vector<256x528xi32>
      %reduce_min3A_111 = arith.constant dense<2147483647> : vector<256xi32>
      %reduce_min3A_112 = vector.multi_reduction <minsi>, %select_n3A_110, %reduce_min3A_111 [1] : vector<256x528xi32> to vector<256xi32>
      %broadcast_in_dim3A_113 = vector.shape_cast %reduce_min3A_112 : vector<256xi32> to vector<256x1xi32>
      %eq3A_114 = vector.broadcast %broadcast_in_dim3A_113 : vector<256x1xi32> to vector<256x528xi32>
      %eq3A_115 = arith.cmpi eq, %concatenate3A_103, %eq3A_114 : vector<256x528xi32>
      %jit3A_116 = arith.constant 0x7F800000 : f32
      %broadcast_in_dim3A_117 = vector.broadcast %jit3A_116 : f32 to vector<256x528xf32>
      %select_n3A_118 = arith.select %eq3A_115, %broadcast_in_dim3A_117, %concatenate3A : vector<256x528xi1>, vector<256x528xf32>
      %reduce_min3A_119 = arith.constant dense<0x7F800000> : vector<256xf32>
      %reduce_min3A_120 = vector.multi_reduction <minimumf>, %select_n3A_118, %reduce_min3A_119 [1] : vector<256x528xf32> to vector<256xf32>
      %broadcast_in_dim3A_121 = vector.shape_cast %reduce_min3A_120 : vector<256xf32> to vector<256x1xf32>
      %eq3A_122 = vector.broadcast %broadcast_in_dim3A_121 : vector<256x1xf32> to vector<256x528xf32>
      %eq3A_123 = arith.cmpf oeq, %select_n3A_118, %eq3A_122 : vector<256x528xf32>
      %jit3A_124 = arith.constant 1073741824 : i32
      %broadcast_in_dim3A_125 = vector.broadcast %jit3A_124 : i32 to vector<256x528xi32>
      %select_n3A_126 = arith.select %eq3A_123, %concatenate3A_103, %broadcast_in_dim3A_125 : vector<256x528xi1>, vector<256x528xi32>
      %reduce_min3A_127 = arith.constant dense<2147483647> : vector<256xi32>
      %reduce_min3A_128 = vector.multi_reduction <minsi>, %select_n3A_126, %reduce_min3A_127 [1] : vector<256x528xi32> to vector<256xi32>
      %broadcast_in_dim3A_129 = vector.shape_cast %reduce_min3A_128 : vector<256xi32> to vector<256x1xi32>
      %eq3A_130 = vector.broadcast %broadcast_in_dim3A_129 : vector<256x1xi32> to vector<256x528xi32>
      %eq3A_131 = arith.cmpi eq, %concatenate3A_103, %eq3A_130 : vector<256x528xi32>
      %jit3A_132 = arith.constant 0x7F800000 : f32
      %broadcast_in_dim3A_133 = vector.broadcast %jit3A_132 : f32 to vector<256x528xf32>
      %select_n3A_134 = arith.select %eq3A_131, %broadcast_in_dim3A_133, %select_n3A_118 : vector<256x528xi1>, vector<256x528xf32>
      %reduce_min3A_135 = arith.constant dense<0x7F800000> : vector<256xf32>
      %reduce_min3A_136 = vector.multi_reduction <minimumf>, %select_n3A_134, %reduce_min3A_135 [1] : vector<256x528xf32> to vector<256xf32>
      %broadcast_in_dim3A_137 = vector.shape_cast %reduce_min3A_136 : vector<256xf32> to vector<256x1xf32>
      %eq3A_138 = vector.broadcast %broadcast_in_dim3A_137 : vector<256x1xf32> to vector<256x528xf32>
      %eq3A_139 = arith.cmpf oeq, %select_n3A_134, %eq3A_138 : vector<256x528xf32>
      %jit3A_140 = arith.constant 1073741824 : i32
      %broadcast_in_dim3A_141 = vector.broadcast %jit3A_140 : i32 to vector<256x528xi32>
      %select_n3A_142 = arith.select %eq3A_139, %concatenate3A_103, %broadcast_in_dim3A_141 : vector<256x528xi1>, vector<256x528xi32>
      %reduce_min3A_143 = arith.constant dense<2147483647> : vector<256xi32>
      %reduce_min3A_144 = vector.multi_reduction <minsi>, %select_n3A_142, %reduce_min3A_143 [1] : vector<256x528xi32> to vector<256xi32>
      %broadcast_in_dim3A_145 = vector.shape_cast %reduce_min3A_144 : vector<256xi32> to vector<256x1xi32>
      %eq3A_146 = vector.broadcast %broadcast_in_dim3A_145 : vector<256x1xi32> to vector<256x528xi32>
      %eq3A_147 = arith.cmpi eq, %concatenate3A_103, %eq3A_146 : vector<256x528xi32>
      %jit3A_148 = arith.constant 0x7F800000 : f32
      %broadcast_in_dim3A_149 = vector.broadcast %jit3A_148 : f32 to vector<256x528xf32>
      %select_n3A_150 = arith.select %eq3A_147, %broadcast_in_dim3A_149, %select_n3A_134 : vector<256x528xi1>, vector<256x528xf32>
      %reduce_min3A_151 = arith.constant dense<0x7F800000> : vector<256xf32>
      %reduce_min3A_152 = vector.multi_reduction <minimumf>, %select_n3A_150, %reduce_min3A_151 [1] : vector<256x528xf32> to vector<256xf32>
      %broadcast_in_dim3A_153 = vector.shape_cast %reduce_min3A_152 : vector<256xf32> to vector<256x1xf32>
      %eq3A_154 = vector.broadcast %broadcast_in_dim3A_153 : vector<256x1xf32> to vector<256x528xf32>
      %eq3A_155 = arith.cmpf oeq, %select_n3A_150, %eq3A_154 : vector<256x528xf32>
      %jit3A_156 = arith.constant 1073741824 : i32
      %broadcast_in_dim3A_157 = vector.broadcast %jit3A_156 : i32 to vector<256x528xi32>
      %select_n3A_158 = arith.select %eq3A_155, %concatenate3A_103, %broadcast_in_dim3A_157 : vector<256x528xi1>, vector<256x528xi32>
      %reduce_min3A_159 = arith.constant dense<2147483647> : vector<256xi32>
      %reduce_min3A_160 = vector.multi_reduction <minsi>, %select_n3A_158, %reduce_min3A_159 [1] : vector<256x528xi32> to vector<256xi32>
      %broadcast_in_dim3A_161 = vector.shape_cast %reduce_min3A_160 : vector<256xi32> to vector<256x1xi32>
      %eq3A_162 = vector.broadcast %broadcast_in_dim3A_161 : vector<256x1xi32> to vector<256x528xi32>
      %eq3A_163 = arith.cmpi eq, %concatenate3A_103, %eq3A_162 : vector<256x528xi32>
      %jit3A_164 = arith.constant 0x7F800000 : f32
      %broadcast_in_dim3A_165 = vector.broadcast %jit3A_164 : f32 to vector<256x528xf32>
      %select_n3A_166 = arith.select %eq3A_163, %broadcast_in_dim3A_165, %select_n3A_150 : vector<256x528xi1>, vector<256x528xf32>
      %reduce_min3A_167 = arith.constant dense<0x7F800000> : vector<256xf32>
      %reduce_min3A_168 = vector.multi_reduction <minimumf>, %select_n3A_166, %reduce_min3A_167 [1] : vector<256x528xf32> to vector<256xf32>
      %broadcast_in_dim3A_169 = vector.shape_cast %reduce_min3A_168 : vector<256xf32> to vector<256x1xf32>
      %eq3A_170 = vector.broadcast %broadcast_in_dim3A_169 : vector<256x1xf32> to vector<256x528xf32>
      %eq3A_171 = arith.cmpf oeq, %select_n3A_166, %eq3A_170 : vector<256x528xf32>
      %jit3A_172 = arith.constant 1073741824 : i32
      %broadcast_in_dim3A_173 = vector.broadcast %jit3A_172 : i32 to vector<256x528xi32>
      %select_n3A_174 = arith.select %eq3A_171, %concatenate3A_103, %broadcast_in_dim3A_173 : vector<256x528xi1>, vector<256x528xi32>
      %reduce_min3A_175 = arith.constant dense<2147483647> : vector<256xi32>
      %reduce_min3A_176 = vector.multi_reduction <minsi>, %select_n3A_174, %reduce_min3A_175 [1] : vector<256x528xi32> to vector<256xi32>
      %broadcast_in_dim3A_177 = vector.shape_cast %reduce_min3A_176 : vector<256xi32> to vector<256x1xi32>
      %eq3A_178 = vector.broadcast %broadcast_in_dim3A_177 : vector<256x1xi32> to vector<256x528xi32>
      %eq3A_179 = arith.cmpi eq, %concatenate3A_103, %eq3A_178 : vector<256x528xi32>
      %jit3A_180 = arith.constant 0x7F800000 : f32
      %broadcast_in_dim3A_181 = vector.broadcast %jit3A_180 : f32 to vector<256x528xf32>
      %select_n3A_182 = arith.select %eq3A_179, %broadcast_in_dim3A_181, %select_n3A_166 : vector<256x528xi1>, vector<256x528xf32>
      %reduce_min3A_183 = arith.constant dense<0x7F800000> : vector<256xf32>
      %reduce_min3A_184 = vector.multi_reduction <minimumf>, %select_n3A_182, %reduce_min3A_183 [1] : vector<256x528xf32> to vector<256xf32>
      %broadcast_in_dim3A_185 = vector.shape_cast %reduce_min3A_184 : vector<256xf32> to vector<256x1xf32>
      %eq3A_186 = vector.broadcast %broadcast_in_dim3A_185 : vector<256x1xf32> to vector<256x528xf32>
      %eq3A_187 = arith.cmpf oeq, %select_n3A_182, %eq3A_186 : vector<256x528xf32>
      %jit3A_188 = arith.constant 1073741824 : i32
      %broadcast_in_dim3A_189 = vector.broadcast %jit3A_188 : i32 to vector<256x528xi32>
      %select_n3A_190 = arith.select %eq3A_187, %concatenate3A_103, %broadcast_in_dim3A_189 : vector<256x528xi1>, vector<256x528xi32>
      %reduce_min3A_191 = arith.constant dense<2147483647> : vector<256xi32>
      %reduce_min3A_192 = vector.multi_reduction <minsi>, %select_n3A_190, %reduce_min3A_191 [1] : vector<256x528xi32> to vector<256xi32>
      %broadcast_in_dim3A_193 = vector.shape_cast %reduce_min3A_192 : vector<256xi32> to vector<256x1xi32>
      %eq3A_194 = vector.broadcast %broadcast_in_dim3A_193 : vector<256x1xi32> to vector<256x528xi32>
      %eq3A_195 = arith.cmpi eq, %concatenate3A_103, %eq3A_194 : vector<256x528xi32>
      %jit3A_196 = arith.constant 0x7F800000 : f32
      %broadcast_in_dim3A_197 = vector.broadcast %jit3A_196 : f32 to vector<256x528xf32>
      %select_n3A_198 = arith.select %eq3A_195, %broadcast_in_dim3A_197, %select_n3A_182 : vector<256x528xi1>, vector<256x528xf32>
      %reduce_min3A_199 = arith.constant dense<0x7F800000> : vector<256xf32>
      %reduce_min3A_200 = vector.multi_reduction <minimumf>, %select_n3A_198, %reduce_min3A_199 [1] : vector<256x528xf32> to vector<256xf32>
      %broadcast_in_dim3A_201 = vector.shape_cast %reduce_min3A_200 : vector<256xf32> to vector<256x1xf32>
      %eq3A_202 = vector.broadcast %broadcast_in_dim3A_201 : vector<256x1xf32> to vector<256x528xf32>
      %eq3A_203 = arith.cmpf oeq, %select_n3A_198, %eq3A_202 : vector<256x528xf32>
      %jit3A_204 = arith.constant 1073741824 : i32
      %broadcast_in_dim3A_205 = vector.broadcast %jit3A_204 : i32 to vector<256x528xi32>
      %select_n3A_206 = arith.select %eq3A_203, %concatenate3A_103, %broadcast_in_dim3A_205 : vector<256x528xi1>, vector<256x528xi32>
      %reduce_min3A_207 = arith.constant dense<2147483647> : vector<256xi32>
      %reduce_min3A_208 = vector.multi_reduction <minsi>, %select_n3A_206, %reduce_min3A_207 [1] : vector<256x528xi32> to vector<256xi32>
      %broadcast_in_dim3A_209 = vector.shape_cast %reduce_min3A_208 : vector<256xi32> to vector<256x1xi32>
      %eq3A_210 = vector.broadcast %broadcast_in_dim3A_209 : vector<256x1xi32> to vector<256x528xi32>
      %eq3A_211 = arith.cmpi eq, %concatenate3A_103, %eq3A_210 : vector<256x528xi32>
      %jit3A_212 = arith.constant 0x7F800000 : f32
      %broadcast_in_dim3A_213 = vector.broadcast %jit3A_212 : f32 to vector<256x528xf32>
      %select_n3A_214 = arith.select %eq3A_211, %broadcast_in_dim3A_213, %select_n3A_198 : vector<256x528xi1>, vector<256x528xf32>
      %reduce_min3A_215 = arith.constant dense<0x7F800000> : vector<256xf32>
      %reduce_min3A_216 = vector.multi_reduction <minimumf>, %select_n3A_214, %reduce_min3A_215 [1] : vector<256x528xf32> to vector<256xf32>
      %broadcast_in_dim3A_217 = vector.shape_cast %reduce_min3A_216 : vector<256xf32> to vector<256x1xf32>
      %eq3A_218 = vector.broadcast %broadcast_in_dim3A_217 : vector<256x1xf32> to vector<256x528xf32>
      %eq3A_219 = arith.cmpf oeq, %select_n3A_214, %eq3A_218 : vector<256x528xf32>
      %jit3A_220 = arith.constant 1073741824 : i32
      %broadcast_in_dim3A_221 = vector.broadcast %jit3A_220 : i32 to vector<256x528xi32>
      %select_n3A_222 = arith.select %eq3A_219, %concatenate3A_103, %broadcast_in_dim3A_221 : vector<256x528xi1>, vector<256x528xi32>
      %reduce_min3A_223 = arith.constant dense<2147483647> : vector<256xi32>
      %reduce_min3A_224 = vector.multi_reduction <minsi>, %select_n3A_222, %reduce_min3A_223 [1] : vector<256x528xi32> to vector<256xi32>
      %broadcast_in_dim3A_225 = vector.shape_cast %reduce_min3A_224 : vector<256xi32> to vector<256x1xi32>
      %eq3A_226 = vector.broadcast %broadcast_in_dim3A_225 : vector<256x1xi32> to vector<256x528xi32>
      %eq3A_227 = arith.cmpi eq, %concatenate3A_103, %eq3A_226 : vector<256x528xi32>
      %jit3A_228 = arith.constant 0x7F800000 : f32
      %broadcast_in_dim3A_229 = vector.broadcast %jit3A_228 : f32 to vector<256x528xf32>
      %select_n3A_230 = arith.select %eq3A_227, %broadcast_in_dim3A_229, %select_n3A_214 : vector<256x528xi1>, vector<256x528xf32>
      %reduce_min3A_231 = arith.constant dense<0x7F800000> : vector<256xf32>
      %reduce_min3A_232 = vector.multi_reduction <minimumf>, %select_n3A_230, %reduce_min3A_231 [1] : vector<256x528xf32> to vector<256xf32>
      %broadcast_in_dim3A_233 = vector.shape_cast %reduce_min3A_232 : vector<256xf32> to vector<256x1xf32>
      %eq3A_234 = vector.broadcast %broadcast_in_dim3A_233 : vector<256x1xf32> to vector<256x528xf32>
      %eq3A_235 = arith.cmpf oeq, %select_n3A_230, %eq3A_234 : vector<256x528xf32>
      %jit3A_236 = arith.constant 1073741824 : i32
      %broadcast_in_dim3A_237 = vector.broadcast %jit3A_236 : i32 to vector<256x528xi32>
      %select_n3A_238 = arith.select %eq3A_235, %concatenate3A_103, %broadcast_in_dim3A_237 : vector<256x528xi1>, vector<256x528xi32>
      %reduce_min3A_239 = arith.constant dense<2147483647> : vector<256xi32>
      %reduce_min3A_240 = vector.multi_reduction <minsi>, %select_n3A_238, %reduce_min3A_239 [1] : vector<256x528xi32> to vector<256xi32>
      %broadcast_in_dim3A_241 = vector.shape_cast %reduce_min3A_240 : vector<256xi32> to vector<256x1xi32>
      %eq3A_242 = vector.broadcast %broadcast_in_dim3A_241 : vector<256x1xi32> to vector<256x528xi32>
      %eq3A_243 = arith.cmpi eq, %concatenate3A_103, %eq3A_242 : vector<256x528xi32>
      %jit3A_244 = arith.constant 0x7F800000 : f32
      %broadcast_in_dim3A_245 = vector.broadcast %jit3A_244 : f32 to vector<256x528xf32>
      %select_n3A_246 = arith.select %eq3A_243, %broadcast_in_dim3A_245, %select_n3A_230 : vector<256x528xi1>, vector<256x528xf32>
      %reduce_min3A_247 = arith.constant dense<0x7F800000> : vector<256xf32>
      %reduce_min3A_248 = vector.multi_reduction <minimumf>, %select_n3A_246, %reduce_min3A_247 [1] : vector<256x528xf32> to vector<256xf32>
      %broadcast_in_dim3A_249 = vector.shape_cast %reduce_min3A_248 : vector<256xf32> to vector<256x1xf32>
      %eq3A_250 = vector.broadcast %broadcast_in_dim3A_249 : vector<256x1xf32> to vector<256x528xf32>
      %eq3A_251 = arith.cmpf oeq, %select_n3A_246, %eq3A_250 : vector<256x528xf32>
      %jit3A_252 = arith.constant 1073741824 : i32
      %broadcast_in_dim3A_253 = vector.broadcast %jit3A_252 : i32 to vector<256x528xi32>
      %select_n3A_254 = arith.select %eq3A_251, %concatenate3A_103, %broadcast_in_dim3A_253 : vector<256x528xi1>, vector<256x528xi32>
      %reduce_min3A_255 = arith.constant dense<2147483647> : vector<256xi32>
      %reduce_min3A_256 = vector.multi_reduction <minsi>, %select_n3A_254, %reduce_min3A_255 [1] : vector<256x528xi32> to vector<256xi32>
      %broadcast_in_dim3A_257 = vector.shape_cast %reduce_min3A_256 : vector<256xi32> to vector<256x1xi32>
      %eq3A_258 = vector.broadcast %broadcast_in_dim3A_257 : vector<256x1xi32> to vector<256x528xi32>
      %eq3A_259 = arith.cmpi eq, %concatenate3A_103, %eq3A_258 : vector<256x528xi32>
      %jit3A_260 = arith.constant 0x7F800000 : f32
      %broadcast_in_dim3A_261 = vector.broadcast %jit3A_260 : f32 to vector<256x528xf32>
      %select_n3A_262 = arith.select %eq3A_259, %broadcast_in_dim3A_261, %select_n3A_246 : vector<256x528xi1>, vector<256x528xf32>
      %reduce_min3A_263 = arith.constant dense<0x7F800000> : vector<256xf32>
      %reduce_min3A_264 = vector.multi_reduction <minimumf>, %select_n3A_262, %reduce_min3A_263 [1] : vector<256x528xf32> to vector<256xf32>
      %broadcast_in_dim3A_265 = vector.shape_cast %reduce_min3A_264 : vector<256xf32> to vector<256x1xf32>
      %eq3A_266 = vector.broadcast %broadcast_in_dim3A_265 : vector<256x1xf32> to vector<256x528xf32>
      %eq3A_267 = arith.cmpf oeq, %select_n3A_262, %eq3A_266 : vector<256x528xf32>
      %jit3A_268 = arith.constant 1073741824 : i32
      %broadcast_in_dim3A_269 = vector.broadcast %jit3A_268 : i32 to vector<256x528xi32>
      %select_n3A_270 = arith.select %eq3A_267, %concatenate3A_103, %broadcast_in_dim3A_269 : vector<256x528xi1>, vector<256x528xi32>
      %reduce_min3A_271 = arith.constant dense<2147483647> : vector<256xi32>
      %reduce_min3A_272 = vector.multi_reduction <minsi>, %select_n3A_270, %reduce_min3A_271 [1] : vector<256x528xi32> to vector<256xi32>
      %broadcast_in_dim3A_273 = vector.shape_cast %reduce_min3A_272 : vector<256xi32> to vector<256x1xi32>
      %eq3A_274 = vector.broadcast %broadcast_in_dim3A_273 : vector<256x1xi32> to vector<256x528xi32>
      %eq3A_275 = arith.cmpi eq, %concatenate3A_103, %eq3A_274 : vector<256x528xi32>
      %jit3A_276 = arith.constant 0x7F800000 : f32
      %broadcast_in_dim3A_277 = vector.broadcast %jit3A_276 : f32 to vector<256x528xf32>
      %select_n3A_278 = arith.select %eq3A_275, %broadcast_in_dim3A_277, %select_n3A_262 : vector<256x528xi1>, vector<256x528xf32>
      %reduce_min3A_279 = arith.constant dense<0x7F800000> : vector<256xf32>
      %reduce_min3A_280 = vector.multi_reduction <minimumf>, %select_n3A_278, %reduce_min3A_279 [1] : vector<256x528xf32> to vector<256xf32>
      %broadcast_in_dim3A_281 = vector.shape_cast %reduce_min3A_280 : vector<256xf32> to vector<256x1xf32>
      %eq3A_282 = vector.broadcast %broadcast_in_dim3A_281 : vector<256x1xf32> to vector<256x528xf32>
      %eq3A_283 = arith.cmpf oeq, %select_n3A_278, %eq3A_282 : vector<256x528xf32>
      %jit3A_284 = arith.constant 1073741824 : i32
      %broadcast_in_dim3A_285 = vector.broadcast %jit3A_284 : i32 to vector<256x528xi32>
      %select_n3A_286 = arith.select %eq3A_283, %concatenate3A_103, %broadcast_in_dim3A_285 : vector<256x528xi1>, vector<256x528xi32>
      %reduce_min3A_287 = arith.constant dense<2147483647> : vector<256xi32>
      %reduce_min3A_288 = vector.multi_reduction <minsi>, %select_n3A_286, %reduce_min3A_287 [1] : vector<256x528xi32> to vector<256xi32>
      %broadcast_in_dim3A_289 = vector.shape_cast %reduce_min3A_288 : vector<256xi32> to vector<256x1xi32>
      %eq3A_290 = vector.broadcast %broadcast_in_dim3A_289 : vector<256x1xi32> to vector<256x528xi32>
      %eq3A_291 = arith.cmpi eq, %concatenate3A_103, %eq3A_290 : vector<256x528xi32>
      %jit3A_292 = arith.constant 0x7F800000 : f32
      %broadcast_in_dim3A_293 = vector.broadcast %jit3A_292 : f32 to vector<256x528xf32>
      %select_n3A_294 = arith.select %eq3A_291, %broadcast_in_dim3A_293, %select_n3A_278 : vector<256x528xi1>, vector<256x528xf32>
      %reduce_min3A_295 = arith.constant dense<0x7F800000> : vector<256xf32>
      %reduce_min3A_296 = vector.multi_reduction <minimumf>, %select_n3A_294, %reduce_min3A_295 [1] : vector<256x528xf32> to vector<256xf32>
      %broadcast_in_dim3A_297 = vector.shape_cast %reduce_min3A_296 : vector<256xf32> to vector<256x1xf32>
      %eq3A_298 = vector.broadcast %broadcast_in_dim3A_297 : vector<256x1xf32> to vector<256x528xf32>
      %eq3A_299 = arith.cmpf oeq, %select_n3A_294, %eq3A_298 : vector<256x528xf32>
      %jit3A_300 = arith.constant 1073741824 : i32
      %broadcast_in_dim3A_301 = vector.broadcast %jit3A_300 : i32 to vector<256x528xi32>
      %select_n3A_302 = arith.select %eq3A_299, %concatenate3A_103, %broadcast_in_dim3A_301 : vector<256x528xi1>, vector<256x528xi32>
      %reduce_min3A_303 = arith.constant dense<2147483647> : vector<256xi32>
      %reduce_min3A_304 = vector.multi_reduction <minsi>, %select_n3A_302, %reduce_min3A_303 [1] : vector<256x528xi32> to vector<256xi32>
      %broadcast_in_dim3A_305 = vector.shape_cast %reduce_min3A_304 : vector<256xi32> to vector<256x1xi32>
      %eq3A_306 = vector.broadcast %broadcast_in_dim3A_305 : vector<256x1xi32> to vector<256x528xi32>
      %eq3A_307 = arith.cmpi eq, %concatenate3A_103, %eq3A_306 : vector<256x528xi32>
      %jit3A_308 = arith.constant 0x7F800000 : f32
      %broadcast_in_dim3A_309 = vector.broadcast %jit3A_308 : f32 to vector<256x528xf32>
      %select_n3A_310 = arith.select %eq3A_307, %broadcast_in_dim3A_309, %select_n3A_294 : vector<256x528xi1>, vector<256x528xf32>
      %reduce_min3A_311 = arith.constant dense<0x7F800000> : vector<256xf32>
      %reduce_min3A_312 = vector.multi_reduction <minimumf>, %select_n3A_310, %reduce_min3A_311 [1] : vector<256x528xf32> to vector<256xf32>
      %broadcast_in_dim3A_313 = vector.shape_cast %reduce_min3A_312 : vector<256xf32> to vector<256x1xf32>
      %eq3A_314 = vector.broadcast %broadcast_in_dim3A_313 : vector<256x1xf32> to vector<256x528xf32>
      %eq3A_315 = arith.cmpf oeq, %select_n3A_310, %eq3A_314 : vector<256x528xf32>
      %jit3A_316 = arith.constant 1073741824 : i32
      %broadcast_in_dim3A_317 = vector.broadcast %jit3A_316 : i32 to vector<256x528xi32>
      %select_n3A_318 = arith.select %eq3A_315, %concatenate3A_103, %broadcast_in_dim3A_317 : vector<256x528xi1>, vector<256x528xi32>
      %reduce_min3A_319 = arith.constant dense<2147483647> : vector<256xi32>
      %reduce_min3A_320 = vector.multi_reduction <minsi>, %select_n3A_318, %reduce_min3A_319 [1] : vector<256x528xi32> to vector<256xi32>
      %broadcast_in_dim3A_321 = vector.shape_cast %reduce_min3A_320 : vector<256xi32> to vector<256x1xi32>
      %eq3A_322 = vector.broadcast %broadcast_in_dim3A_321 : vector<256x1xi32> to vector<256x528xi32>
      %eq3A_323 = arith.cmpi eq, %concatenate3A_103, %eq3A_322 : vector<256x528xi32>
      %jit3A_324 = arith.constant 0x7F800000 : f32
      %broadcast_in_dim3A_325 = vector.broadcast %jit3A_324 : f32 to vector<256x528xf32>
      %select_n3A_326 = arith.select %eq3A_323, %broadcast_in_dim3A_325, %select_n3A_310 : vector<256x528xi1>, vector<256x528xf32>
      %reduce_min3A_327 = arith.constant dense<0x7F800000> : vector<256xf32>
      %reduce_min3A_328 = vector.multi_reduction <minimumf>, %select_n3A_326, %reduce_min3A_327 [1] : vector<256x528xf32> to vector<256xf32>
      %broadcast_in_dim3A_329 = vector.shape_cast %reduce_min3A_328 : vector<256xf32> to vector<256x1xf32>
      %eq3A_330 = vector.broadcast %broadcast_in_dim3A_329 : vector<256x1xf32> to vector<256x528xf32>
      %eq3A_331 = arith.cmpf oeq, %select_n3A_326, %eq3A_330 : vector<256x528xf32>
      %jit3A_332 = arith.constant 1073741824 : i32
      %broadcast_in_dim3A_333 = vector.broadcast %jit3A_332 : i32 to vector<256x528xi32>
      %select_n3A_334 = arith.select %eq3A_331, %concatenate3A_103, %broadcast_in_dim3A_333 : vector<256x528xi1>, vector<256x528xi32>
      %reduce_min3A_335 = arith.constant dense<2147483647> : vector<256xi32>
      %reduce_min3A_336 = vector.multi_reduction <minsi>, %select_n3A_334, %reduce_min3A_335 [1] : vector<256x528xi32> to vector<256xi32>
      %broadcast_in_dim3A_337 = vector.shape_cast %reduce_min3A_336 : vector<256xi32> to vector<256x1xi32>
      %eq3A_338 = vector.broadcast %broadcast_in_dim3A_337 : vector<256x1xi32> to vector<256x528xi32>
      %eq3A_339 = arith.cmpi eq, %concatenate3A_103, %eq3A_338 : vector<256x528xi32>
      %jit3A_340 = arith.constant 0x7F800000 : f32
      %broadcast_in_dim3A_341 = vector.broadcast %jit3A_340 : f32 to vector<256x528xf32>
      %select_n3A_342 = arith.select %eq3A_339, %broadcast_in_dim3A_341, %select_n3A_326 : vector<256x528xi1>, vector<256x528xf32>
      %reduce_min3A_343 = arith.constant dense<0x7F800000> : vector<256xf32>
      %reduce_min3A_344 = vector.multi_reduction <minimumf>, %select_n3A_342, %reduce_min3A_343 [1] : vector<256x528xf32> to vector<256xf32>
      %broadcast_in_dim3A_345 = vector.shape_cast %reduce_min3A_344 : vector<256xf32> to vector<256x1xf32>
      %eq3A_346 = vector.broadcast %broadcast_in_dim3A_345 : vector<256x1xf32> to vector<256x528xf32>
      %eq3A_347 = arith.cmpf oeq, %select_n3A_342, %eq3A_346 : vector<256x528xf32>
      %jit3A_348 = arith.constant 1073741824 : i32
      %broadcast_in_dim3A_349 = vector.broadcast %jit3A_348 : i32 to vector<256x528xi32>
      %select_n3A_350 = arith.select %eq3A_347, %concatenate3A_103, %broadcast_in_dim3A_349 : vector<256x528xi1>, vector<256x528xi32>
      %reduce_min3A_351 = arith.constant dense<2147483647> : vector<256xi32>
      %reduce_min3A_352 = vector.multi_reduction <minsi>, %select_n3A_350, %reduce_min3A_351 [1] : vector<256x528xi32> to vector<256xi32>
      %broadcast_in_dim3A_353 = vector.shape_cast %reduce_min3A_352 : vector<256xi32> to vector<256x1xi32>
      %eq3A_354 = vector.broadcast %broadcast_in_dim3A_353 : vector<256x1xi32> to vector<256x528xi32>
      %eq3A_355 = arith.cmpi eq, %concatenate3A_103, %eq3A_354 : vector<256x528xi32>
      %jit3A_356 = arith.constant 0x7F800000 : f32
      %broadcast_in_dim3A_357 = vector.broadcast %jit3A_356 : f32 to vector<256x528xf32>
      %select_n3A_358 = arith.select %eq3A_355, %broadcast_in_dim3A_357, %select_n3A_342 : vector<256x528xi1>, vector<256x528xf32>
      %concatenate3A_359 = tpu.concatenate %broadcast_in_dim3A_105, %broadcast_in_dim3A_121, %broadcast_in_dim3A_137, %broadcast_in_dim3A_153, %broadcast_in_dim3A_169, %broadcast_in_dim3A_185, %broadcast_in_dim3A_201, %broadcast_in_dim3A_217, %broadcast_in_dim3A_233, %broadcast_in_dim3A_249, %broadcast_in_dim3A_265, %broadcast_in_dim3A_281, %broadcast_in_dim3A_297, %broadcast_in_dim3A_313, %broadcast_in_dim3A_329, %broadcast_in_dim3A_345 in 1 : vector<256x1xf32>, vector<256x1xf32>, vector<256x1xf32>, vector<256x1xf32>, vector<256x1xf32>, vector<256x1xf32>, vector<256x1xf32>, vector<256x1xf32>, vector<256x1xf32>, vector<256x1xf32>, vector<256x1xf32>, vector<256x1xf32>, vector<256x1xf32>, vector<256x1xf32>, vector<256x1xf32>, vector<256x1xf32> -> vector<256x16xf32>
      %concatenate3A_360 = tpu.concatenate %broadcast_in_dim3A_113, %broadcast_in_dim3A_129, %broadcast_in_dim3A_145, %broadcast_in_dim3A_161, %broadcast_in_dim3A_177, %broadcast_in_dim3A_193, %broadcast_in_dim3A_209, %broadcast_in_dim3A_225, %broadcast_in_dim3A_241, %broadcast_in_dim3A_257, %broadcast_in_dim3A_273, %broadcast_in_dim3A_289, %broadcast_in_dim3A_305, %broadcast_in_dim3A_321, %broadcast_in_dim3A_337, %broadcast_in_dim3A_353 in 1 : vector<256x1xi32>, vector<256x1xi32>, vector<256x1xi32>, vector<256x1xi32>, vector<256x1xi32>, vector<256x1xi32>, vector<256x1xi32>, vector<256x1xi32>, vector<256x1xi32>, vector<256x1xi32>, vector<256x1xi32>, vector<256x1xi32>, vector<256x1xi32>, vector<256x1xi32>, vector<256x1xi32>, vector<256x1xi32> -> vector<256x16xi32>
      scf.yield %concatenate3A_359, %concatenate3A_360 : vector<256x16xf32>, vector<256x16xi32>
    }
    %swap3A = arith.constant 0 : index
    %swap3A_67 = arith.constant 0 : index
    %swap3A_68 = vector.load %arg9[%swap3A, %swap3A_67] : memref<256x16xi32, #tpu.memory_space<vmem>>, vector<256x16xi32>
    tpu.vector_store %arg9[%swap3A, %swap3A_67], %while3A_66#1 {strides = array<i32>} : memref<256x16xi32, #tpu.memory_space<vmem>>, vector<256x16xi32>,
    return
  }
  func.func @transform_0(%arg0: i32) -> i32 {
    %c0_i32 = arith.constant 0 : i32
    %c0_i32_0 = arith.constant 0 : i32
    return %c0_i32 : i32
  }
  func.func @transform_1(%arg0: i32) -> i32 {
    %c0_i32 = arith.constant 0 : i32
    %c0_i32_0 = arith.constant 0 : i32
    return %c0_i32 : i32
  }
  func.func @transform_2(%arg0: i32) -> (i32, i32) {
    %c0_i32 = arith.constant 0 : i32
    %c0_i32_0 = arith.constant 0 : i32
    return %arg0, %c0_i32 : i32, i32
  }
  func.func @transform_3(%arg0: i32) -> (i32, i32) {
    %c0_i32 = arith.constant 0 : i32
    %c0_i32_0 = arith.constant 0 : i32
    %c0_i32_1 = arith.constant 0 : i32
    return %c0_i32, %c0_i32_0 : i32, i32
  }
  func.func @transform_4(%arg0: i32) -> (i32, i32) {
    %c0_i32 = arith.constant 0 : i32
    %c0_i32_0 = arith.constant 0 : i32
    return %arg0, %c0_i32 : i32, i32
  }
  func.func @transform_5(%arg0: i32) -> (i32, i32) {
    %c0_i32 = arith.constant 0 : i32
    %c0_i32_0 = arith.constant 0 : i32
    %c0_i32_1 = arith.constant 0 : i32
    return %c0_i32, %c0_i32_0 : i32, i32
  }
  func.func @transform_6(%arg0: i32) -> (i32, i32) {
    %c0_i32 = arith.constant 0 : i32
    %c0_i32_0 = arith.constant 0 : i32
    return %arg0, %c0_i32 : i32, i32
  }
  func.func @transform_7(%arg0: i32) -> (i32, i32) {
    %c0_i32 = arith.constant 0 : i32
    %c0_i32_0 = arith.constant 0 : i32
    %c0_i32_1 = arith.constant 0 : i32
    return %c0_i32, %c0_i32_0 : i32, i32
  }
  func.func @transform_8(%arg0: i32) -> (i32, i32) {
    %c0_i32 = arith.constant 0 : i32
    %c0_i32_0 = arith.constant 0 : i32
    return %arg0, %c0_i32 : i32, i32
  }
}

module attributes {stable_mosaic.version = 14 : i64} {
  func.func @_stats_body(%arg0: i32, %arg1: memref<2048x128xf32, #tpu.memory_space<vmem>>, %arg2: memref<128x128xf32, #tpu.memory_space<vmem>>, %arg3: memref<256x128xf32, #tpu.memory_space<vmem>>, %arg4: memref<1x128xf32, #tpu.memory_space<vmem>>, %arg5: memref<8x128xf32, #tpu.memory_space<vmem>>) attributes {dimension_semantics = [#tpu.dimension_semantics<arbitrary>], iteration_bounds = array<i64: 64>, scalar_prefetch = 0 : i64, scratch_operands = 0 : i64, tpu.core_type = #tpu.core_type<tc>, window_params = [{transform_indices = @transform_0, window_bounds = array<i64: 2048, 128>}, {transform_indices = @transform_1, window_bounds = array<i64: 128, 128>}, {pipeline_mode = #tpu.pipeline_mode<synchronous>, transform_indices = @transform_2, window_bounds = array<i64: 256, 128>}, {pipeline_mode = #tpu.pipeline_mode<synchronous>, transform_indices = @transform_3, window_bounds = array<i64: 1, 128>}, {pipeline_mode = #tpu.pipeline_mode<synchronous>, transform_indices = @transform_4, window_bounds = array<i64: 8, 128>}]} {
    %get3A = arith.constant 0 : index
    %get3A_0 = arith.constant 0 : index
    %get3A_1 = vector.load %arg2[%get3A, %get3A_0] : memref<128x128xf32, #tpu.memory_space<vmem>>, vector<128x128xf32>
    %broadcast_in_dim3A = vector.shape_cast %get3A_1 : vector<128x128xf32> to vector<128x1x128xf32>
    %broadcast_in_dim3A_2 = vector.shape_cast %broadcast_in_dim3A : vector<128x1x128xf32> to vector<128x1x128xf32>
    %broadcast_in_dim3A_3 = vector.broadcast %broadcast_in_dim3A_2 : vector<128x1x128xf32> to vector<128x16x128xf32>
    %reshape3A = vector.shape_cast %broadcast_in_dim3A_3 : vector<128x16x128xf32> to vector<2048x128xf32>
    %get3A_4 = arith.constant 0 : index
    %get3A_5 = arith.constant 0 : index
    %get3A_6 = vector.load %arg1[%get3A_4, %get3A_5] : memref<2048x128xf32, #tpu.memory_space<vmem>>, vector<2048x128xf32>
    %sub3A = arith.subf %get3A_6, %reshape3A : vector<2048x128xf32>
    %concatenate3A = tpu.concatenate %reshape3A, %sub3A in 1 : vector<2048x128xf32>, vector<2048x128xf32> -> vector<2048x256xf32>
    %get3A_7 = arith.constant 0 : index
    %get3A_8 = arith.constant 0 : index
    %get3A_9 = vector.load %arg3[%get3A_7, %get3A_8] : memref<256x128xf32, #tpu.memory_space<vmem>>, vector<256x128xf32>
    %dot_general3A = arith.constant dense<0.000000e+00> : vector<2048x128xf32>
    %dot_general3A_10 = tpu.matmul %concatenate3A, %get3A_9, %dot_general3A {dimension_numbers = #tpu.dot_dimension_numbers<[1], [0], [0], [1], [0, 0, 1, 1], [], []>, transpose_lhs_hint = false} : vector<2048x256xf32>, vector<256x128xf32>, vector<2048x128xf32> -> vector<2048x128xf32>
    %get3A_11 = arith.constant 0 : index
    %get3A_12 = arith.constant 0 : index
    %get3A_13 = vector.load %arg4[%get3A_11, %get3A_12] : memref<1x128xf32, #tpu.memory_space<vmem>>, vector<1x128xf32>
    %add3A = vector.broadcast %get3A_13 : vector<1x128xf32> to vector<2048x128xf32>
    %add3A_14 = arith.addf %dot_general3A_10, %add3A : vector<2048x128xf32>
    %eq3A = arith.constant 0 : i32
    %eq3A_15 = arith.cmpi eq, %arg0, %eq3A : i32
    %convert_element_type3A = arith.extui %eq3A_15 : i1 to i32
    %cond3A = arith.constant 0 : i32
    %cond3A_16 = arith.cmpi ne, %convert_element_type3A, %cond3A : i32
    scf.if %cond3A_16 {
      %broadcast_in_dim3A_35 = arith.constant 0.000000e+00 : f32
      %broadcast_in_dim3A_36 = vector.broadcast %broadcast_in_dim3A_35 : f32 to vector<8x128xf32>
      %swap3A_37 = arith.constant 0 : index
      %swap3A_38 = arith.constant 0 : index
      %swap3A_39 = vector.load %arg5[%swap3A_37, %swap3A_38] : memref<8x128xf32, #tpu.memory_space<vmem>>, vector<8x128xf32>
      tpu.vector_store %arg5[%swap3A_37, %swap3A_38], %broadcast_in_dim3A_36 {strides = array<i32>} : memref<8x128xf32, #tpu.memory_space<vmem>>, vector<8x128xf32>,
    } else {
    }
    %get3A_17 = arith.constant 0 : index
    %get3A_18 = arith.constant 0 : index
    %get3A_19 = vector.load %arg5[%get3A_17, %get3A_18] : memref<8x128xf32, #tpu.memory_space<vmem>>, vector<1x128xf32>
    %reduce_sum3A = arith.constant dense<0.000000e+00> : vector<128xf32>
    %reduce_sum3A_20 = vector.multi_reduction <add>, %add3A_14, %reduce_sum3A [0] : vector<2048x128xf32> to vector<128xf32>
    %broadcast_in_dim3A_21 = vector.shape_cast %reduce_sum3A_20 : vector<128xf32> to vector<1x128xf32>
    %add3A_22 = arith.addf %get3A_19, %broadcast_in_dim3A_21 : vector<1x128xf32>
    %swap3A = arith.constant 0 : index
    %swap3A_23 = arith.constant 0 : index
    %swap3A_24 = vector.load %arg5[%swap3A, %swap3A_23] : memref<8x128xf32, #tpu.memory_space<vmem>>, vector<1x128xf32>
    tpu.vector_store %arg5[%swap3A, %swap3A_23], %add3A_22 {strides = array<i32>} : memref<8x128xf32, #tpu.memory_space<vmem>>, vector<1x128xf32>,
    %get3A_25 = arith.constant 1 : index
    %get3A_26 = arith.constant 0 : index
    %get3A_27 = vector.load %arg5[%get3A_25, %get3A_26] : memref<8x128xf32, #tpu.memory_space<vmem>>, vector<1x128xf32>
    %mul3A = arith.mulf %add3A_14, %add3A_14 : vector<2048x128xf32>
    %reduce_sum3A_28 = arith.constant dense<0.000000e+00> : vector<128xf32>
    %reduce_sum3A_29 = vector.multi_reduction <add>, %mul3A, %reduce_sum3A_28 [0] : vector<2048x128xf32> to vector<128xf32>
    %broadcast_in_dim3A_30 = vector.shape_cast %reduce_sum3A_29 : vector<128xf32> to vector<1x128xf32>
    %add3A_31 = arith.addf %get3A_27, %broadcast_in_dim3A_30 : vector<1x128xf32>
    %swap3A_32 = arith.constant 1 : index
    %swap3A_33 = arith.constant 0 : index
    %swap3A_34 = vector.load %arg5[%swap3A_32, %swap3A_33] : memref<8x128xf32, #tpu.memory_space<vmem>>, vector<1x128xf32>
    tpu.vector_store %arg5[%swap3A_32, %swap3A_33], %add3A_31 {strides = array<i32>} : memref<8x128xf32, #tpu.memory_space<vmem>>, vector<1x128xf32>,
    return
  }
  func.func @transform_0(%arg0: i32) -> (i32, i32) {
    %c0_i32 = arith.constant 0 : i32
    %c0_i32_0 = arith.constant 0 : i32
    return %arg0, %c0_i32 : i32, i32
  }
  func.func @transform_1(%arg0: i32) -> (i32, i32) {
    %c0_i32 = arith.constant 0 : i32
    %c0_i32_0 = arith.constant 0 : i32
    return %arg0, %c0_i32 : i32, i32
  }
  func.func @transform_2(%arg0: i32) -> (i32, i32) {
    %c0_i32 = arith.constant 0 : i32
    %c0_i32_0 = arith.constant 0 : i32
    %c0_i32_1 = arith.constant 0 : i32
    return %c0_i32, %c0_i32_0 : i32, i32
  }
  func.func @transform_3(%arg0: i32) -> (i32, i32) {
    %c0_i32 = arith.constant 0 : i32
    %c0_i32_0 = arith.constant 0 : i32
    %c0_i32_1 = arith.constant 0 : i32
    return %c0_i32, %c0_i32_0 : i32, i32
  }
  func.func @transform_4(%arg0: i32) -> (i32, i32) {
    %c0_i32 = arith.constant 0 : i32
    %c0_i32_0 = arith.constant 0 : i32
    %c0_i32_1 = arith.constant 0 : i32
    return %c0_i32, %c0_i32_0 : i32, i32
  }
}

module attributes {stable_mosaic.version = 14 : i64} {
  func.func @_mlp2_body(%arg0: i32, %arg1: memref<2048x128xf32, #tpu.memory_space<vmem>>, %arg2: memref<128x128xf32, #tpu.memory_space<vmem>>, %arg3: memref<256x128xf32, #tpu.memory_space<vmem>>, %arg4: memref<1x128xf32, #tpu.memory_space<vmem>>, %arg5: memref<8x128xf32, #tpu.memory_space<vmem>>, %arg6: memref<128x64xf32, #tpu.memory_space<vmem>>, %arg7: memref<1x64xf32, #tpu.memory_space<vmem>>, %arg8: memref<128x64xf32, #tpu.memory_space<vmem>>, %arg9: memref<128x64xf32, #tpu.memory_space<vmem>>, %arg10: memref<8x64xf32, #tpu.memory_space<vmem>>) attributes {dimension_semantics = [#tpu.dimension_semantics<arbitrary>], iteration_bounds = array<i64: 64>, scalar_prefetch = 0 : i64, scratch_operands = 0 : i64, tpu.core_type = #tpu.core_type<tc>, window_params = [{transform_indices = @transform_0, window_bounds = array<i64: 2048, 128>}, {transform_indices = @transform_1, window_bounds = array<i64: 128, 128>}, {pipeline_mode = #tpu.pipeline_mode<synchronous>, transform_indices = @transform_2, window_bounds = array<i64: 256, 128>}, {pipeline_mode = #tpu.pipeline_mode<synchronous>, transform_indices = @transform_3, window_bounds = array<i64: 1, 128>}, {pipeline_mode = #tpu.pipeline_mode<synchronous>, transform_indices = @transform_4, window_bounds = array<i64: 8, 128>}, {pipeline_mode = #tpu.pipeline_mode<synchronous>, transform_indices = @transform_5, window_bounds = array<i64: 128, 64>}, {pipeline_mode = #tpu.pipeline_mode<synchronous>, transform_indices = @transform_6, window_bounds = array<i64: 1, 64>}, {transform_indices = @transform_7, window_bounds = array<i64: 128, 64>}, {transform_indices = @transform_8, window_bounds = array<i64: 128, 64>}, {pipeline_mode = #tpu.pipeline_mode<synchronous>, transform_indices = @transform_9, window_bounds = array<i64: 8, 64>}]} {
    %get3A = arith.constant 0 : index
    %get3A_0 = arith.constant 0 : index
    %get3A_1 = vector.load %arg2[%get3A, %get3A_0] : memref<128x128xf32, #tpu.memory_space<vmem>>, vector<128x128xf32>
    %broadcast_in_dim3A = vector.shape_cast %get3A_1 : vector<128x128xf32> to vector<128x1x128xf32>
    %broadcast_in_dim3A_2 = vector.shape_cast %broadcast_in_dim3A : vector<128x1x128xf32> to vector<128x1x128xf32>
    %broadcast_in_dim3A_3 = vector.broadcast %broadcast_in_dim3A_2 : vector<128x1x128xf32> to vector<128x16x128xf32>
    %reshape3A = vector.shape_cast %broadcast_in_dim3A_3 : vector<128x16x128xf32> to vector<2048x128xf32>
    %get3A_4 = arith.constant 0 : index
    %get3A_5 = arith.constant 0 : index
    %get3A_6 = vector.load %arg1[%get3A_4, %get3A_5] : memref<2048x128xf32, #tpu.memory_space<vmem>>, vector<2048x128xf32>
    %sub3A = arith.subf %get3A_6, %reshape3A : vector<2048x128xf32>
    %concatenate3A = tpu.concatenate %reshape3A, %sub3A in 1 : vector<2048x128xf32>, vector<2048x128xf32> -> vector<2048x256xf32>
    %get3A_7 = arith.constant 0 : index
    %get3A_8 = arith.constant 0 : index
    %get3A_9 = vector.load %arg3[%get3A_7, %get3A_8] : memref<256x128xf32, #tpu.memory_space<vmem>>, vector<256x128xf32>
    %dot_general3A = arith.constant dense<0.000000e+00> : vector<2048x128xf32>
    %dot_general3A_10 = tpu.matmul %concatenate3A, %get3A_9, %dot_general3A {dimension_numbers = #tpu.dot_dimension_numbers<[1], [0], [0], [1], [0, 0, 1, 1], [], []>, transpose_lhs_hint = false} : vector<2048x256xf32>, vector<256x128xf32>, vector<2048x128xf32> -> vector<2048x128xf32>
    %get3A_11 = arith.constant 0 : index
    %get3A_12 = arith.constant 0 : index
    %get3A_13 = vector.load %arg4[%get3A_11, %get3A_12] : memref<1x128xf32, #tpu.memory_space<vmem>>, vector<1x128xf32>
    %add3A = vector.broadcast %get3A_13 : vector<1x128xf32> to vector<2048x128xf32>
    %add3A_14 = arith.addf %dot_general3A_10, %add3A : vector<2048x128xf32>
    %get3A_15 = arith.constant 0 : index
    %get3A_16 = arith.constant 0 : index
    %get3A_17 = vector.load %arg5[%get3A_15, %get3A_16] : memref<8x128xf32, #tpu.memory_space<vmem>>, vector<1x128xf32>
    %mul3A = vector.broadcast %get3A_17 : vector<1x128xf32> to vector<2048x128xf32>
    %mul3A_18 = arith.mulf %add3A_14, %mul3A : vector<2048x128xf32>
    %get3A_19 = arith.constant 1 : index
    %get3A_20 = arith.constant 0 : index
    %get3A_21 = vector.load %arg5[%get3A_19, %get3A_20] : memref<8x128xf32, #tpu.memory_space<vmem>>, vector<1x128xf32>
    %add3A_22 = vector.broadcast %get3A_21 : vector<1x128xf32> to vector<2048x128xf32>
    %add3A_23 = arith.addf %mul3A_18, %add3A_22 : vector<2048x128xf32>
    %max3A = arith.constant 0.000000e+00 : f32
    %max3A_24 = vector.broadcast %max3A : f32 to vector<2048x128xf32>
    %max3A_25 = arith.maximumf %add3A_23, %max3A_24 : vector<2048x128xf32>
    %get3A_26 = arith.constant 0 : index
    %get3A_27 = arith.constant 0 : index
    %get3A_28 = vector.load %arg6[%get3A_26, %get3A_27] : memref<128x64xf32, #tpu.memory_space<vmem>>, vector<128x64xf32>
    %dot_general3A_29 = arith.constant dense<0.000000e+00> : vector<2048x64xf32>
    %dot_general3A_30 = tpu.matmul %max3A_25, %get3A_28, %dot_general3A_29 {dimension_numbers = #tpu.dot_dimension_numbers<[1], [0], [0], [1], [0, 0, 1, 1], [], []>, transpose_lhs_hint = false} : vector<2048x128xf32>, vector<128x64xf32>, vector<2048x64xf32> -> vector<2048x64xf32>
    %get3A_31 = arith.constant 0 : index
    %get3A_32 = arith.constant 0 : index
    %get3A_33 = vector.load %arg7[%get3A_31, %get3A_32] : memref<1x64xf32, #tpu.memory_space<vmem>>, vector<1x64xf32>
    %add3A_34 = vector.broadcast %get3A_33 : vector<1x64xf32> to vector<2048x64xf32>
    %add3A_35 = arith.addf %dot_general3A_30, %add3A_34 : vector<2048x64xf32>
    %reshape3A_36 = vector.shape_cast %add3A_35 : vector<2048x64xf32> to vector<128x16x64xf32>
    %reduce_max3A = arith.constant dense<0xFF800000> : vector<128x64xf32>
    %reduce_max3A_37 = vector.multi_reduction <maximumf>, %reshape3A_36, %reduce_max3A [1] : vector<128x16x64xf32> to vector<128x64xf32>
    %swap3A = arith.constant 0 : index
    %swap3A_38 = arith.constant 0 : index
    %swap3A_39 = vector.load %arg8[%swap3A, %swap3A_38] : memref<128x64xf32, #tpu.memory_space<vmem>>, vector<128x64xf32>
    tpu.vector_store %arg8[%swap3A, %swap3A_38], %reduce_max3A_37 {strides = array<i32>} : memref<128x64xf32, #tpu.memory_space<vmem>>, vector<128x64xf32>,
    %reduce_min3A = arith.constant dense<0x7F800000> : vector<128x64xf32>
    %reduce_min3A_40 = vector.multi_reduction <minimumf>, %reshape3A_36, %reduce_min3A [1] : vector<128x16x64xf32> to vector<128x64xf32>
    %swap3A_41 = arith.constant 0 : index
    %swap3A_42 = arith.constant 0 : index
    %swap3A_43 = vector.load %arg9[%swap3A_41, %swap3A_42] : memref<128x64xf32, #tpu.memory_space<vmem>>, vector<128x64xf32>
    tpu.vector_store %arg9[%swap3A_41, %swap3A_42], %reduce_min3A_40 {strides = array<i32>} : memref<128x64xf32, #tpu.memory_space<vmem>>, vector<128x64xf32>,
    %eq3A = arith.constant 0 : i32
    %eq3A_44 = arith.cmpi eq, %arg0, %eq3A : i32
    %convert_element_type3A = arith.extui %eq3A_44 : i1 to i32
    %cond3A = arith.constant 0 : i32
    %cond3A_45 = arith.cmpi ne, %convert_element_type3A, %cond3A : i32
    scf.if %cond3A_45 {
      %broadcast_in_dim3A_66 = arith.constant 0.000000e+00 : f32
      %broadcast_in_dim3A_67 = vector.broadcast %broadcast_in_dim3A_66 : f32 to vector<8x64xf32>
      %swap3A_68 = arith.constant 0 : index
      %swap3A_69 = arith.constant 0 : index
      %swap3A_70 = vector.load %arg10[%swap3A_68, %swap3A_69] : memref<8x64xf32, #tpu.memory_space<vmem>>, vector<8x64xf32>
      tpu.vector_store %arg10[%swap3A_68, %swap3A_69], %broadcast_in_dim3A_67 {strides = array<i32>} : memref<8x64xf32, #tpu.memory_space<vmem>>, vector<8x64xf32>,
    } else {
    }
    %get3A_46 = arith.constant 0 : index
    %get3A_47 = arith.constant 0 : index
    %get3A_48 = vector.load %arg10[%get3A_46, %get3A_47] : memref<8x64xf32, #tpu.memory_space<vmem>>, vector<1x64xf32>
    %reduce_sum3A = arith.constant dense<0.000000e+00> : vector<64xf32>
    %reduce_sum3A_49 = vector.multi_reduction <add>, %add3A_35, %reduce_sum3A [0] : vector<2048x64xf32> to vector<64xf32>
    %broadcast_in_dim3A_50 = vector.shape_cast %reduce_sum3A_49 : vector<64xf32> to vector<1x64xf32>
    %add3A_51 = arith.addf %get3A_48, %broadcast_in_dim3A_50 : vector<1x64xf32>
    %swap3A_52 = arith.constant 0 : index
    %swap3A_53 = arith.constant 0 : index
    %swap3A_54 = vector.load %arg10[%swap3A_52, %swap3A_53] : memref<8x64xf32, #tpu.memory_space<vmem>>, vector<1x64xf32>
    tpu.vector_store %arg10[%swap3A_52, %swap3A_53], %add3A_51 {strides = array<i32>} : memref<8x64xf32, #tpu.memory_space<vmem>>, vector<1x64xf32>,
    %get3A_55 = arith.constant 1 : index
    %get3A_56 = arith.constant 0 : index
    %get3A_57 = vector.load %arg10[%get3A_55, %get3A_56] : memref<8x64xf32, #tpu.memory_space<vmem>>, vector<1x64xf32>
    %mul3A_58 = arith.mulf %add3A_35, %add3A_35 : vector<2048x64xf32>
    %reduce_sum3A_59 = arith.constant dense<0.000000e+00> : vector<64xf32>
    %reduce_sum3A_60 = vector.multi_reduction <add>, %mul3A_58, %reduce_sum3A_59 [0] : vector<2048x64xf32> to vector<64xf32>
    %broadcast_in_dim3A_61 = vector.shape_cast %reduce_sum3A_60 : vector<64xf32> to vector<1x64xf32>
    %add3A_62 = arith.addf %get3A_57, %broadcast_in_dim3A_61 : vector<1x64xf32>
    %swap3A_63 = arith.constant 1 : index
    %swap3A_64 = arith.constant 0 : index
    %swap3A_65 = vector.load %arg10[%swap3A_63, %swap3A_64] : memref<8x64xf32, #tpu.memory_space<vmem>>, vector<1x64xf32>
    tpu.vector_store %arg10[%swap3A_63, %swap3A_64], %add3A_62 {strides = array<i32>} : memref<8x64xf32, #tpu.memory_space<vmem>>, vector<1x64xf32>,
    return
  }
  func.func @transform_0(%arg0: i32) -> (i32, i32) {
    %c0_i32 = arith.constant 0 : i32
    %c0_i32_0 = arith.constant 0 : i32
    return %arg0, %c0_i32 : i32, i32
  }
  func.func @transform_1(%arg0: i32) -> (i32, i32) {
    %c0_i32 = arith.constant 0 : i32
    %c0_i32_0 = arith.constant 0 : i32
    return %arg0, %c0_i32 : i32, i32
  }
  func.func @transform_2(%arg0: i32) -> (i32, i32) {
    %c0_i32 = arith.constant 0 : i32
    %c0_i32_0 = arith.constant 0 : i32
    %c0_i32_1 = arith.constant 0 : i32
    return %c0_i32, %c0_i32_0 : i32, i32
  }
  func.func @transform_3(%arg0: i32) -> (i32, i32) {
    %c0_i32 = arith.constant 0 : i32
    %c0_i32_0 = arith.constant 0 : i32
    %c0_i32_1 = arith.constant 0 : i32
    return %c0_i32, %c0_i32_0 : i32, i32
  }
  func.func @transform_4(%arg0: i32) -> (i32, i32) {
    %c0_i32 = arith.constant 0 : i32
    %c0_i32_0 = arith.constant 0 : i32
    %c0_i32_1 = arith.constant 0 : i32
    return %c0_i32, %c0_i32_0 : i32, i32
  }
  func.func @transform_5(%arg0: i32) -> (i32, i32) {
    %c0_i32 = arith.constant 0 : i32
    %c0_i32_0 = arith.constant 0 : i32
    %c0_i32_1 = arith.constant 0 : i32
    return %c0_i32, %c0_i32_0 : i32, i32
  }
  func.func @transform_6(%arg0: i32) -> (i32, i32) {
    %c0_i32 = arith.constant 0 : i32
    %c0_i32_0 = arith.constant 0 : i32
    %c0_i32_1 = arith.constant 0 : i32
    return %c0_i32, %c0_i32_0 : i32, i32
  }
  func.func @transform_7(%arg0: i32) -> (i32, i32) {
    %c0_i32 = arith.constant 0 : i32
    %c0_i32_0 = arith.constant 0 : i32
    return %arg0, %c0_i32 : i32, i32
  }
  func.func @transform_8(%arg0: i32) -> (i32, i32) {
    %c0_i32 = arith.constant 0 : i32
    %c0_i32_0 = arith.constant 0 : i32
    return %arg0, %c0_i32 : i32, i32
  }
  func.func @transform_9(%arg0: i32) -> (i32, i32) {
    %c0_i32 = arith.constant 0 : i32
    %c0_i32_0 = arith.constant 0 : i32
    %c0_i32_1 = arith.constant 0 : i32
    return %c0_i32, %c0_i32_0 : i32, i32
  }
}

module attributes {stable_mosaic.version = 14 : i64} {
  func.func @_epi_body(%arg0: i32, %arg1: memref<1024x64xf32, #tpu.memory_space<vmem>>, %arg2: memref<1024x64xf32, #tpu.memory_space<vmem>>, %arg3: memref<8x64xf32, #tpu.memory_space<vmem>>, %arg4: memref<1024x64xf32, #tpu.memory_space<vmem>>) attributes {dimension_semantics = [#tpu.dimension_semantics<arbitrary>], iteration_bounds = array<i64: 8>, scalar_prefetch = 0 : i64, scratch_operands = 0 : i64, tpu.core_type = #tpu.core_type<tc>, window_params = [{transform_indices = @transform_0, window_bounds = array<i64: 1024, 64>}, {transform_indices = @transform_1, window_bounds = array<i64: 1024, 64>}, {pipeline_mode = #tpu.pipeline_mode<synchronous>, transform_indices = @transform_2, window_bounds = array<i64: 8, 64>}, {transform_indices = @transform_3, window_bounds = array<i64: 1024, 64>}]} {
    %get3A = arith.constant 0 : index
    %get3A_0 = arith.constant 0 : index
    %get3A_1 = vector.load %arg3[%get3A, %get3A_0] : memref<8x64xf32, #tpu.memory_space<vmem>>, vector<8x64xf32>
    %slice3A = vector.extract_strided_slice %get3A_1 {offsets = [0, 0], sizes = [1, 64], strides = [1, 1]} : vector<8x64xf32> to vector<1x64xf32>
    %slice3A_2 = vector.extract_strided_slice %get3A_1 {offsets = [1, 0], sizes = [1, 64], strides = [1, 1]} : vector<8x64xf32> to vector<1x64xf32>
    %ge3A = arith.constant 0.000000e+00 : f32
    %ge3A_3 = vector.broadcast %ge3A : f32 to vector<1x64xf32>
    %ge3A_4 = arith.cmpf oge, %slice3A, %ge3A_3 : vector<1x64xf32>
    %get3A_5 = arith.constant 0 : index
    %get3A_6 = arith.constant 0 : index
    %get3A_7 = vector.load %arg1[%get3A_5, %get3A_6] : memref<1024x64xf32, #tpu.memory_space<vmem>>, vector<1024x64xf32>
    %mul3A = vector.broadcast %slice3A : vector<1x64xf32> to vector<1024x64xf32>
    %mul3A_8 = arith.mulf %mul3A, %get3A_7 : vector<1024x64xf32>
    %get3A_9 = arith.constant 0 : index
    %get3A_10 = arith.constant 0 : index
    %get3A_11 = vector.load %arg2[%get3A_9, %get3A_10] : memref<1024x64xf32, #tpu.memory_space<vmem>>, vector<1024x64xf32>
    %mul3A_12 = vector.broadcast %slice3A : vector<1x64xf32> to vector<1024x64xf32>
    %mul3A_13 = arith.mulf %mul3A_12, %get3A_11 : vector<1024x64xf32>
    %broadcast_in_dim3A = vector.shape_cast %ge3A_4 : vector<1x64xi1> to vector<1x64xi1>
    %broadcast_in_dim3A_14 = vector.broadcast %broadcast_in_dim3A : vector<1x64xi1> to vector<1024x64xi1>
    %select_n3A = arith.select %broadcast_in_dim3A_14, %mul3A_8, %mul3A_13 : vector<1024x64xi1>, vector<1024x64xf32>
    %add3A = vector.broadcast %slice3A_2 : vector<1x64xf32> to vector<1024x64xf32>
    %add3A_15 = arith.addf %select_n3A, %add3A : vector<1024x64xf32>
    %max3A = arith.constant 0.000000e+00 : f32
    %max3A_16 = vector.broadcast %max3A : f32 to vector<1024x64xf32>
    %max3A_17 = arith.maximumf %add3A_15, %max3A_16 : vector<1024x64xf32>
    %swap3A = arith.constant 0 : index
    %swap3A_18 = arith.constant 0 : index
    %swap3A_19 = vector.load %arg4[%swap3A, %swap3A_18] : memref<1024x64xf32, #tpu.memory_space<vmem>>, vector<1024x64xf32>
    tpu.vector_store %arg4[%swap3A, %swap3A_18], %max3A_17 {strides = array<i32>} : memref<1024x64xf32, #tpu.memory_space<vmem>>, vector<1024x64xf32>,
    return
  }
  func.func @transform_0(%arg0: i32) -> (i32, i32) {
    %c0_i32 = arith.constant 0 : i32
    %c0_i32_0 = arith.constant 0 : i32
    return %arg0, %c0_i32 : i32, i32
  }
  func.func @transform_1(%arg0: i32) -> (i32, i32) {
    %c0_i32 = arith.constant 0 : i32
    %c0_i32_0 = arith.constant 0 : i32
    return %arg0, %c0_i32 : i32, i32
  }
  func.func @transform_2(%arg0: i32) -> (i32, i32) {
    %c0_i32 = arith.constant 0 : i32
    %c0_i32_0 = arith.constant 0 : i32
    %c0_i32_1 = arith.constant 0 : i32
    return %c0_i32, %c0_i32_0 : i32, i32
  }
  func.func @transform_3(%arg0: i32) -> (i32, i32) {
    %c0_i32 = arith.constant 0 : i32
    %c0_i32_0 = arith.constant 0 : i32
    return %arg0, %c0_i32 : i32, i32
  }
}

module attributes {stable_mosaic.version = 14 : i64} {
  func.func @_stats_body(%arg0: i32, %arg1: memref<2048x128xf32, #tpu.memory_space<vmem>>, %arg2: memref<128x128xf32, #tpu.memory_space<vmem>>, %arg3: memref<256x256xf32, #tpu.memory_space<vmem>>, %arg4: memref<1x256xf32, #tpu.memory_space<vmem>>, %arg5: memref<8x256xf32, #tpu.memory_space<vmem>>) attributes {dimension_semantics = [#tpu.dimension_semantics<arbitrary>], iteration_bounds = array<i64: 64>, scalar_prefetch = 0 : i64, scratch_operands = 0 : i64, tpu.core_type = #tpu.core_type<tc>, window_params = [{transform_indices = @transform_0, window_bounds = array<i64: 2048, 128>}, {transform_indices = @transform_1, window_bounds = array<i64: 128, 128>}, {pipeline_mode = #tpu.pipeline_mode<synchronous>, transform_indices = @transform_2, window_bounds = array<i64: 256, 256>}, {pipeline_mode = #tpu.pipeline_mode<synchronous>, transform_indices = @transform_3, window_bounds = array<i64: 1, 256>}, {pipeline_mode = #tpu.pipeline_mode<synchronous>, transform_indices = @transform_4, window_bounds = array<i64: 8, 256>}]} {
    %get3A = arith.constant 0 : index
    %get3A_0 = arith.constant 0 : index
    %get3A_1 = vector.load %arg2[%get3A, %get3A_0] : memref<128x128xf32, #tpu.memory_space<vmem>>, vector<128x128xf32>
    %broadcast_in_dim3A = vector.shape_cast %get3A_1 : vector<128x128xf32> to vector<128x1x128xf32>
    %broadcast_in_dim3A_2 = vector.shape_cast %broadcast_in_dim3A : vector<128x1x128xf32> to vector<128x1x128xf32>
    %broadcast_in_dim3A_3 = vector.broadcast %broadcast_in_dim3A_2 : vector<128x1x128xf32> to vector<128x16x128xf32>
    %reshape3A = vector.shape_cast %broadcast_in_dim3A_3 : vector<128x16x128xf32> to vector<2048x128xf32>
    %get3A_4 = arith.constant 0 : index
    %get3A_5 = arith.constant 0 : index
    %get3A_6 = vector.load %arg1[%get3A_4, %get3A_5] : memref<2048x128xf32, #tpu.memory_space<vmem>>, vector<2048x128xf32>
    %sub3A = arith.subf %get3A_6, %reshape3A : vector<2048x128xf32>
    %concatenate3A = tpu.concatenate %reshape3A, %sub3A in 1 : vector<2048x128xf32>, vector<2048x128xf32> -> vector<2048x256xf32>
    %get3A_7 = arith.constant 0 : index
    %get3A_8 = arith.constant 0 : index
    %get3A_9 = vector.load %arg3[%get3A_7, %get3A_8] : memref<256x256xf32, #tpu.memory_space<vmem>>, vector<256x256xf32>
    %dot_general3A = arith.constant dense<0.000000e+00> : vector<2048x256xf32>
    %dot_general3A_10 = tpu.matmul %concatenate3A, %get3A_9, %dot_general3A {dimension_numbers = #tpu.dot_dimension_numbers<[1], [0], [0], [1], [0, 0, 1, 1], [], []>, transpose_lhs_hint = false} : vector<2048x256xf32>, vector<256x256xf32>, vector<2048x256xf32> -> vector<2048x256xf32>
    %get3A_11 = arith.constant 0 : index
    %get3A_12 = arith.constant 0 : index
    %get3A_13 = vector.load %arg4[%get3A_11, %get3A_12] : memref<1x256xf32, #tpu.memory_space<vmem>>, vector<1x256xf32>
    %add3A = vector.broadcast %get3A_13 : vector<1x256xf32> to vector<2048x256xf32>
    %add3A_14 = arith.addf %dot_general3A_10, %add3A : vector<2048x256xf32>
    %eq3A = arith.constant 0 : i32
    %eq3A_15 = arith.cmpi eq, %arg0, %eq3A : i32
    %convert_element_type3A = arith.extui %eq3A_15 : i1 to i32
    %cond3A = arith.constant 0 : i32
    %cond3A_16 = arith.cmpi ne, %convert_element_type3A, %cond3A : i32
    scf.if %cond3A_16 {
      %broadcast_in_dim3A_35 = arith.constant 0.000000e+00 : f32
      %broadcast_in_dim3A_36 = vector.broadcast %broadcast_in_dim3A_35 : f32 to vector<8x256xf32>
      %swap3A_37 = arith.constant 0 : index
      %swap3A_38 = arith.constant 0 : index
      %swap3A_39 = vector.load %arg5[%swap3A_37, %swap3A_38] : memref<8x256xf32, #tpu.memory_space<vmem>>, vector<8x256xf32>
      tpu.vector_store %arg5[%swap3A_37, %swap3A_38], %broadcast_in_dim3A_36 {strides = array<i32>} : memref<8x256xf32, #tpu.memory_space<vmem>>, vector<8x256xf32>,
    } else {
    }
    %get3A_17 = arith.constant 0 : index
    %get3A_18 = arith.constant 0 : index
    %get3A_19 = vector.load %arg5[%get3A_17, %get3A_18] : memref<8x256xf32, #tpu.memory_space<vmem>>, vector<1x256xf32>
    %reduce_sum3A = arith.constant dense<0.000000e+00> : vector<256xf32>
    %reduce_sum3A_20 = vector.multi_reduction <add>, %add3A_14, %reduce_sum3A [0] : vector<2048x256xf32> to vector<256xf32>
    %broadcast_in_dim3A_21 = vector.shape_cast %reduce_sum3A_20 : vector<256xf32> to vector<1x256xf32>
    %add3A_22 = arith.addf %get3A_19, %broadcast_in_dim3A_21 : vector<1x256xf32>
    %swap3A = arith.constant 0 : index
    %swap3A_23 = arith.constant 0 : index
    %swap3A_24 = vector.load %arg5[%swap3A, %swap3A_23] : memref<8x256xf32, #tpu.memory_space<vmem>>, vector<1x256xf32>
    tpu.vector_store %arg5[%swap3A, %swap3A_23], %add3A_22 {strides = array<i32>} : memref<8x256xf32, #tpu.memory_space<vmem>>, vector<1x256xf32>,
    %get3A_25 = arith.constant 1 : index
    %get3A_26 = arith.constant 0 : index
    %get3A_27 = vector.load %arg5[%get3A_25, %get3A_26] : memref<8x256xf32, #tpu.memory_space<vmem>>, vector<1x256xf32>
    %mul3A = arith.mulf %add3A_14, %add3A_14 : vector<2048x256xf32>
    %reduce_sum3A_28 = arith.constant dense<0.000000e+00> : vector<256xf32>
    %reduce_sum3A_29 = vector.multi_reduction <add>, %mul3A, %reduce_sum3A_28 [0] : vector<2048x256xf32> to vector<256xf32>
    %broadcast_in_dim3A_30 = vector.shape_cast %reduce_sum3A_29 : vector<256xf32> to vector<1x256xf32>
    %add3A_31 = arith.addf %get3A_27, %broadcast_in_dim3A_30 : vector<1x256xf32>
    %swap3A_32 = arith.constant 1 : index
    %swap3A_33 = arith.constant 0 : index
    %swap3A_34 = vector.load %arg5[%swap3A_32, %swap3A_33] : memref<8x256xf32, #tpu.memory_space<vmem>>, vector<1x256xf32>
    tpu.vector_store %arg5[%swap3A_32, %swap3A_33], %add3A_31 {strides = array<i32>} : memref<8x256xf32, #tpu.memory_space<vmem>>, vector<1x256xf32>,
    return
  }
  func.func @transform_0(%arg0: i32) -> (i32, i32) {
    %c0_i32 = arith.constant 0 : i32
    %c0_i32_0 = arith.constant 0 : i32
    return %arg0, %c0_i32 : i32, i32
  }
  func.func @transform_1(%arg0: i32) -> (i32, i32) {
    %c0_i32 = arith.constant 0 : i32
    %c0_i32_0 = arith.constant 0 : i32
    return %arg0, %c0_i32 : i32, i32
  }
  func.func @transform_2(%arg0: i32) -> (i32, i32) {
    %c0_i32 = arith.constant 0 : i32
    %c0_i32_0 = arith.constant 0 : i32
    %c0_i32_1 = arith.constant 0 : i32
    return %c0_i32, %c0_i32_0 : i32, i32
  }
  func.func @transform_3(%arg0: i32) -> (i32, i32) {
    %c0_i32 = arith.constant 0 : i32
    %c0_i32_0 = arith.constant 0 : i32
    %c0_i32_1 = arith.constant 0 : i32
    return %c0_i32, %c0_i32_0 : i32, i32
  }
  func.func @transform_4(%arg0: i32) -> (i32, i32) {
    %c0_i32 = arith.constant 0 : i32
    %c0_i32_0 = arith.constant 0 : i32
    %c0_i32_1 = arith.constant 0 : i32
    return %c0_i32, %c0_i32_0 : i32, i32
  }
}

module attributes {stable_mosaic.version = 14 : i64} {
  func.func @_mlp2_body(%arg0: i32, %arg1: memref<2048x128xf32, #tpu.memory_space<vmem>>, %arg2: memref<128x128xf32, #tpu.memory_space<vmem>>, %arg3: memref<256x256xf32, #tpu.memory_space<vmem>>, %arg4: memref<1x256xf32, #tpu.memory_space<vmem>>, %arg5: memref<8x256xf32, #tpu.memory_space<vmem>>, %arg6: memref<256x128xf32, #tpu.memory_space<vmem>>, %arg7: memref<1x128xf32, #tpu.memory_space<vmem>>, %arg8: memref<128x128xf32, #tpu.memory_space<vmem>>, %arg9: memref<128x128xf32, #tpu.memory_space<vmem>>, %arg10: memref<8x128xf32, #tpu.memory_space<vmem>>) attributes {dimension_semantics = [#tpu.dimension_semantics<arbitrary>], iteration_bounds = array<i64: 64>, scalar_prefetch = 0 : i64, scratch_operands = 0 : i64, tpu.core_type = #tpu.core_type<tc>, window_params = [{transform_indices = @transform_0, window_bounds = array<i64: 2048, 128>}, {transform_indices = @transform_1, window_bounds = array<i64: 128, 128>}, {pipeline_mode = #tpu.pipeline_mode<synchronous>, transform_indices = @transform_2, window_bounds = array<i64: 256, 256>}, {pipeline_mode = #tpu.pipeline_mode<synchronous>, transform_indices = @transform_3, window_bounds = array<i64: 1, 256>}, {pipeline_mode = #tpu.pipeline_mode<synchronous>, transform_indices = @transform_4, window_bounds = array<i64: 8, 256>}, {pipeline_mode = #tpu.pipeline_mode<synchronous>, transform_indices = @transform_5, window_bounds = array<i64: 256, 128>}, {pipeline_mode = #tpu.pipeline_mode<synchronous>, transform_indices = @transform_6, window_bounds = array<i64: 1, 128>}, {transform_indices = @transform_7, window_bounds = array<i64: 128, 128>}, {transform_indices = @transform_8, window_bounds = array<i64: 128, 128>}, {pipeline_mode = #tpu.pipeline_mode<synchronous>, transform_indices = @transform_9, window_bounds = array<i64: 8, 128>}]} {
    %get3A = arith.constant 0 : index
    %get3A_0 = arith.constant 0 : index
    %get3A_1 = vector.load %arg2[%get3A, %get3A_0] : memref<128x128xf32, #tpu.memory_space<vmem>>, vector<128x128xf32>
    %broadcast_in_dim3A = vector.shape_cast %get3A_1 : vector<128x128xf32> to vector<128x1x128xf32>
    %broadcast_in_dim3A_2 = vector.shape_cast %broadcast_in_dim3A : vector<128x1x128xf32> to vector<128x1x128xf32>
    %broadcast_in_dim3A_3 = vector.broadcast %broadcast_in_dim3A_2 : vector<128x1x128xf32> to vector<128x16x128xf32>
    %reshape3A = vector.shape_cast %broadcast_in_dim3A_3 : vector<128x16x128xf32> to vector<2048x128xf32>
    %get3A_4 = arith.constant 0 : index
    %get3A_5 = arith.constant 0 : index
    %get3A_6 = vector.load %arg1[%get3A_4, %get3A_5] : memref<2048x128xf32, #tpu.memory_space<vmem>>, vector<2048x128xf32>
    %sub3A = arith.subf %get3A_6, %reshape3A : vector<2048x128xf32>
    %concatenate3A = tpu.concatenate %reshape3A, %sub3A in 1 : vector<2048x128xf32>, vector<2048x128xf32> -> vector<2048x256xf32>
    %get3A_7 = arith.constant 0 : index
    %get3A_8 = arith.constant 0 : index
    %get3A_9 = vector.load %arg3[%get3A_7, %get3A_8] : memref<256x256xf32, #tpu.memory_space<vmem>>, vector<256x256xf32>
    %dot_general3A = arith.constant dense<0.000000e+00> : vector<2048x256xf32>
    %dot_general3A_10 = tpu.matmul %concatenate3A, %get3A_9, %dot_general3A {dimension_numbers = #tpu.dot_dimension_numbers<[1], [0], [0], [1], [0, 0, 1, 1], [], []>, transpose_lhs_hint = false} : vector<2048x256xf32>, vector<256x256xf32>, vector<2048x256xf32> -> vector<2048x256xf32>
    %get3A_11 = arith.constant 0 : index
    %get3A_12 = arith.constant 0 : index
    %get3A_13 = vector.load %arg4[%get3A_11, %get3A_12] : memref<1x256xf32, #tpu.memory_space<vmem>>, vector<1x256xf32>
    %add3A = vector.broadcast %get3A_13 : vector<1x256xf32> to vector<2048x256xf32>
    %add3A_14 = arith.addf %dot_general3A_10, %add3A : vector<2048x256xf32>
    %get3A_15 = arith.constant 0 : index
    %get3A_16 = arith.constant 0 : index
    %get3A_17 = vector.load %arg5[%get3A_15, %get3A_16] : memref<8x256xf32, #tpu.memory_space<vmem>>, vector<1x256xf32>
    %mul3A = vector.broadcast %get3A_17 : vector<1x256xf32> to vector<2048x256xf32>
    %mul3A_18 = arith.mulf %add3A_14, %mul3A : vector<2048x256xf32>
    %get3A_19 = arith.constant 1 : index
    %get3A_20 = arith.constant 0 : index
    %get3A_21 = vector.load %arg5[%get3A_19, %get3A_20] : memref<8x256xf32, #tpu.memory_space<vmem>>, vector<1x256xf32>
    %add3A_22 = vector.broadcast %get3A_21 : vector<1x256xf32> to vector<2048x256xf32>
    %add3A_23 = arith.addf %mul3A_18, %add3A_22 : vector<2048x256xf32>
    %max3A = arith.constant 0.000000e+00 : f32
    %max3A_24 = vector.broadcast %max3A : f32 to vector<2048x256xf32>
    %max3A_25 = arith.maximumf %add3A_23, %max3A_24 : vector<2048x256xf32>
    %get3A_26 = arith.constant 0 : index
    %get3A_27 = arith.constant 0 : index
    %get3A_28 = vector.load %arg6[%get3A_26, %get3A_27] : memref<256x128xf32, #tpu.memory_space<vmem>>, vector<256x128xf32>
    %dot_general3A_29 = arith.constant dense<0.000000e+00> : vector<2048x128xf32>
    %dot_general3A_30 = tpu.matmul %max3A_25, %get3A_28, %dot_general3A_29 {dimension_numbers = #tpu.dot_dimension_numbers<[1], [0], [0], [1], [0, 0, 1, 1], [], []>, transpose_lhs_hint = false} : vector<2048x256xf32>, vector<256x128xf32>, vector<2048x128xf32> -> vector<2048x128xf32>
    %get3A_31 = arith.constant 0 : index
    %get3A_32 = arith.constant 0 : index
    %get3A_33 = vector.load %arg7[%get3A_31, %get3A_32] : memref<1x128xf32, #tpu.memory_space<vmem>>, vector<1x128xf32>
    %add3A_34 = vector.broadcast %get3A_33 : vector<1x128xf32> to vector<2048x128xf32>
    %add3A_35 = arith.addf %dot_general3A_30, %add3A_34 : vector<2048x128xf32>
    %reshape3A_36 = vector.shape_cast %add3A_35 : vector<2048x128xf32> to vector<128x16x128xf32>
    %reduce_max3A = arith.constant dense<0xFF800000> : vector<128x128xf32>
    %reduce_max3A_37 = vector.multi_reduction <maximumf>, %reshape3A_36, %reduce_max3A [1] : vector<128x16x128xf32> to vector<128x128xf32>
    %swap3A = arith.constant 0 : index
    %swap3A_38 = arith.constant 0 : index
    %swap3A_39 = vector.load %arg8[%swap3A, %swap3A_38] : memref<128x128xf32, #tpu.memory_space<vmem>>, vector<128x128xf32>
    tpu.vector_store %arg8[%swap3A, %swap3A_38], %reduce_max3A_37 {strides = array<i32>} : memref<128x128xf32, #tpu.memory_space<vmem>>, vector<128x128xf32>,
    %reduce_min3A = arith.constant dense<0x7F800000> : vector<128x128xf32>
    %reduce_min3A_40 = vector.multi_reduction <minimumf>, %reshape3A_36, %reduce_min3A [1] : vector<128x16x128xf32> to vector<128x128xf32>
    %swap3A_41 = arith.constant 0 : index
    %swap3A_42 = arith.constant 0 : index
    %swap3A_43 = vector.load %arg9[%swap3A_41, %swap3A_42] : memref<128x128xf32, #tpu.memory_space<vmem>>, vector<128x128xf32>
    tpu.vector_store %arg9[%swap3A_41, %swap3A_42], %reduce_min3A_40 {strides = array<i32>} : memref<128x128xf32, #tpu.memory_space<vmem>>, vector<128x128xf32>,
    %eq3A = arith.constant 0 : i32
    %eq3A_44 = arith.cmpi eq, %arg0, %eq3A : i32
    %convert_element_type3A = arith.extui %eq3A_44 : i1 to i32
    %cond3A = arith.constant 0 : i32
    %cond3A_45 = arith.cmpi ne, %convert_element_type3A, %cond3A : i32
    scf.if %cond3A_45 {
      %broadcast_in_dim3A_66 = arith.constant 0.000000e+00 : f32
      %broadcast_in_dim3A_67 = vector.broadcast %broadcast_in_dim3A_66 : f32 to vector<8x128xf32>
      %swap3A_68 = arith.constant 0 : index
      %swap3A_69 = arith.constant 0 : index
      %swap3A_70 = vector.load %arg10[%swap3A_68, %swap3A_69] : memref<8x128xf32, #tpu.memory_space<vmem>>, vector<8x128xf32>
      tpu.vector_store %arg10[%swap3A_68, %swap3A_69], %broadcast_in_dim3A_67 {strides = array<i32>} : memref<8x128xf32, #tpu.memory_space<vmem>>, vector<8x128xf32>,
    } else {
    }
    %get3A_46 = arith.constant 0 : index
    %get3A_47 = arith.constant 0 : index
    %get3A_48 = vector.load %arg10[%get3A_46, %get3A_47] : memref<8x128xf32, #tpu.memory_space<vmem>>, vector<1x128xf32>
    %reduce_sum3A = arith.constant dense<0.000000e+00> : vector<128xf32>
    %reduce_sum3A_49 = vector.multi_reduction <add>, %add3A_35, %reduce_sum3A [0] : vector<2048x128xf32> to vector<128xf32>
    %broadcast_in_dim3A_50 = vector.shape_cast %reduce_sum3A_49 : vector<128xf32> to vector<1x128xf32>
    %add3A_51 = arith.addf %get3A_48, %broadcast_in_dim3A_50 : vector<1x128xf32>
    %swap3A_52 = arith.constant 0 : index
    %swap3A_53 = arith.constant 0 : index
    %swap3A_54 = vector.load %arg10[%swap3A_52, %swap3A_53] : memref<8x128xf32, #tpu.memory_space<vmem>>, vector<1x128xf32>
    tpu.vector_store %arg10[%swap3A_52, %swap3A_53], %add3A_51 {strides = array<i32>} : memref<8x128xf32, #tpu.memory_space<vmem>>, vector<1x128xf32>,
    %get3A_55 = arith.constant 1 : index
    %get3A_56 = arith.constant 0 : index
    %get3A_57 = vector.load %arg10[%get3A_55, %get3A_56] : memref<8x128xf32, #tpu.memory_space<vmem>>, vector<1x128xf32>
    %mul3A_58 = arith.mulf %add3A_35, %add3A_35 : vector<2048x128xf32>
    %reduce_sum3A_59 = arith.constant dense<0.000000e+00> : vector<128xf32>
    %reduce_sum3A_60 = vector.multi_reduction <add>, %mul3A_58, %reduce_sum3A_59 [0] : vector<2048x128xf32> to vector<128xf32>
    %broadcast_in_dim3A_61 = vector.shape_cast %reduce_sum3A_60 : vector<128xf32> to vector<1x128xf32>
    %add3A_62 = arith.addf %get3A_57, %broadcast_in_dim3A_61 : vector<1x128xf32>
    %swap3A_63 = arith.constant 1 : index
    %swap3A_64 = arith.constant 0 : index
    %swap3A_65 = vector.load %arg10[%swap3A_63, %swap3A_64] : memref<8x128xf32, #tpu.memory_space<vmem>>, vector<1x128xf32>
    tpu.vector_store %arg10[%swap3A_63, %swap3A_64], %add3A_62 {strides = array<i32>} : memref<8x128xf32, #tpu.memory_space<vmem>>, vector<1x128xf32>,
    return
  }
  func.func @transform_0(%arg0: i32) -> (i32, i32) {
    %c0_i32 = arith.constant 0 : i32
    %c0_i32_0 = arith.constant 0 : i32
    return %arg0, %c0_i32 : i32, i32
  }
  func.func @transform_1(%arg0: i32) -> (i32, i32) {
    %c0_i32 = arith.constant 0 : i32
    %c0_i32_0 = arith.constant 0 : i32
    return %arg0, %c0_i32 : i32, i32
  }
  func.func @transform_2(%arg0: i32) -> (i32, i32) {
    %c0_i32 = arith.constant 0 : i32
    %c0_i32_0 = arith.constant 0 : i32
    %c0_i32_1 = arith.constant 0 : i32
    return %c0_i32, %c0_i32_0 : i32, i32
  }
  func.func @transform_3(%arg0: i32) -> (i32, i32) {
    %c0_i32 = arith.constant 0 : i32
    %c0_i32_0 = arith.constant 0 : i32
    %c0_i32_1 = arith.constant 0 : i32
    return %c0_i32, %c0_i32_0 : i32, i32
  }
  func.func @transform_4(%arg0: i32) -> (i32, i32) {
    %c0_i32 = arith.constant 0 : i32
    %c0_i32_0 = arith.constant 0 : i32
    %c0_i32_1 = arith.constant 0 : i32
    return %c0_i32, %c0_i32_0 : i32, i32
  }
  func.func @transform_5(%arg0: i32) -> (i32, i32) {
    %c0_i32 = arith.constant 0 : i32
    %c0_i32_0 = arith.constant 0 : i32
    %c0_i32_1 = arith.constant 0 : i32
    return %c0_i32, %c0_i32_0 : i32, i32
  }
  func.func @transform_6(%arg0: i32) -> (i32, i32) {
    %c0_i32 = arith.constant 0 : i32
    %c0_i32_0 = arith.constant 0 : i32
    %c0_i32_1 = arith.constant 0 : i32
    return %c0_i32, %c0_i32_0 : i32, i32
  }
  func.func @transform_7(%arg0: i32) -> (i32, i32) {
    %c0_i32 = arith.constant 0 : i32
    %c0_i32_0 = arith.constant 0 : i32
    return %arg0, %c0_i32 : i32, i32
  }
  func.func @transform_8(%arg0: i32) -> (i32, i32) {
    %c0_i32 = arith.constant 0 : i32
    %c0_i32_0 = arith.constant 0 : i32
    return %arg0, %c0_i32 : i32, i32
  }
  func.func @transform_9(%arg0: i32) -> (i32, i32) {
    %c0_i32 = arith.constant 0 : i32
    %c0_i32_0 = arith.constant 0 : i32
    %c0_i32_1 = arith.constant 0 : i32
    return %c0_i32, %c0_i32_0 : i32, i32
  }
}

module attributes {stable_mosaic.version = 14 : i64} {
  func.func @_epi_body(%arg0: i32, %arg1: memref<1024x128xf32, #tpu.memory_space<vmem>>, %arg2: memref<1024x128xf32, #tpu.memory_space<vmem>>, %arg3: memref<8x128xf32, #tpu.memory_space<vmem>>, %arg4: memref<1024x128xf32, #tpu.memory_space<vmem>>) attributes {dimension_semantics = [#tpu.dimension_semantics<arbitrary>], iteration_bounds = array<i64: 8>, scalar_prefetch = 0 : i64, scratch_operands = 0 : i64, tpu.core_type = #tpu.core_type<tc>, window_params = [{transform_indices = @transform_0, window_bounds = array<i64: 1024, 128>}, {transform_indices = @transform_1, window_bounds = array<i64: 1024, 128>}, {pipeline_mode = #tpu.pipeline_mode<synchronous>, transform_indices = @transform_2, window_bounds = array<i64: 8, 128>}, {transform_indices = @transform_3, window_bounds = array<i64: 1024, 128>}]} {
    %get3A = arith.constant 0 : index
    %get3A_0 = arith.constant 0 : index
    %get3A_1 = vector.load %arg3[%get3A, %get3A_0] : memref<8x128xf32, #tpu.memory_space<vmem>>, vector<8x128xf32>
    %slice3A = vector.extract_strided_slice %get3A_1 {offsets = [0, 0], sizes = [1, 128], strides = [1, 1]} : vector<8x128xf32> to vector<1x128xf32>
    %slice3A_2 = vector.extract_strided_slice %get3A_1 {offsets = [1, 0], sizes = [1, 128], strides = [1, 1]} : vector<8x128xf32> to vector<1x128xf32>
    %ge3A = arith.constant 0.000000e+00 : f32
    %ge3A_3 = vector.broadcast %ge3A : f32 to vector<1x128xf32>
    %ge3A_4 = arith.cmpf oge, %slice3A, %ge3A_3 : vector<1x128xf32>
    %get3A_5 = arith.constant 0 : index
    %get3A_6 = arith.constant 0 : index
    %get3A_7 = vector.load %arg1[%get3A_5, %get3A_6] : memref<1024x128xf32, #tpu.memory_space<vmem>>, vector<1024x128xf32>
    %mul3A = vector.broadcast %slice3A : vector<1x128xf32> to vector<1024x128xf32>
    %mul3A_8 = arith.mulf %mul3A, %get3A_7 : vector<1024x128xf32>
    %get3A_9 = arith.constant 0 : index
    %get3A_10 = arith.constant 0 : index
    %get3A_11 = vector.load %arg2[%get3A_9, %get3A_10] : memref<1024x128xf32, #tpu.memory_space<vmem>>, vector<1024x128xf32>
    %mul3A_12 = vector.broadcast %slice3A : vector<1x128xf32> to vector<1024x128xf32>
    %mul3A_13 = arith.mulf %mul3A_12, %get3A_11 : vector<1024x128xf32>
    %broadcast_in_dim3A = vector.shape_cast %ge3A_4 : vector<1x128xi1> to vector<1x128xi1>
    %broadcast_in_dim3A_14 = vector.broadcast %broadcast_in_dim3A : vector<1x128xi1> to vector<1024x128xi1>
    %select_n3A = arith.select %broadcast_in_dim3A_14, %mul3A_8, %mul3A_13 : vector<1024x128xi1>, vector<1024x128xf32>
    %add3A = vector.broadcast %slice3A_2 : vector<1x128xf32> to vector<1024x128xf32>
    %add3A_15 = arith.addf %select_n3A, %add3A : vector<1024x128xf32>
    %max3A = arith.constant 0.000000e+00 : f32
    %max3A_16 = vector.broadcast %max3A : f32 to vector<1024x128xf32>
    %max3A_17 = arith.maximumf %add3A_15, %max3A_16 : vector<1024x128xf32>
    %swap3A = arith.constant 0 : index
    %swap3A_18 = arith.constant 0 : index
    %swap3A_19 = vector.load %arg4[%swap3A, %swap3A_18] : memref<1024x128xf32, #tpu.memory_space<vmem>>, vector<1024x128xf32>
    tpu.vector_store %arg4[%swap3A, %swap3A_18], %max3A_17 {strides = array<i32>} : memref<1024x128xf32, #tpu.memory_space<vmem>>, vector<1024x128xf32>,
    return
  }
  func.func @transform_0(%arg0: i32) -> (i32, i32) {
    %c0_i32 = arith.constant 0 : i32
    %c0_i32_0 = arith.constant 0 : i32
    return %arg0, %c0_i32 : i32, i32
  }
  func.func @transform_1(%arg0: i32) -> (i32, i32) {
    %c0_i32 = arith.constant 0 : i32
    %c0_i32_0 = arith.constant 0 : i32
    return %arg0, %c0_i32 : i32, i32
  }
  func.func @transform_2(%arg0: i32) -> (i32, i32) {
    %c0_i32 = arith.constant 0 : i32
    %c0_i32_0 = arith.constant 0 : i32
    %c0_i32_1 = arith.constant 0 : i32
    return %c0_i32, %c0_i32_0 : i32, i32
  }
  func.func @transform_3(%arg0: i32) -> (i32, i32) {
    %c0_i32 = arith.constant 0 : i32
    %c0_i32_0 = arith.constant 0 : i32
    return %arg0, %c0_i32 : i32, i32
  }
}

module attributes {stable_mosaic.version = 14 : i64} {
  func.func @_hmlp_body(%arg0: i32, %arg1: memref<512x256xf32, #tpu.memory_space<vmem>>, %arg2: memref<256x1024xf32, #tpu.memory_space<vmem>>, %arg3: memref<1x1024xf32, #tpu.memory_space<vmem>>, %arg4: memref<512x1024xf32, #tpu.memory_space<vmem>>, %arg5: memref<8x1024xf32, #tpu.memory_space<vmem>>) attributes {dimension_semantics = [#tpu.dimension_semantics<arbitrary>], iteration_bounds = array<i64: 16>, scalar_prefetch = 0 : i64, scratch_operands = 0 : i64, tpu.core_type = #tpu.core_type<tc>, window_params = [{transform_indices = @transform_0, window_bounds = array<i64: 512, 256>}, {pipeline_mode = #tpu.pipeline_mode<synchronous>, transform_indices = @transform_1, window_bounds = array<i64: 256, 1024>}, {pipeline_mode = #tpu.pipeline_mode<synchronous>, transform_indices = @transform_2, window_bounds = array<i64: 1, 1024>}, {transform_indices = @transform_3, window_bounds = array<i64: 512, 1024>}, {pipeline_mode = #tpu.pipeline_mode<synchronous>, transform_indices = @transform_4, window_bounds = array<i64: 8, 1024>}]} {
    %get3A = arith.constant 0 : index
    %get3A_0 = arith.constant 0 : index
    %get3A_1 = vector.load %arg1[%get3A, %get3A_0] : memref<512x256xf32, #tpu.memory_space<vmem>>, vector<512x256xf32>
    %get3A_2 = arith.constant 0 : index
    %get3A_3 = arith.constant 0 : index
    %get3A_4 = vector.load %arg2[%get3A_2, %get3A_3] : memref<256x1024xf32, #tpu.memory_space<vmem>>, vector<256x1024xf32>
    %dot_general3A = arith.constant dense<0.000000e+00> : vector<512x1024xf32>
    %dot_general3A_5 = tpu.matmul %get3A_1, %get3A_4, %dot_general3A {dimension_numbers = #tpu.dot_dimension_numbers<[1], [0], [0], [1], [0, 0, 1, 1], [], []>, transpose_lhs_hint = false} : vector<512x256xf32>, vector<256x1024xf32>, vector<512x1024xf32> -> vector<512x1024xf32>
    %get3A_6 = arith.constant 0 : index
    %get3A_7 = arith.constant 0 : index
    %get3A_8 = vector.load %arg3[%get3A_6, %get3A_7] : memref<1x1024xf32, #tpu.memory_space<vmem>>, vector<1x1024xf32>
    %add3A = vector.broadcast %get3A_8 : vector<1x1024xf32> to vector<512x1024xf32>
    %add3A_9 = arith.addf %dot_general3A_5, %add3A : vector<512x1024xf32>
    %swap3A = arith.constant 0 : index
    %swap3A_10 = arith.constant 0 : index
    %swap3A_11 = vector.load %arg4[%swap3A, %swap3A_10] : memref<512x1024xf32, #tpu.memory_space<vmem>>, vector<512x1024xf32>
    tpu.vector_store %arg4[%swap3A, %swap3A_10], %add3A_9 {strides = array<i32>} : memref<512x1024xf32, #tpu.memory_space<vmem>>, vector<512x1024xf32>,
    %eq3A = arith.constant 0 : i32
    %eq3A_12 = arith.cmpi eq, %arg0, %eq3A : i32
    %convert_element_type3A = arith.extui %eq3A_12 : i1 to i32
    %cond3A = arith.constant 0 : i32
    %cond3A_13 = arith.cmpi ne, %convert_element_type3A, %cond3A : i32
    scf.if %cond3A_13 {
      %broadcast_in_dim3A_32 = arith.constant 0.000000e+00 : f32
      %broadcast_in_dim3A_33 = vector.broadcast %broadcast_in_dim3A_32 : f32 to vector<8x1024xf32>
      %swap3A_34 = arith.constant 0 : index
      %swap3A_35 = arith.constant 0 : index
      %swap3A_36 = vector.load %arg5[%swap3A_34, %swap3A_35] : memref<8x1024xf32, #tpu.memory_space<vmem>>, vector<8x1024xf32>
      tpu.vector_store %arg5[%swap3A_34, %swap3A_35], %broadcast_in_dim3A_33 {strides = array<i32>} : memref<8x1024xf32, #tpu.memory_space<vmem>>, vector<8x1024xf32>,
    } else {
    }
    %get3A_14 = arith.constant 0 : index
    %get3A_15 = arith.constant 0 : index
    %get3A_16 = vector.load %arg5[%get3A_14, %get3A_15] : memref<8x1024xf32, #tpu.memory_space<vmem>>, vector<1x1024xf32>
    %reduce_sum3A = arith.constant dense<0.000000e+00> : vector<1024xf32>
    %reduce_sum3A_17 = vector.multi_reduction <add>, %add3A_9, %reduce_sum3A [0] : vector<512x1024xf32> to vector<1024xf32>
    %broadcast_in_dim3A = vector.shape_cast %reduce_sum3A_17 : vector<1024xf32> to vector<1x1024xf32>
    %add3A_18 = arith.addf %get3A_16, %broadcast_in_dim3A : vector<1x1024xf32>
    %swap3A_19 = arith.constant 0 : index
    %swap3A_20 = arith.constant 0 : index
    %swap3A_21 = vector.load %arg5[%swap3A_19, %swap3A_20] : memref<8x1024xf32, #tpu.memory_space<vmem>>, vector<1x1024xf32>
    tpu.vector_store %arg5[%swap3A_19, %swap3A_20], %add3A_18 {strides = array<i32>} : memref<8x1024xf32, #tpu.memory_space<vmem>>, vector<1x1024xf32>,
    %get3A_22 = arith.constant 1 : index
    %get3A_23 = arith.constant 0 : index
    %get3A_24 = vector.load %arg5[%get3A_22, %get3A_23] : memref<8x1024xf32, #tpu.memory_space<vmem>>, vector<1x1024xf32>
    %mul3A = arith.mulf %add3A_9, %add3A_9 : vector<512x1024xf32>
    %reduce_sum3A_25 = arith.constant dense<0.000000e+00> : vector<1024xf32>
    %reduce_sum3A_26 = vector.multi_reduction <add>, %mul3A, %reduce_sum3A_25 [0] : vector<512x1024xf32> to vector<1024xf32>
    %broadcast_in_dim3A_27 = vector.shape_cast %reduce_sum3A_26 : vector<1024xf32> to vector<1x1024xf32>
    %add3A_28 = arith.addf %get3A_24, %broadcast_in_dim3A_27 : vector<1x1024xf32>
    %swap3A_29 = arith.constant 1 : index
    %swap3A_30 = arith.constant 0 : index
    %swap3A_31 = vector.load %arg5[%swap3A_29, %swap3A_30] : memref<8x1024xf32, #tpu.memory_space<vmem>>, vector<1x1024xf32>
    tpu.vector_store %arg5[%swap3A_29, %swap3A_30], %add3A_28 {strides = array<i32>} : memref<8x1024xf32, #tpu.memory_space<vmem>>, vector<1x1024xf32>,
    return
  }
  func.func @transform_0(%arg0: i32) -> (i32, i32) {
    %c0_i32 = arith.constant 0 : i32
    %c0_i32_0 = arith.constant 0 : i32
    return %arg0, %c0_i32 : i32, i32
  }
  func.func @transform_1(%arg0: i32) -> (i32, i32) {
    %c0_i32 = arith.constant 0 : i32
    %c0_i32_0 = arith.constant 0 : i32
    %c0_i32_1 = arith.constant 0 : i32
    return %c0_i32, %c0_i32_0 : i32, i32
  }
  func.func @transform_2(%arg0: i32) -> (i32, i32) {
    %c0_i32 = arith.constant 0 : i32
    %c0_i32_0 = arith.constant 0 : i32
    %c0_i32_1 = arith.constant 0 : i32
    return %c0_i32, %c0_i32_0 : i32, i32
  }
  func.func @transform_3(%arg0: i32) -> (i32, i32) {
    %c0_i32 = arith.constant 0 : i32
    %c0_i32_0 = arith.constant 0 : i32
    return %arg0, %c0_i32 : i32, i32
  }
  func.func @transform_4(%arg0: i32) -> (i32, i32) {
    %c0_i32 = arith.constant 0 : i32
    %c0_i32_0 = arith.constant 0 : i32
    %c0_i32_1 = arith.constant 0 : i32
    return %c0_i32, %c0_i32_0 : i32, i32
  }
}

module attributes {stable_mosaic.version = 14 : i64} {
  func.func @_segmax_body(%arg0: i32, %arg1: memref<512x1024xf32, #tpu.memory_space<vmem>>, %arg2: memref<8x1024xf32, #tpu.memory_space<vmem>>, %arg3: memref<512x1xf32, #tpu.memory_space<vmem>>, %arg4: memref<8x1024xf32, #tpu.memory_space<vmem>>) attributes {dimension_semantics = [#tpu.dimension_semantics<arbitrary>], iteration_bounds = array<i64: 16>, scalar_prefetch = 0 : i64, scratch_operands = 0 : i64, tpu.core_type = #tpu.core_type<tc>, window_params = [{transform_indices = @transform_0, window_bounds = array<i64: 512, 1024>}, {pipeline_mode = #tpu.pipeline_mode<synchronous>, transform_indices = @transform_1, window_bounds = array<i64: 8, 1024>}, {transform_indices = @transform_2, window_bounds = array<i64: 512, 1>}, {pipeline_mode = #tpu.pipeline_mode<synchronous>, transform_indices = @transform_3, window_bounds = array<i64: 8, 1024>}]} {
    %get3A = arith.constant 0 : index
    %get3A_0 = arith.constant 0 : index
    %get3A_1 = vector.load %arg1[%get3A, %get3A_0] : memref<512x1024xf32, #tpu.memory_space<vmem>>, vector<512x1024xf32>
    %get3A_2 = arith.constant 0 : index
    %get3A_3 = arith.constant 0 : index
    %get3A_4 = vector.load %arg2[%get3A_2, %get3A_3] : memref<8x1024xf32, #tpu.memory_space<vmem>>, vector<1x1024xf32>
    %mul3A = vector.broadcast %get3A_4 : vector<1x1024xf32> to vector<512x1024xf32>
    %mul3A_5 = arith.mulf %get3A_1, %mul3A : vector<512x1024xf32>
    %get3A_6 = arith.constant 1 : index
    %get3A_7 = arith.constant 0 : index
    %get3A_8 = vector.load %arg2[%get3A_6, %get3A_7] : memref<8x1024xf32, #tpu.memory_space<vmem>>, vector<1x1024xf32>
    %add3A = vector.broadcast %get3A_8 : vector<1x1024xf32> to vector<512x1024xf32>
    %add3A_9 = arith.addf %mul3A_5, %add3A : vector<512x1024xf32>
    %max3A = arith.constant 0.000000e+00 : f32
    %max3A_10 = vector.broadcast %max3A : f32 to vector<512x1024xf32>
    %max3A_11 = arith.maximumf %add3A_9, %max3A_10 : vector<512x1024xf32>
    %get3A_12 = arith.constant 0 : index
    %get3A_13 = arith.constant 0 : index
    %get3A_14 = vector.load %arg3[%get3A_12, %get3A_13] : memref<512x1xf32, #tpu.memory_space<vmem>>, vector<512x1xf32>
    %eq3A = arith.constant 0 : i32
    %eq3A_15 = arith.cmpi eq, %arg0, %eq3A : i32
    %convert_element_type3A = arith.extui %eq3A_15 : i1 to i32
    %cond3A = arith.constant 0 : i32
    %cond3A_16 = arith.cmpi ne, %convert_element_type3A, %cond3A : i32
    scf.if %cond3A_16 {
      %broadcast_in_dim3A_156 = arith.constant 0xFF800000 : f32
      %broadcast_in_dim3A_157 = vector.broadcast %broadcast_in_dim3A_156 : f32 to vector<8x1024xf32>
      %swap3A_158 = arith.constant 0 : index
      %swap3A_159 = arith.constant 0 : index
      %swap3A_160 = vector.load %arg4[%swap3A_158, %swap3A_159] : memref<8x1024xf32, #tpu.memory_space<vmem>>, vector<8x1024xf32>
      tpu.vector_store %arg4[%swap3A_158, %swap3A_159], %broadcast_in_dim3A_157 {strides = array<i32>} : memref<8x1024xf32, #tpu.memory_space<vmem>>, vector<8x1024xf32>,
    } else {
    }
    %eq3A_17 = arith.constant 0.000000e+00 : f32
    %eq3A_18 = vector.broadcast %eq3A_17 : f32 to vector<512x1xf32>
    %eq3A_19 = arith.cmpf oeq, %get3A_14, %eq3A_18 : vector<512x1xf32>
    %jit3A = arith.constant 0xFF800000 : f32
    %broadcast_in_dim3A = vector.shape_cast %eq3A_19 : vector<512x1xi1> to vector<512x1xi1>
    %broadcast_in_dim3A_20 = vector.broadcast %broadcast_in_dim3A : vector<512x1xi1> to vector<512x1024xi1>
    %broadcast_in_dim3A_21 = vector.broadcast %jit3A : f32 to vector<512x1024xf32>
    %select_n3A = arith.select %broadcast_in_dim3A_20, %max3A_11, %broadcast_in_dim3A_21 : vector<512x1024xi1>, vector<512x1024xf32>
    %reduce_max3A = arith.constant dense<0xFF800000> : vector<1024xf32>
    %reduce_max3A_22 = vector.multi_reduction <maximumf>, %select_n3A, %reduce_max3A [0] : vector<512x1024xf32> to vector<1024xf32>
    %broadcast_in_dim3A_23 = vector.shape_cast %reduce_max3A_22 : vector<1024xf32> to vector<1x1024xf32>
    %get3A_24 = arith.constant 0 : index
    %get3A_25 = arith.constant 0 : index
    %get3A_26 = vector.load %arg4[%get3A_24, %get3A_25] : memref<8x1024xf32, #tpu.memory_space<vmem>>, vector<1x1024xf32>
    %max3A_27 = arith.maximumf %get3A_26, %broadcast_in_dim3A_23 : vector<1x1024xf32>
    %swap3A = arith.constant 0 : index
    %swap3A_28 = arith.constant 0 : index
    %swap3A_29 = vector.load %arg4[%swap3A, %swap3A_28] : memref<8x1024xf32, #tpu.memory_space<vmem>>, vector<1x1024xf32>
    tpu.vector_store %arg4[%swap3A, %swap3A_28], %max3A_27 {strides = array<i32>} : memref<8x1024xf32, #tpu.memory_space<vmem>>, vector<1x1024xf32>,
    %eq3A_30 = arith.constant 1.000000e+00 : f32
    %eq3A_31 = vector.broadcast %eq3A_30 : f32 to vector<512x1xf32>
    %eq3A_32 = arith.cmpf oeq, %get3A_14, %eq3A_31 : vector<512x1xf32>
    %jit3A_33 = arith.constant 0xFF800000 : f32
    %broadcast_in_dim3A_34 = vector.shape_cast %eq3A_32 : vector<512x1xi1> to vector<512x1xi1>
    %broadcast_in_dim3A_35 = vector.broadcast %broadcast_in_dim3A_34 : vector<512x1xi1> to vector<512x1024xi1>
    %broadcast_in_dim3A_36 = vector.broadcast %jit3A_33 : f32 to vector<512x1024xf32>
    %select_n3A_37 = arith.select %broadcast_in_dim3A_35, %max3A_11, %broadcast_in_dim3A_36 : vector<512x1024xi1>, vector<512x1024xf32>
    %reduce_max3A_38 = arith.constant dense<0xFF800000> : vector<1024xf32>
    %reduce_max3A_39 = vector.multi_reduction <maximumf>, %select_n3A_37, %reduce_max3A_38 [0] : vector<512x1024xf32> to vector<1024xf32>
    %broadcast_in_dim3A_40 = vector.shape_cast %reduce_max3A_39 : vector<1024xf32> to vector<1x1024xf32>
    %get3A_41 = arith.constant 1 : index
    %get3A_42 = arith.constant 0 : index
    %get3A_43 = vector.load %arg4[%get3A_41, %get3A_42] : memref<8x1024xf32, #tpu.memory_space<vmem>>, vector<1x1024xf32>
    %max3A_44 = arith.maximumf %get3A_43, %broadcast_in_dim3A_40 : vector<1x1024xf32>
    %swap3A_45 = arith.constant 1 : index
    %swap3A_46 = arith.constant 0 : index
    %swap3A_47 = vector.load %arg4[%swap3A_45, %swap3A_46] : memref<8x1024xf32, #tpu.memory_space<vmem>>, vector<1x1024xf32>
    tpu.vector_store %arg4[%swap3A_45, %swap3A_46], %max3A_44 {strides = array<i32>} : memref<8x1024xf32, #tpu.memory_space<vmem>>, vector<1x1024xf32>,
    %eq3A_48 = arith.constant 2.000000e+00 : f32
    %eq3A_49 = vector.broadcast %eq3A_48 : f32 to vector<512x1xf32>
    %eq3A_50 = arith.cmpf oeq, %get3A_14, %eq3A_49 : vector<512x1xf32>
    %jit3A_51 = arith.constant 0xFF800000 : f32
    %broadcast_in_dim3A_52 = vector.shape_cast %eq3A_50 : vector<512x1xi1> to vector<512x1xi1>
    %broadcast_in_dim3A_53 = vector.broadcast %broadcast_in_dim3A_52 : vector<512x1xi1> to vector<512x1024xi1>
    %broadcast_in_dim3A_54 = vector.broadcast %jit3A_51 : f32 to vector<512x1024xf32>
    %select_n3A_55 = arith.select %broadcast_in_dim3A_53, %max3A_11, %broadcast_in_dim3A_54 : vector<512x1024xi1>, vector<512x1024xf32>
    %reduce_max3A_56 = arith.constant dense<0xFF800000> : vector<1024xf32>
    %reduce_max3A_57 = vector.multi_reduction <maximumf>, %select_n3A_55, %reduce_max3A_56 [0] : vector<512x1024xf32> to vector<1024xf32>
    %broadcast_in_dim3A_58 = vector.shape_cast %reduce_max3A_57 : vector<1024xf32> to vector<1x1024xf32>
    %get3A_59 = arith.constant 2 : index
    %get3A_60 = arith.constant 0 : index
    %get3A_61 = vector.load %arg4[%get3A_59, %get3A_60] : memref<8x1024xf32, #tpu.memory_space<vmem>>, vector<1x1024xf32>
    %max3A_62 = arith.maximumf %get3A_61, %broadcast_in_dim3A_58 : vector<1x1024xf32>
    %swap3A_63 = arith.constant 2 : index
    %swap3A_64 = arith.constant 0 : index
    %swap3A_65 = vector.load %arg4[%swap3A_63, %swap3A_64] : memref<8x1024xf32, #tpu.memory_space<vmem>>, vector<1x1024xf32>
    tpu.vector_store %arg4[%swap3A_63, %swap3A_64], %max3A_62 {strides = array<i32>} : memref<8x1024xf32, #tpu.memory_space<vmem>>, vector<1x1024xf32>,
    %eq3A_66 = arith.constant 3.000000e+00 : f32
    %eq3A_67 = vector.broadcast %eq3A_66 : f32 to vector<512x1xf32>
    %eq3A_68 = arith.cmpf oeq, %get3A_14, %eq3A_67 : vector<512x1xf32>
    %jit3A_69 = arith.constant 0xFF800000 : f32
    %broadcast_in_dim3A_70 = vector.shape_cast %eq3A_68 : vector<512x1xi1> to vector<512x1xi1>
    %broadcast_in_dim3A_71 = vector.broadcast %broadcast_in_dim3A_70 : vector<512x1xi1> to vector<512x1024xi1>
    %broadcast_in_dim3A_72 = vector.broadcast %jit3A_69 : f32 to vector<512x1024xf32>
    %select_n3A_73 = arith.select %broadcast_in_dim3A_71, %max3A_11, %broadcast_in_dim3A_72 : vector<512x1024xi1>, vector<512x1024xf32>
    %reduce_max3A_74 = arith.constant dense<0xFF800000> : vector<1024xf32>
    %reduce_max3A_75 = vector.multi_reduction <maximumf>, %select_n3A_73, %reduce_max3A_74 [0] : vector<512x1024xf32> to vector<1024xf32>
    %broadcast_in_dim3A_76 = vector.shape_cast %reduce_max3A_75 : vector<1024xf32> to vector<1x1024xf32>
    %get3A_77 = arith.constant 3 : index
    %get3A_78 = arith.constant 0 : index
    %get3A_79 = vector.load %arg4[%get3A_77, %get3A_78] : memref<8x1024xf32, #tpu.memory_space<vmem>>, vector<1x1024xf32>
    %max3A_80 = arith.maximumf %get3A_79, %broadcast_in_dim3A_76 : vector<1x1024xf32>
    %swap3A_81 = arith.constant 3 : index
    %swap3A_82 = arith.constant 0 : index
    %swap3A_83 = vector.load %arg4[%swap3A_81, %swap3A_82] : memref<8x1024xf32, #tpu.memory_space<vmem>>, vector<1x1024xf32>
    tpu.vector_store %arg4[%swap3A_81, %swap3A_82], %max3A_80 {strides = array<i32>} : memref<8x1024xf32, #tpu.memory_space<vmem>>, vector<1x1024xf32>,
    %eq3A_84 = arith.constant 4.000000e+00 : f32
    %eq3A_85 = vector.broadcast %eq3A_84 : f32 to vector<512x1xf32>
    %eq3A_86 = arith.cmpf oeq, %get3A_14, %eq3A_85 : vector<512x1xf32>
    %jit3A_87 = arith.constant 0xFF800000 : f32
    %broadcast_in_dim3A_88 = vector.shape_cast %eq3A_86 : vector<512x1xi1> to vector<512x1xi1>
    %broadcast_in_dim3A_89 = vector.broadcast %broadcast_in_dim3A_88 : vector<512x1xi1> to vector<512x1024xi1>
    %broadcast_in_dim3A_90 = vector.broadcast %jit3A_87 : f32 to vector<512x1024xf32>
    %select_n3A_91 = arith.select %broadcast_in_dim3A_89, %max3A_11, %broadcast_in_dim3A_90 : vector<512x1024xi1>, vector<512x1024xf32>
    %reduce_max3A_92 = arith.constant dense<0xFF800000> : vector<1024xf32>
    %reduce_max3A_93 = vector.multi_reduction <maximumf>, %select_n3A_91, %reduce_max3A_92 [0] : vector<512x1024xf32> to vector<1024xf32>
    %broadcast_in_dim3A_94 = vector.shape_cast %reduce_max3A_93 : vector<1024xf32> to vector<1x1024xf32>
    %get3A_95 = arith.constant 4 : index
    %get3A_96 = arith.constant 0 : index
    %get3A_97 = vector.load %arg4[%get3A_95, %get3A_96] : memref<8x1024xf32, #tpu.memory_space<vmem>>, vector<1x1024xf32>
    %max3A_98 = arith.maximumf %get3A_97, %broadcast_in_dim3A_94 : vector<1x1024xf32>
    %swap3A_99 = arith.constant 4 : index
    %swap3A_100 = arith.constant 0 : index
    %swap3A_101 = vector.load %arg4[%swap3A_99, %swap3A_100] : memref<8x1024xf32, #tpu.memory_space<vmem>>, vector<1x1024xf32>
    tpu.vector_store %arg4[%swap3A_99, %swap3A_100], %max3A_98 {strides = array<i32>} : memref<8x1024xf32, #tpu.memory_space<vmem>>, vector<1x1024xf32>,
    %eq3A_102 = arith.constant 5.000000e+00 : f32
    %eq3A_103 = vector.broadcast %eq3A_102 : f32 to vector<512x1xf32>
    %eq3A_104 = arith.cmpf oeq, %get3A_14, %eq3A_103 : vector<512x1xf32>
    %jit3A_105 = arith.constant 0xFF800000 : f32
    %broadcast_in_dim3A_106 = vector.shape_cast %eq3A_104 : vector<512x1xi1> to vector<512x1xi1>
    %broadcast_in_dim3A_107 = vector.broadcast %broadcast_in_dim3A_106 : vector<512x1xi1> to vector<512x1024xi1>
    %broadcast_in_dim3A_108 = vector.broadcast %jit3A_105 : f32 to vector<512x1024xf32>
    %select_n3A_109 = arith.select %broadcast_in_dim3A_107, %max3A_11, %broadcast_in_dim3A_108 : vector<512x1024xi1>, vector<512x1024xf32>
    %reduce_max3A_110 = arith.constant dense<0xFF800000> : vector<1024xf32>
    %reduce_max3A_111 = vector.multi_reduction <maximumf>, %select_n3A_109, %reduce_max3A_110 [0] : vector<512x1024xf32> to vector<1024xf32>
    %broadcast_in_dim3A_112 = vector.shape_cast %reduce_max3A_111 : vector<1024xf32> to vector<1x1024xf32>
    %get3A_113 = arith.constant 5 : index
    %get3A_114 = arith.constant 0 : index
    %get3A_115 = vector.load %arg4[%get3A_113, %get3A_114] : memref<8x1024xf32, #tpu.memory_space<vmem>>, vector<1x1024xf32>
    %max3A_116 = arith.maximumf %get3A_115, %broadcast_in_dim3A_112 : vector<1x1024xf32>
    %swap3A_117 = arith.constant 5 : index
    %swap3A_118 = arith.constant 0 : index
    %swap3A_119 = vector.load %arg4[%swap3A_117, %swap3A_118] : memref<8x1024xf32, #tpu.memory_space<vmem>>, vector<1x1024xf32>
    tpu.vector_store %arg4[%swap3A_117, %swap3A_118], %max3A_116 {strides = array<i32>} : memref<8x1024xf32, #tpu.memory_space<vmem>>, vector<1x1024xf32>,
    %eq3A_120 = arith.constant 6.000000e+00 : f32
    %eq3A_121 = vector.broadcast %eq3A_120 : f32 to vector<512x1xf32>
    %eq3A_122 = arith.cmpf oeq, %get3A_14, %eq3A_121 : vector<512x1xf32>
    %jit3A_123 = arith.constant 0xFF800000 : f32
    %broadcast_in_dim3A_124 = vector.shape_cast %eq3A_122 : vector<512x1xi1> to vector<512x1xi1>
    %broadcast_in_dim3A_125 = vector.broadcast %broadcast_in_dim3A_124 : vector<512x1xi1> to vector<512x1024xi1>
    %broadcast_in_dim3A_126 = vector.broadcast %jit3A_123 : f32 to vector<512x1024xf32>
    %select_n3A_127 = arith.select %broadcast_in_dim3A_125, %max3A_11, %broadcast_in_dim3A_126 : vector<512x1024xi1>, vector<512x1024xf32>
    %reduce_max3A_128 = arith.constant dense<0xFF800000> : vector<1024xf32>
    %reduce_max3A_129 = vector.multi_reduction <maximumf>, %select_n3A_127, %reduce_max3A_128 [0] : vector<512x1024xf32> to vector<1024xf32>
    %broadcast_in_dim3A_130 = vector.shape_cast %reduce_max3A_129 : vector<1024xf32> to vector<1x1024xf32>
    %get3A_131 = arith.constant 6 : index
    %get3A_132 = arith.constant 0 : index
    %get3A_133 = vector.load %arg4[%get3A_131, %get3A_132] : memref<8x1024xf32, #tpu.memory_space<vmem>>, vector<1x1024xf32>
    %max3A_134 = arith.maximumf %get3A_133, %broadcast_in_dim3A_130 : vector<1x1024xf32>
    %swap3A_135 = arith.constant 6 : index
    %swap3A_136 = arith.constant 0 : index
    %swap3A_137 = vector.load %arg4[%swap3A_135, %swap3A_136] : memref<8x1024xf32, #tpu.memory_space<vmem>>, vector<1x1024xf32>
    tpu.vector_store %arg4[%swap3A_135, %swap3A_136], %max3A_134 {strides = array<i32>} : memref<8x1024xf32, #tpu.memory_space<vmem>>, vector<1x1024xf32>,
    %eq3A_138 = arith.constant 7.000000e+00 : f32
    %eq3A_139 = vector.broadcast %eq3A_138 : f32 to vector<512x1xf32>
    %eq3A_140 = arith.cmpf oeq, %get3A_14, %eq3A_139 : vector<512x1xf32>
    %jit3A_141 = arith.constant 0xFF800000 : f32
    %broadcast_in_dim3A_142 = vector.shape_cast %eq3A_140 : vector<512x1xi1> to vector<512x1xi1>
    %broadcast_in_dim3A_143 = vector.broadcast %broadcast_in_dim3A_142 : vector<512x1xi1> to vector<512x1024xi1>
    %broadcast_in_dim3A_144 = vector.broadcast %jit3A_141 : f32 to vector<512x1024xf32>
    %select_n3A_145 = arith.select %broadcast_in_dim3A_143, %max3A_11, %broadcast_in_dim3A_144 : vector<512x1024xi1>, vector<512x1024xf32>
    %reduce_max3A_146 = arith.constant dense<0xFF800000> : vector<1024xf32>
    %reduce_max3A_147 = vector.multi_reduction <maximumf>, %select_n3A_145, %reduce_max3A_146 [0] : vector<512x1024xf32> to vector<1024xf32>
    %broadcast_in_dim3A_148 = vector.shape_cast %reduce_max3A_147 : vector<1024xf32> to vector<1x1024xf32>
    %get3A_149 = arith.constant 7 : index
    %get3A_150 = arith.constant 0 : index
    %get3A_151 = vector.load %arg4[%get3A_149, %get3A_150] : memref<8x1024xf32, #tpu.memory_space<vmem>>, vector<1x1024xf32>
    %max3A_152 = arith.maximumf %get3A_151, %broadcast_in_dim3A_148 : vector<1x1024xf32>
    %swap3A_153 = arith.constant 7 : index
    %swap3A_154 = arith.constant 0 : index
    %swap3A_155 = vector.load %arg4[%swap3A_153, %swap3A_154] : memref<8x1024xf32, #tpu.memory_space<vmem>>, vector<1x1024xf32>
    tpu.vector_store %arg4[%swap3A_153, %swap3A_154], %max3A_152 {strides = array<i32>} : memref<8x1024xf32, #tpu.memory_space<vmem>>, vector<1x1024xf32>,
    return
  }
  func.func @transform_0(%arg0: i32) -> (i32, i32) {
    %c0_i32 = arith.constant 0 : i32
    %c0_i32_0 = arith.constant 0 : i32
    return %arg0, %c0_i32 : i32, i32
  }
  func.func @transform_1(%arg0: i32) -> (i32, i32) {
    %c0_i32 = arith.constant 0 : i32
    %c0_i32_0 = arith.constant 0 : i32
    %c0_i32_1 = arith.constant 0 : i32
    return %c0_i32, %c0_i32_0 : i32, i32
  }
  func.func @transform_2(%arg0: i32) -> (i32, i32) {
    %c0_i32 = arith.constant 0 : i32
    %c0_i32_0 = arith.constant 0 : i32
    return %arg0, %c0_i32 : i32, i32
  }
  func.func @transform_3(%arg0: i32) -> (i32, i32) {
    %c0_i32 = arith.constant 0 : i32
    %c0_i32_0 = arith.constant 0 : i32
    %c0_i32_1 = arith.constant 0 : i32
    return %c0_i32, %c0_i32_0 : i32, i32
  }
}

module attributes {stable_mosaic.version = 14 : i64} {
  func.func @_fc_body(%arg0: memref<8x1024xf32, #tpu.memory_space<vmem>>, %arg1: memref<1024x512xf32, #tpu.memory_space<vmem>>, %arg2: memref<8x512xf32, #tpu.memory_space<vmem>>, %arg3: memref<512x256xf32, #tpu.memory_space<vmem>>, %arg4: memref<8x256xf32, #tpu.memory_space<vmem>>, %arg5: memref<256x128xf32, #tpu.memory_space<vmem>>, %arg6: memref<1x128xf32, #tpu.memory_space<vmem>>, %arg7: memref<8x128xf32, #tpu.memory_space<vmem>>) attributes {dimension_semantics = [], scalar_prefetch = 0 : i64, scratch_operands = 0 : i64, tpu.core_type = #tpu.core_type<tc>} {
    %get3A = arith.constant 0 : index
    %get3A_0 = arith.constant 0 : index
    %get3A_1 = vector.load %arg0[%get3A, %get3A_0] : memref<8x1024xf32, #tpu.memory_space<vmem>>, vector<8x1024xf32>
    %get3A_2 = arith.constant 0 : index
    %get3A_3 = arith.constant 0 : index
    %get3A_4 = vector.load %arg1[%get3A_2, %get3A_3] : memref<1024x512xf32, #tpu.memory_space<vmem>>, vector<1024x512xf32>
    %dot_general3A = arith.constant dense<0.000000e+00> : vector<8x512xf32>
    %dot_general3A_5 = tpu.matmul %get3A_1, %get3A_4, %dot_general3A {dimension_numbers = #tpu.dot_dimension_numbers<[1], [0], [0], [1], [0, 0, 1, 1], [], []>, transpose_lhs_hint = false} : vector<8x1024xf32>, vector<1024x512xf32>, vector<8x512xf32> -> vector<8x512xf32>
    %get3A_6 = arith.constant 0 : index
    %get3A_7 = arith.constant 0 : index
    %get3A_8 = vector.load %arg2[%get3A_6, %get3A_7] : memref<8x512xf32, #tpu.memory_space<vmem>>, vector<1x512xf32>
    %add3A = vector.broadcast %get3A_8 : vector<1x512xf32> to vector<8x512xf32>
    %add3A_9 = arith.addf %dot_general3A_5, %add3A : vector<8x512xf32>
    %get3A_10 = arith.constant 1 : index
    %get3A_11 = arith.constant 0 : index
    %get3A_12 = vector.load %arg2[%get3A_10, %get3A_11] : memref<8x512xf32, #tpu.memory_space<vmem>>, vector<1x512xf32>
    %get3A_13 = arith.constant 2 : index
    %get3A_14 = arith.constant 0 : index
    %get3A_15 = vector.load %arg2[%get3A_13, %get3A_14] : memref<8x512xf32, #tpu.memory_space<vmem>>, vector<1x512xf32>
    %reduce_sum3A = arith.constant dense<0.000000e+00> : vector<512xf32>
    %reduce_sum3A_16 = vector.multi_reduction <add>, %add3A_9, %reduce_sum3A [0] : vector<8x512xf32> to vector<512xf32>
    %broadcast_in_dim3A = vector.shape_cast %reduce_sum3A_16 : vector<512xf32> to vector<1x512xf32>
    %div3A = arith.constant 8.000000e+00 : f32
    %div3A_17 = vector.broadcast %div3A : f32 to vector<1x512xf32>
    %div3A_18 = arith.divf %broadcast_in_dim3A, %div3A_17 : vector<1x512xf32>
    %sub3A = vector.broadcast %div3A_18 : vector<1x512xf32> to vector<8x512xf32>
    %sub3A_19 = arith.subf %add3A_9, %sub3A : vector<8x512xf32>
    %integer_pow3A = arith.mulf %sub3A_19, %sub3A_19 : vector<8x512xf32>
    %reduce_sum3A_20 = arith.constant dense<0.000000e+00> : vector<512xf32>
    %reduce_sum3A_21 = vector.multi_reduction <add>, %integer_pow3A, %reduce_sum3A_20 [0] : vector<8x512xf32> to vector<512xf32>
    %broadcast_in_dim3A_22 = vector.shape_cast %reduce_sum3A_21 : vector<512xf32> to vector<1x512xf32>
    %div3A_23 = arith.constant 8.000000e+00 : f32
    %div3A_24 = vector.broadcast %div3A_23 : f32 to vector<1x512xf32>
    %div3A_25 = arith.divf %broadcast_in_dim3A_22, %div3A_24 : vector<1x512xf32>
    %sub3A_26 = vector.broadcast %div3A_18 : vector<1x512xf32> to vector<8x512xf32>
    %sub3A_27 = arith.subf %add3A_9, %sub3A_26 : vector<8x512xf32>
    %mul3A = vector.broadcast %get3A_12 : vector<1x512xf32> to vector<8x512xf32>
    %mul3A_28 = arith.mulf %mul3A, %sub3A_27 : vector<8x512xf32>
    %add3A_29 = arith.constant 9.99999974E-6 : f32
    %add3A_30 = vector.broadcast %add3A_29 : f32 to vector<1x512xf32>
    %add3A_31 = arith.addf %div3A_25, %add3A_30 : vector<1x512xf32>
    %rsqrt3A = math.rsqrt %add3A_31 : vector<1x512xf32>
    %mul3A_32 = vector.broadcast %rsqrt3A : vector<1x512xf32> to vector<8x512xf32>
    %mul3A_33 = arith.mulf %mul3A_28, %mul3A_32 : vector<8x512xf32>
    %add3A_34 = vector.broadcast %get3A_15 : vector<1x512xf32> to vector<8x512xf32>
    %add3A_35 = arith.addf %mul3A_33, %add3A_34 : vector<8x512xf32>
    %max3A = arith.constant 0.000000e+00 : f32
    %max3A_36 = vector.broadcast %max3A : f32 to vector<8x512xf32>
    %max3A_37 = arith.maximumf %add3A_35, %max3A_36 : vector<8x512xf32>
    %get3A_38 = arith.constant 0 : index
    %get3A_39 = arith.constant 0 : index
    %get3A_40 = vector.load %arg3[%get3A_38, %get3A_39] : memref<512x256xf32, #tpu.memory_space<vmem>>, vector<512x256xf32>
    %dot_general3A_41 = arith.constant dense<0.000000e+00> : vector<8x256xf32>
    %dot_general3A_42 = tpu.matmul %max3A_37, %get3A_40, %dot_general3A_41 {dimension_numbers = #tpu.dot_dimension_numbers<[1], [0], [0], [1], [0, 0, 1, 1], [], []>, transpose_lhs_hint = false} : vector<8x512xf32>, vector<512x256xf32>, vector<8x256xf32> -> vector<8x256xf32>
    %get3A_43 = arith.constant 0 : index
    %get3A_44 = arith.constant 0 : index
    %get3A_45 = vector.load %arg4[%get3A_43, %get3A_44] : memref<8x256xf32, #tpu.memory_space<vmem>>, vector<1x256xf32>
    %add3A_46 = vector.broadcast %get3A_45 : vector<1x256xf32> to vector<8x256xf32>
    %add3A_47 = arith.addf %dot_general3A_42, %add3A_46 : vector<8x256xf32>
    %get3A_48 = arith.constant 1 : index
    %get3A_49 = arith.constant 0 : index
    %get3A_50 = vector.load %arg4[%get3A_48, %get3A_49] : memref<8x256xf32, #tpu.memory_space<vmem>>, vector<1x256xf32>
    %get3A_51 = arith.constant 2 : index
    %get3A_52 = arith.constant 0 : index
    %get3A_53 = vector.load %arg4[%get3A_51, %get3A_52] : memref<8x256xf32, #tpu.memory_space<vmem>>, vector<1x256xf32>
    %reduce_sum3A_54 = arith.constant dense<0.000000e+00> : vector<256xf32>
    %reduce_sum3A_55 = vector.multi_reduction <add>, %add3A_47, %reduce_sum3A_54 [0] : vector<8x256xf32> to vector<256xf32>
    %broadcast_in_dim3A_56 = vector.shape_cast %reduce_sum3A_55 : vector<256xf32> to vector<1x256xf32>
    %div3A_57 = arith.constant 8.000000e+00 : f32
    %div3A_58 = vector.broadcast %div3A_57 : f32 to vector<1x256xf32>
    %div3A_59 = arith.divf %broadcast_in_dim3A_56, %div3A_58 : vector<1x256xf32>
    %sub3A_60 = vector.broadcast %div3A_59 : vector<1x256xf32> to vector<8x256xf32>
    %sub3A_61 = arith.subf %add3A_47, %sub3A_60 : vector<8x256xf32>
    %integer_pow3A_62 = arith.mulf %sub3A_61, %sub3A_61 : vector<8x256xf32>
    %reduce_sum3A_63 = arith.constant dense<0.000000e+00> : vector<256xf32>
    %reduce_sum3A_64 = vector.multi_reduction <add>, %integer_pow3A_62, %reduce_sum3A_63 [0] : vector<8x256xf32> to vector<256xf32>
    %broadcast_in_dim3A_65 = vector.shape_cast %reduce_sum3A_64 : vector<256xf32> to vector<1x256xf32>
    %div3A_66 = arith.constant 8.000000e+00 : f32
    %div3A_67 = vector.broadcast %div3A_66 : f32 to vector<1x256xf32>
    %div3A_68 = arith.divf %broadcast_in_dim3A_65, %div3A_67 : vector<1x256xf32>
    %sub3A_69 = vector.broadcast %div3A_59 : vector<1x256xf32> to vector<8x256xf32>
    %sub3A_70 = arith.subf %add3A_47, %sub3A_69 : vector<8x256xf32>
    %mul3A_71 = vector.broadcast %get3A_50 : vector<1x256xf32> to vector<8x256xf32>
    %mul3A_72 = arith.mulf %mul3A_71, %sub3A_70 : vector<8x256xf32>
    %add3A_73 = arith.constant 9.99999974E-6 : f32
    %add3A_74 = vector.broadcast %add3A_73 : f32 to vector<1x256xf32>
    %add3A_75 = arith.addf %div3A_68, %add3A_74 : vector<1x256xf32>
    %rsqrt3A_76 = math.rsqrt %add3A_75 : vector<1x256xf32>
    %mul3A_77 = vector.broadcast %rsqrt3A_76 : vector<1x256xf32> to vector<8x256xf32>
    %mul3A_78 = arith.mulf %mul3A_72, %mul3A_77 : vector<8x256xf32>
    %add3A_79 = vector.broadcast %get3A_53 : vector<1x256xf32> to vector<8x256xf32>
    %add3A_80 = arith.addf %mul3A_78, %add3A_79 : vector<8x256xf32>
    %max3A_81 = arith.constant 0.000000e+00 : f32
    %max3A_82 = vector.broadcast %max3A_81 : f32 to vector<8x256xf32>
    %max3A_83 = arith.maximumf %add3A_80, %max3A_82 : vector<8x256xf32>
    %get3A_84 = arith.constant 0 : index
    %get3A_85 = arith.constant 0 : index
    %get3A_86 = vector.load %arg5[%get3A_84, %get3A_85] : memref<256x128xf32, #tpu.memory_space<vmem>>, vector<256x128xf32>
    %dot_general3A_87 = arith.constant dense<0.000000e+00> : vector<8x128xf32>
    %dot_general3A_88 = tpu.matmul %max3A_83, %get3A_86, %dot_general3A_87 {dimension_numbers = #tpu.dot_dimension_numbers<[1], [0], [0], [1], [0, 0, 1, 1], [], []>, transpose_lhs_hint = false} : vector<8x256xf32>, vector<256x128xf32>, vector<8x128xf32> -> vector<8x128xf32>
    %get3A_89 = arith.constant 0 : index
    %get3A_90 = arith.constant 0 : index
    %get3A_91 = vector.load %arg6[%get3A_89, %get3A_90] : memref<1x128xf32, #tpu.memory_space<vmem>>, vector<1x128xf32>
    %add3A_92 = vector.broadcast %get3A_91 : vector<1x128xf32> to vector<8x128xf32>
    %add3A_93 = arith.addf %dot_general3A_88, %add3A_92 : vector<8x128xf32>
    %reduce_max3A = arith.constant dense<0xFF800000> : vector<8xf32>
    %reduce_max3A_94 = vector.multi_reduction <maximumf>, %add3A_93, %reduce_max3A [1] : vector<8x128xf32> to vector<8xf32>
    %broadcast_in_dim3A_95 = vector.shape_cast %reduce_max3A_94 : vector<8xf32> to vector<8x1xf32>
    %sub3A_96 = vector.broadcast %broadcast_in_dim3A_95 : vector<8x1xf32> to vector<8x128xf32>
    %sub3A_97 = arith.subf %add3A_93, %sub3A_96 : vector<8x128xf32>
    %exp3A = math.exp %sub3A_97 : vector<8x128xf32>
    %reduce_sum3A_98 = arith.constant dense<0.000000e+00> : vector<8xf32>
    %reduce_sum3A_99 = vector.multi_reduction <add>, %exp3A, %reduce_sum3A_98 [1] : vector<8x128xf32> to vector<8xf32>
    %broadcast_in_dim3A_100 = vector.shape_cast %reduce_sum3A_99 : vector<8xf32> to vector<8x1xf32>
    %log3A = math.log %broadcast_in_dim3A_100 : vector<8x1xf32>
    %sub3A_101 = vector.broadcast %log3A : vector<8x1xf32> to vector<8x128xf32>
    %sub3A_102 = arith.subf %sub3A_97, %sub3A_101 : vector<8x128xf32>
    %swap3A = arith.constant 0 : index
    %swap3A_103 = arith.constant 0 : index
    %swap3A_104 = vector.load %arg7[%swap3A, %swap3A_103] : memref<8x128xf32, #tpu.memory_space<vmem>>, vector<8x128xf32>
    tpu.vector_store %arg7[%swap3A, %swap3A_103], %sub3A_102 {strides = array<i32>} : memref<8x128xf32, #tpu.memory_space<vmem>>, vector<8x128xf32>,
    return
  }
}

</mosaic_0001>

<sc_bundles>
// kernel: kernel.21.cloned.1.call-start
scs
__scs_entry_jumppad:
0x0: {  	(pc) =	sbr.rel $0x88, $3  }
0x1: {  	(tag) =	ssettag $0x0;
	lr =	simm.s32 $0x1  }
0x2: {  	[smem:$0x3F77] =	sst lr;
	_ =	strace $0xD0000000  }
0x3: {  	_ = 	snop  }
0x4: {  	_ = 	snop  }
0x5: {  	_ = 	snop  }
0x6: {  	_ = 	snop  }
0x7: {  	_ = 	snop  }
__scs_overlays_trampoline_lowered:
0x8: {  	[smem:$0x3F86] =	sst s0  }
0x9: {  	[smem:$0x3F87] =	sst s1  }
0xa: {  	[smem:$0x3F88] =	sst s2  }
0xb: {  	[smem:$0x3F89] =	sst s3  }
0xc: {  	[smem:$0x3F8A] =	sst s4  }
0xd: {  	[smem:$0x3F8B] =	sst s5  }
0xe: {  	[smem:$0x3F8C] =	sst s6  }
0xf: {  	[smem:$0x3F8D] =	sst s7  }
0x10: {  	[smem:$0x3F8E] =	sst s8  }
0x11: {  	[smem:$0x3F8F] =	sst s9;
	s0 =	simm.s32 @!p0 $0x0  }
0x12: {  	s1 =	sld [smem:$0x3F75];
	s0 =	simm.s32 @p0 $0x1  }
0x13: {  	[smem:$0x3F90] =	sst s0;
	s0 =	simm.s32 @!p1 $0x0  }
0x14: {  	s2 =	sld [smem:$0x3F74];
	s0 =	simm.s32 @p1 $0x1  }
0x15: {  	[smem:$0x3F91] =	sst s0;
	s0 =	simm.s32 @!p2 $0x0  }
0x16: {  	s3 =	sld [smem:$0x3FDB];
	s0 =	simm.s32 @p2 $0x1  }
0x17: {  	s4 =	simm.s32 $0x1BF5;
	[smem:$0x3F93] =	sst s0  }
0x18: {  	s0 =	sld [smem:$0x3F76];
	_ =	swait.ge [sflag:s4], $0x0  }
0x19: {  	s7 =	sld [smem:$0x3F77]  }
0x1a: {  	s8 =	sadd.s32 $0xFFFFE003, lr  }
0x1b: {  	s9 =	sadd.s32 $0xFFFFFEF7, lr;
	s5 =	simm.s32 $0xFFFFFFFF;
	p2 =	slt.u32 s8, $0xFFFFF086  }
0x1c: {  	p1 =	slt.u32 s9, $0xF7A;
	s5 =	simm.s32 @!p2 $0x0  }
0x1d: {  	s5 =	simm.s32 @p1 $0x1;
	p0 =	seq.s32 s7, s2  }
0x1e: {  	s7 =	smul.u32 @!p0 $0xF7A, s2;
	p2 =	seq.s32 @!p0 s5, $0x0  }
0x1f: {  	s9 =	smul.u32 $0xF7A, s1;
	s8 =	simm.s32 @!p0 $0x1BF5;
	p2 =	por !p2, p0  }
0x20: {  	[sflag:s8] =	ssyncset.s32 @!p0 $0xFFFFF086;
	s6 =	sadd.s32 @!p0 s3, s7;
	s7 =	simm.s32 @!p0 $0x108  }
0x21: {  	s3 =	sadd.s32 s3, s9;
	s6 =	sadd.s32 @!p0 $0x88, s6;
	s7 =	simm.s32 @p2 $0x1082  }
0x22: {  	[simem:s7], [sflag:s8] =	dma.local @!p0 [hbm:s6], $0xF7A  }
0x23: {  	s9 =	sor.u32 $0xD0000000, s2;
	s6 =	simm.s32 $0x108;
	_ =	swait.ge @!p0 [sflag:s8], $0x0  }
0x24: {  	s3 =	sadd.s32 $0x88, s3;
	s6 =	simm.s32 @!p1 $0x1082;
	[sflag:s4] =	ssyncset.s32 $0xFFFFF086  }
0x25: {  	[simem:s6], [sflag:s4] =	dma.local [hbm:s3], $0xF7A  }
0x26: {  	[smem:$0x3F77] =	sst s1;
	(tag) =	ssettag s2;
	_ =	strace s9  }
0x27: {  	s1 =	sld [smem:$0x3F87]  }
0x28: {  	s2 =	sld [smem:$0x3F88]  }
0x29: {  	s4 =	sld [smem:$0x3F8A]  }
0x2a: {  	p0 =	seq.s32 s5, $0x0;
	s5 =	sld [smem:$0x3F8B]  }
0x2b: {  	s6 =	sld [smem:$0x3F8C]  }
0x2c: {  	s7 =	sld [smem:$0x3F8D]  }
0x2d: {  	s3 =	simm.s32 $0x108;
	s8 =	sld [smem:$0x3F8E]  }
0x2e: {  	s3 =	simm.s32 @!p0 $0x1082;
	s9 =	sld [smem:$0x3F8F]  }
0x2f: {  	lr =	sadd.s32 s0, s3;
	s0 =	sld [smem:$0x3F86]  }
0x30: {  	s3 =	sld [smem:$0x3F89]  }
0x31: {  	[smem:$0x3F92] =	sst s10  }
0x32: {  	s10 =	sld [smem:$0x3F90];
	_ =	sdelay $0x3  }
0x33: {  	p0 =	seq.s32 s10, $0x1;
	s10 =	sld [smem:$0x3F92];
	_ =	sdelay $0x3  }
0x34: {  	[smem:$0x3F92] =	sst s10  }
0x35: {  	s10 =	sld [smem:$0x3F91];
	_ =	sdelay $0x3  }
0x36: {  	p1 =	seq.s32 s10, $0x1;
	s10 =	sld [smem:$0x3F92];
	_ =	sdelay $0x3  }
0x37: {  	[smem:$0x3F92] =	sst s10  }
0x38: {  	s10 =	sld [smem:$0x3F93]  }
0x39: {  	_ = 	snop;
	(pc) =	sbr.ind lr, $3  }
0x3a: {  	_ = 	snop  }
0x3b: {  	_ = 	snop  }
0x3c: {  	p2 =	seq.s32 s10, $0x1;
	s10 =	sld [smem:$0x3F92]  }
0x3d: {  	_ =	shalt  }
0x3e: {  	_ =	shalt  }
0x3f: {  	_ =	shalt  }
0x40: {  	_ =	shalt  }
0x41: {  	_ =	shalt  }
0x42: {  	_ =	shalt  }
0x43: {  	_ =	shalt  }
0x44: {  	_ =	shalt  }
0x45: {  	_ =	shalt  }
0x46: {  	_ =	shalt  }
0x47: {  	_ =	shalt  }
0x48: {  	_ =	shalt  }
0x49: {  	_ =	shalt  }
0x4a: {  	_ =	shalt  }
0x4b: {  	_ =	shalt  }
0x4c: {  	_ =	shalt  }
0x4d: {  	_ =	shalt  }
0x4e: {  	_ =	shalt  }
0x4f: {  	_ =	shalt  }
0x50: {  	_ =	shalt  }
0x51: {  	_ =	shalt  }
0x52: {  	_ =	shalt  }
0x53: {  	_ =	shalt  }
0x54: {  	_ =	shalt  }
0x55: {  	_ =	shalt  }
0x56: {  	_ =	shalt  }
0x57: {  	_ =	shalt  }
0x58: {  	_ =	shalt  }
0x59: {  	_ =	shalt  }
0x5a: {  	_ =	shalt  }
0x5b: {  	_ =	shalt  }
0x5c: {  	_ =	shalt  }
0x5d: {  	_ =	shalt  }
0x5e: {  	_ =	shalt  }
0x5f: {  	_ =	shalt  }
0x60: {  	_ =	shalt  }
0x61: {  	_ =	shalt  }
0x62: {  	_ =	shalt  }
0x63: {  	_ =	shalt  }
0x64: {  	_ =	shalt  }
0x65: {  	_ =	shalt  }
0x66: {  	_ =	shalt  }
0x67: {  	_ =	shalt  }
0x68: {  	_ =	shalt  }
0x69: {  	_ =	shalt  }
0x6a: {  	_ =	shalt  }
0x6b: {  	_ =	shalt  }
0x6c: {  	_ =	shalt  }
0x6d: {  	_ =	shalt  }
0x6e: {  	_ =	shalt  }
0x6f: {  	_ =	shalt  }
0x70: {  	_ =	shalt  }
0x71: {  	_ =	shalt  }
0x72: {  	_ =	shalt  }
0x73: {  	_ =	shalt  }
0x74: {  	_ =	shalt  }
0x75: {  	_ =	shalt  }
0x76: {  	_ =	shalt  }
0x77: {  	_ =	shalt  }
0x78: {  	_ =	shalt  }
0x79: {  	_ =	shalt  }
0x7a: {  	_ =	shalt  }
0x7b: {  	_ =	shalt  }
0x7c: {  	_ =	shalt  }
0x7d: {  	_ =	shalt  }
0x7e: {  	_ =	shalt  }
0x7f: {  	_ =	shalt  }
0x80: {  	_ =	shalt  }
0x81: {  	_ =	shalt  }
0x82: {  	_ =	shalt  }
0x83: {  	_ =	shalt  }
0x84: {  	_ =	shalt  }
0x85: {  	_ =	shalt  }
0x86: {  	_ =	shalt  }
0x87: {  	_ =	shalt  }
.Lfunc_end0:
.L_simem_size_0:
called_computation_lowered:
.L_overlay_start_0:
0x88: {  	s2 =	sld [smem:$0x3FD9]  }
0x89: {  	s3 =	sld [smem:$0x3FFE];
	_ =	sdelay $0x1  }
0x8a: {  	s1 =	srdreg.scid  }
0x8b: {  	s0 =	sand.u32 $0x1, s1  }
0x8c: {  	s16 =	sshll.u32 s0, $0xA;
	s2 =	sadd.s32 s3, s2  }
0x8d: {  	s2 =	sadd.s32 s2, s16  }
0x8e: {  	[smem:$0x3F9E] =	sst s2  }
0x8f: {  	_ = 	snop  }
0x90: {  	(tm) =	ssettm $0x1  }
0x91: {  	s17 =	sld [smem:$0x3FFB];
	_ =	sdelay $0x3  }
0x92: {  	_ =	strace s17  }
0x93: {  	s2 =	sld [smem:$0x3FFC];
	_ =	sdelay $0x3  }
0x94: {  	_ =	strace s2  }
0x95: {  	s2 =	sld [smem:$0x3FFD];
	_ =	sdelay $0x3  }
0x96: {  	_ =	strace s2  }
0x97: {  	_ =	strace $0x8FFFFFFF  }
0x98: {  	s18 =	sld [smem:$0x3FDB];
	_ =	sdelay $0x1  }
0x99: {  	s19 =	simm.s32 $_scs_section_size  }
0x9a: {  	s4 =	simm.s32 $_size__tile_overlayer_lowered;
	s5 =	simm.s32 $_tile_overlayer_lowered  }
0x9b: {  	s22 =	simm.s32 $0x1BFF;
	s21 =	sshll.u32 s5, $0x1;
	s2 =	sadd.s32 s19, s18  }
0x9c: {  	s6 =	simm.s32 $0x0;
	s20 =	sshll.u32 s4, $0x1;
	s4 =	sadd.s32 s21, s2  }
0x9d: {  	[timem:s6], [sflag:s22] =	dma.local [hbm:s4], s20  }
0x9e: {  	_ =	swait.ge [sflag:s22], s20  }
0x9f: {  	s3 =	ssub.s32 $0x0, s20;
	[sflag:s22] =	ssyncset.done $0x0  }
0xa0: {  	[sflag:s22] =	ssyncadd.s32 s3;
	_ =	sdelay $0x1  }
0xa1: {  	s23 =	simm.s32 $0x1B8B  }
0xa2: {  	_ =	swait.ge [sflag:s23], $0x1  }
0xa3: {  	[sflag:s23] =	ssyncset.done $0x0  }
0xa4: {  	s25 =	simm.s32 $0x1B8E;
	s24 =	sld [smem:$0x3FFE];
	[sflag:s23] =	ssyncadd.s32 $0xFFFFFFFF  }
0xa5: {  	s26 =	simm.s32 $execute0_lowered;
	[smem:$0x3FD2] =	sst s25  }
0xa6: {  	s4 =	sshll.u32 s26, $0x1;
	_ =	strace $0x80000046;
	[dreg:$0x1] =	wrdreg $0xFFFFFFFF  }
0xa7: {  	s28 =	simm.s32 $_size_execute0_lowered;
	s2 =	sadd.s32 s2, s4;
	[dreg:$0x0] =	wrdreg $0x0  }
0xa8: {  	s4 =	sshll.u32 s28, $0x1;
	[dreg:$0x2] =	wrdreg s2  }
0xa9: {  	[dreg:$0x3] =	wrdreg s4  }
0xaa: {  	[dreg:$0x4] =	wrdreg $0xC0  }
0xab: {  	_ =	task [dreg:s6], $0x5FFFF  }
0xac: {  	[dreg:$0x1] =	wrdreg $0xFFFFFFFF  }
0xad: {  	[dreg:$0x0] =	wrdreg $0x60  }
0xae: {  	[dreg:$0x2] =	wrdreg s24  }
0xaf: {  	[dreg:$0x3] =	wrdreg $0x9  }
0xb0: {  	_ =	task.clear_ibuf [dreg:s6], $0x4FFFF;
	_ =	strace $0x90000046  }
0xb1: {  	s29 =	simm.s32 $0x9;
	_ =	strace $0x80000048  }
0xb2: {  	_ =	swait.ge [sflag:s29], $0x1  }
0xb3: {  	[sflag:s29] =	ssyncadd.s32 $0xFFFFFFFF  }
0xb4: {  	_ =	strace $0x90000048  }
0xb5: {  	_ =	sfence  }
0xb6: {  	s30 =	sld [smem:$0x0];
	_ =	sdelay $0x2  }
0xb7: {  	s31 =	sshll.u32 s1, $0xD;
	s1 =	sshrl.u32 s1, $0x2  }
0xb8: {  	s3 =	sand.u32 $0x4000, s31;
	s1 =	sadd.s32 s1, s30  }
0xb9: {  	s0 =	sor.u32 s3, s0;
	s1 =	sshll.u32 s1, $0x11  }
0xba: {  	s0 =	sor.u32 s1, s0  }
0xbb: {  	s0 =	sadd.s32 $0x8F2B, s0  }
0xbc: {  	[sflag:s0] =	ssyncadd.remote.s32 $0x1  }
0xbd: {  	_ =	sfence.sel $0xFFFF  }
0xbe: {  	[dreg:$0x0] =	wrdreg $0xFFFFFFFF;
	(pc) =	sbr.abs _section_cstart, $3  }
0xbf: {  	[dreg:$0x1] =	wrdreg $0xFFFFFFFF  }
0xc0: {  	_ =	task.clear_ibuf [dreg:s6], $0x2FFFF;
	_ =	strace $0x9FFFFFFF  }
0xc1: {  	(tm) =	ssettm $0x7FFFFFFF  }
tec
execute0_lowered:
.L_overlay_start_1:
0x0: {  	(tag) =	ssettag $0x1  }
0x1: {  	s4 =	rddreg [dreg:$0x0]  }
0x2: {  	s0 =	rddreg [dreg:$0x1];
	s3 =	srdreg.scid  }
0x3: {  	s2 =	simm.s32 $0x0;
	s1 =	stileid.u32;
	s11 =	simm.s32 $0x1000  }
0x4: {  	s12 =	simm.s32 $0x5000;
	s13 =	simm.s32 $0x1;
	s14 =	simm.s32 $0x2  }
0x5: {  	s15 =	simm.s32 $0x3;
	s16 =	simm.s32 $0x4;
	s17 =	simm.s32 $0x0  }
0x6: {  	s6 =	sand.u32 $0x1, s3;
	[smem:$0x7FF] =	sst s2;
	s29 =	sshll.u32 s1, $0xD  }
0x7: {  	s3 =	sadd.s32 $0x8C00, s4;
	s10 =	sadd.s32 $0x2CC00, s4;
	s30 =	sshll.u32 s1, $0x11  }
0x8: {  	s5 =	sshll.u32 s6, $0xC;
	_ =	strace $0x80000047;
	s7 =	ssub.s32 $0x2, s6  }
0x9: {  	s31 =	sshll.u32 s6, $0x10;
	s5 =	sor.u32 s5, s29;
	s9 =	sshrl.u32 s7, $0x1  }
0xa: {  	s8 =	sshrl.u32 s5, $0x3;
	s7 =	ssub.s32 s7, s9;
	s5 =	sshll.u32 s5, $0x4  }
0xb: {  	s9 =	simm.s32 $0x5;
	s8 =	sadd.s32 s8, s4;
	s5 =	sadd.s32 s10, s5  }
0xc: {  	s6 =	smax.u32 s7, $0x1;
	s4 =	sadd.s32 $0x28C00, s8;
	s8 =	sadd.s32 s30, s10  }
0xd: {  	s7 =	sadd.s32 $0x800, s5;
	s10 =	simm.s32 $0x80;
	s8 =	sadd.s32 s31, s8  }
.LBB2_1:
0xe: {  	[tilespmem:s2], [sflag:$0x5] =	stream.linear.gather [hbm4b:s4+s2], $0x1000, $0x38;
	[tilespmem:$0x9000] =	vst v63  }
0xf: {  	_ =	swait.ge [sflag:s9], $0x1000  }
0x10: {  	[sflag:s9] =	ssyncset.done $0x0  }
0x11: {  	[sflag:s9] =	ssyncadd.s32 $0xFFFFF000  }
0x12: {  	[tilespmem:s11], [sflag:$0x1] =	stream.indirect.gather [hbm4b:s3+s10], $0x80, s2, s10, $0xb8;
	[tilespmem:$0x9000] =	vst v63  }
0x13: {  	_ = 	snop  }
0x14: {  	[tilespmem:s12], [sflag:$0x2] =	stream.indirect.gather [hbm4b:s3+s10], $0x80, s10, s10, $0xb8;
	[tilespmem:$0x9000] =	vst v63  }
0x15: {  	_ =	swait.ge [sflag:s13], $0x4000  }
0x16: {  	[sflag:s13] =	ssyncset.done $0x0  }
0x17: {  	[sflag:s13] =	ssyncadd.s32 $0xFFFFC000  }
0x18: {  	[hbm4b:s5+s2] =	stream.linear.scatter [tilespmem:s11], [sflag:$0x3], $0x4000, $0x38;
	[tilespmem:$0x9000] =	vst v63  }
0x19: {  	_ =	swait.ge [sflag:s14], $0x4000  }
0x1a: {  	[sflag:s14] =	ssyncset.done $0x0  }
0x1b: {  	[sflag:s14] =	ssyncadd.s32 $0xFFFFC000  }
0x1c: {  	[hbm4b:s7+s2] =	stream.linear.scatter [tilespmem:s12], [sflag:$0x4], $0x4000, $0x38;
	[tilespmem:$0x9000] =	vst v63  }
0x1d: {  	_ =	swait.ge [sflag:s15], $0x4000  }
0x1e: {  	[sflag:s15] =	ssyncset.done $0x0  }
0x1f: {  	s18 =	simm.s32 $0x100;
	[sflag:s15] =	ssyncadd.s32 $0xFFFFC000  }
0x20: {  	[tilespmem:s11], [sflag:$0x1] =	stream.indirect.gather [hbm4b:s3+s10], $0x80, s18, s10, $0xb8;
	[tilespmem:$0x9000] =	vst v63  }
0x21: {  	_ =	swait.ge [sflag:s16], $0x4000  }
0x22: {  	[sflag:s16] =	ssyncset.done $0x0  }
0x23: {  	s30 =	simm.s32 $0x180;
	[sflag:s16] =	ssyncadd.s32 $0xFFFFC000  }
0x24: {  	[tilespmem:s12], [sflag:$0x2] =	stream.indirect.gather [hbm4b:s3+s10], $0x80, s30, s10, $0xb8;
	[tilespmem:$0x9000] =	vst v63  }
0x25: {  	_ =	swait.ge [sflag:s13], $0x4000  }
0x26: {  	s19 =	sadd.s32 $0x0, s8;
	[sflag:s13] =	ssyncset.done $0x0  }
0x27: {  	s31 =	sadd.s32 $0x1000, s19;
	[sflag:s13] =	ssyncadd.s32 $0xFFFFC000  }
0x28: {  	[hbm4b:s31+s2] =	stream.linear.scatter [tilespmem:s11], [sflag:$0x3], $0x4000, $0x38;
	[tilespmem:$0x9000] =	vst v63  }
0x29: {  	_ =	swait.ge [sflag:s14], $0x4000  }
0x2a: {  	s20 =	sadd.s32 $0x1800, s19;
	[sflag:s14] =	ssyncset.done $0x0  }
0x2b: {  	s19 =	simm.s32 $0x200;
	s18 =	simm.s32 $0x1000;
	[sflag:s14] =	ssyncadd.s32 $0xFFFFC000  }
.LBB2_2:
0x2c: {  	[hbm4b:s20+s2] =	stream.linear.scatter [tilespmem:s12], [sflag:$0x4], $0x4000, $0x38;
	[tilespmem:$0x9000] =	vst v63  }
0x2d: {  	s20 =	smov.u32 s18  }
0x2e: {  	p0 =	sne.s32 s18, $0xE000;
	s18 =	sadd.s32 $0x1000, s18;
	_ =	swait.ge [sflag:s15], $0x4000  }
0x2f: {  	[sflag:s15] =	ssyncset.done $0x0  }
0x30: {  	[sflag:s15] =	ssyncadd.s32 $0xFFFFC000  }
0x31: {  	[tilespmem:s11], [sflag:$0x1] =	stream.indirect.gather [hbm4b:s3+s10], $0x80, s19, s10, $0xb8;
	[tilespmem:$0x9000] =	vst v63  }
0x32: {  	_ =	swait.ge [sflag:s16], $0x4000  }
0x33: {  	[sflag:s16] =	ssyncset.done $0x0  }
0x34: {  	s21 =	sadd.s32 $0x80, s19;
	[sflag:s16] =	ssyncadd.s32 $0xFFFFC000  }
0x35: {  	[tilespmem:s12], [sflag:$0x2] =	stream.indirect.gather [hbm4b:s3+s10], $0x80, s21, s10, $0xb8;
	[tilespmem:$0x9000] =	vst v63  }
0x36: {  	_ =	swait.ge [sflag:s13], $0x4000  }
0x37: {  	s20 =	sadd.s32 s20, s8;
	[sflag:s13] =	ssyncset.done $0x0  }
.Ltmp0:
0x38: {  	s21 =	sadd.s32 $0x1000, s20;
	[sflag:s13] =	ssyncadd.s32 $0xFFFFC000;
	(pc) =	sbr.rel @p0 .LBB2_2-.Ltmp0, $4  }
0x39: {  	[hbm4b:s21+s2] =	stream.linear.scatter [tilespmem:s11], [sflag:$0x3], $0x4000, $0x38;
	[tilespmem:$0x9000] =	vst v63  }
0x3a: {  	_ =	swait.ge [sflag:s14], $0x4000  }
0x3b: {  	[sflag:s14] =	ssyncset.done $0x0  }
0x3c: {  	s19 =	sadd.s32 $0x100, s19;
	s20 =	sadd.s32 $0x1800, s20;
	[sflag:s14] =	ssyncadd.s32 $0xFFFFC000  }
0x3d: {  	[hbm4b:s20+s2] =	stream.linear.scatter [tilespmem:s12], [sflag:$0x4], $0x4000, $0x38;
	[tilespmem:$0x9000] =	vst v63  }
0x3e: {  	s17 =	sadd.s32 $0x1, s17  }
0x3f: {  	_ =	swait.ge [sflag:s15], $0x4000;
	p0 =	sne.s32 s17, s6  }
.Ltmp1:
0x40: {  	[sflag:s15] =	ssyncset.done $0x0;
	(pc) =	sbr.rel @p0 .LBB2_1-.Ltmp1, $4  }
0x41: {  	[sflag:s15] =	ssyncadd.s32 $0xFFFFC000  }
0x42: {  	_ =	swait.ge [sflag:s16], $0x4000  }
0x43: {  	[sflag:s16] =	ssyncset.done $0x0  }
0x44: {  	[sflag:s16] =	ssyncadd.s32 $0xFFFFC000  }
0x45: {  	_ =	sfence.sel $0x180000  }
0x46: {  	[bflag:$0x0] =	sbarrier.arrive $0xFFFF  }
0x47: {  	p0 =	sne.s32 s1, $0x0;
	_ =	strace $0x90000047  }
0x48: {  	s0 =	sadd.s32 @!p0 $0x100000, s0;
	[bflag:$0x2] =	sbarrier.arrive $0xFFFF  }
0x49: {  	[sflag:s0] =	ssyncadd.tile.s32 @!p0 $0x1;
	_ =	shalt  }
.Lfunc_end2:
_tile_overlayer_lowered:
.L_overlay_start_2:
0x4a: {  	(tag) =	ssettag $0x2  }
0x4b: {  	s0 =	rddreg [dreg:$0x0];
	s2 =	stileid.u32  }
0x4c: {  	s1 =	rddreg [dreg:$0x1];
	p0 =	sne.s32 s2, $0x0  }
0x4d: {  	s3 =	rddreg [dreg:$0x2];
	[bflag:$0x3] =	sbarrier.arrive $0xFFFF;
	s2 =	simm.s32 @!p0 $0x1C05  }
0x4e: {  	[timem:s3], [sflag:s2] =	dma.local @!p0 [hbm:s0], s1  }
0x4f: {  	s0 =	simm.s32 @!p0 $0x5  }
0x50: {  	_ =	swait.ge @!p0 [sflag:s0], s1  }
0x51: {  	s1 =	ssub.s32 @!p0 $0x0, s1;
	[sflag:s0] =	ssyncset.done @!p0 $0x0  }
0x52: {  	[sflag:s0] =	ssyncadd.s32 @!p0 s1  }
0x53: {  	[bflag:$0x3] =	sbarrier.arrive $0xFFFF  }
0x54: {  	_ =	shalt  }

// kernel: kernel.24.cloned.1.call-start
scs
__scs_entry_jumppad:
0x0: {  	(pc) =	sbr.rel $0x88, $3  }
0x1: {  	(tag) =	ssettag $0x0;
	lr =	simm.s32 $0x1  }
0x2: {  	[smem:$0x3F77] =	sst lr;
	_ =	strace $0xD0000000  }
0x3: {  	_ = 	snop  }
0x4: {  	_ = 	snop  }
0x5: {  	_ = 	snop  }
0x6: {  	_ = 	snop  }
0x7: {  	_ = 	snop  }
__scs_overlays_trampoline_lowered:
0x8: {  	[smem:$0x3F86] =	sst s0  }
0x9: {  	[smem:$0x3F87] =	sst s1  }
0xa: {  	[smem:$0x3F88] =	sst s2  }
0xb: {  	[smem:$0x3F89] =	sst s3  }
0xc: {  	[smem:$0x3F8A] =	sst s4  }
0xd: {  	[smem:$0x3F8B] =	sst s5  }
0xe: {  	[smem:$0x3F8C] =	sst s6  }
0xf: {  	[smem:$0x3F8D] =	sst s7  }
0x10: {  	[smem:$0x3F8E] =	sst s8  }
0x11: {  	[smem:$0x3F8F] =	sst s9;
	s0 =	simm.s32 @!p0 $0x0  }
0x12: {  	s1 =	sld [smem:$0x3F75];
	s0 =	simm.s32 @p0 $0x1  }
0x13: {  	[smem:$0x3F90] =	sst s0;
	s0 =	simm.s32 @!p1 $0x0  }
0x14: {  	s2 =	sld [smem:$0x3F74];
	s0 =	simm.s32 @p1 $0x1  }
0x15: {  	[smem:$0x3F91] =	sst s0;
	s0 =	simm.s32 @!p2 $0x0  }
0x16: {  	s3 =	sld [smem:$0x3FDB];
	s0 =	simm.s32 @p2 $0x1  }
0x17: {  	s4 =	simm.s32 $0x1BF5;
	[smem:$0x3F93] =	sst s0  }
0x18: {  	s0 =	sld [smem:$0x3F76];
	_ =	swait.ge [sflag:s4], $0x0  }
0x19: {  	s7 =	sld [smem:$0x3F77]  }
0x1a: {  	s8 =	sadd.s32 $0xFFFFE003, lr  }
0x1b: {  	s9 =	sadd.s32 $0xFFFFFEF7, lr;
	s5 =	simm.s32 $0xFFFFFFFF;
	p2 =	slt.u32 s8, $0xFFFFF086  }
0x1c: {  	p1 =	slt.u32 s9, $0xF7A;
	s5 =	simm.s32 @!p2 $0x0  }
0x1d: {  	s5 =	simm.s32 @p1 $0x1;
	p0 =	seq.s32 s7, s2  }
0x1e: {  	s7 =	smul.u32 @!p0 $0xF7A, s2;
	p2 =	seq.s32 @!p0 s5, $0x0  }
0x1f: {  	s9 =	smul.u32 $0xF7A, s1;
	s8 =	simm.s32 @!p0 $0x1BF5;
	p2 =	por !p2, p0  }
0x20: {  	[sflag:s8] =	ssyncset.s32 @!p0 $0xFFFFF086;
	s6 =	sadd.s32 @!p0 s3, s7;
	s7 =	simm.s32 @!p0 $0x108  }
0x21: {  	s3 =	sadd.s32 s3, s9;
	s6 =	sadd.s32 @!p0 $0x88, s6;
	s7 =	simm.s32 @p2 $0x1082  }
0x22: {  	[simem:s7], [sflag:s8] =	dma.local @!p0 [hbm:s6], $0xF7A  }
0x23: {  	s9 =	sor.u32 $0xD0000000, s2;
	s6 =	simm.s32 $0x108;
	_ =	swait.ge @!p0 [sflag:s8], $0x0  }
0x24: {  	s3 =	sadd.s32 $0x88, s3;
	s6 =	simm.s32 @!p1 $0x1082;
	[sflag:s4] =	ssyncset.s32 $0xFFFFF086  }
0x25: {  	[simem:s6], [sflag:s4] =	dma.local [hbm:s3], $0xF7A  }
0x26: {  	[smem:$0x3F77] =	sst s1;
	(tag) =	ssettag s2;
	_ =	strace s9  }
0x27: {  	s1 =	sld [smem:$0x3F87]  }
0x28: {  	s2 =	sld [smem:$0x3F88]  }
0x29: {  	s4 =	sld [smem:$0x3F8A]  }
0x2a: {  	p0 =	seq.s32 s5, $0x0;
	s5 =	sld [smem:$0x3F8B]  }
0x2b: {  	s6 =	sld [smem:$0x3F8C]  }
0x2c: {  	s7 =	sld [smem:$0x3F8D]  }
0x2d: {  	s3 =	simm.s32 $0x108;
	s8 =	sld [smem:$0x3F8E]  }
0x2e: {  	s3 =	simm.s32 @!p0 $0x1082;
	s9 =	sld [smem:$0x3F8F]  }
0x2f: {  	lr =	sadd.s32 s0, s3;
	s0 =	sld [smem:$0x3F86]  }
0x30: {  	s3 =	sld [smem:$0x3F89]  }
0x31: {  	[smem:$0x3F92] =	sst s10  }
0x32: {  	s10 =	sld [smem:$0x3F90];
	_ =	sdelay $0x3  }
0x33: {  	p0 =	seq.s32 s10, $0x1;
	s10 =	sld [smem:$0x3F92];
	_ =	sdelay $0x3  }
0x34: {  	[smem:$0x3F92] =	sst s10  }
0x35: {  	s10 =	sld [smem:$0x3F91];
	_ =	sdelay $0x3  }
0x36: {  	p1 =	seq.s32 s10, $0x1;
	s10 =	sld [smem:$0x3F92];
	_ =	sdelay $0x3  }
0x37: {  	[smem:$0x3F92] =	sst s10  }
0x38: {  	s10 =	sld [smem:$0x3F93]  }
0x39: {  	_ = 	snop;
	(pc) =	sbr.ind lr, $3  }
0x3a: {  	_ = 	snop  }
0x3b: {  	_ = 	snop  }
0x3c: {  	p2 =	seq.s32 s10, $0x1;
	s10 =	sld [smem:$0x3F92]  }
0x3d: {  	_ =	shalt  }
0x3e: {  	_ =	shalt  }
0x3f: {  	_ =	shalt  }
0x40: {  	_ =	shalt  }
0x41: {  	_ =	shalt  }
0x42: {  	_ =	shalt  }
0x43: {  	_ =	shalt  }
0x44: {  	_ =	shalt  }
0x45: {  	_ =	shalt  }
0x46: {  	_ =	shalt  }
0x47: {  	_ =	shalt  }
0x48: {  	_ =	shalt  }
0x49: {  	_ =	shalt  }
0x4a: {  	_ =	shalt  }
0x4b: {  	_ =	shalt  }
0x4c: {  	_ =	shalt  }
0x4d: {  	_ =	shalt  }
0x4e: {  	_ =	shalt  }
0x4f: {  	_ =	shalt  }
0x50: {  	_ =	shalt  }
0x51: {  	_ =	shalt  }
0x52: {  	_ =	shalt  }
0x53: {  	_ =	shalt  }
0x54: {  	_ =	shalt  }
0x55: {  	_ =	shalt  }
0x56: {  	_ =	shalt  }
0x57: {  	_ =	shalt  }
0x58: {  	_ =	shalt  }
0x59: {  	_ =	shalt  }
0x5a: {  	_ =	shalt  }
0x5b: {  	_ =	shalt  }
0x5c: {  	_ =	shalt  }
0x5d: {  	_ =	shalt  }
0x5e: {  	_ =	shalt  }
0x5f: {  	_ =	shalt  }
0x60: {  	_ =	shalt  }
0x61: {  	_ =	shalt  }
0x62: {  	_ =	shalt  }
0x63: {  	_ =	shalt  }
0x64: {  	_ =	shalt  }
0x65: {  	_ =	shalt  }
0x66: {  	_ =	shalt  }
0x67: {  	_ =	shalt  }
0x68: {  	_ =	shalt  }
0x69: {  	_ =	shalt  }
0x6a: {  	_ =	shalt  }
0x6b: {  	_ =	shalt  }
0x6c: {  	_ =	shalt  }
0x6d: {  	_ =	shalt  }
0x6e: {  	_ =	shalt  }
0x6f: {  	_ =	shalt  }
0x70: {  	_ =	shalt  }
0x71: {  	_ =	shalt  }
0x72: {  	_ =	shalt  }
0x73: {  	_ =	shalt  }
0x74: {  	_ =	shalt  }
0x75: {  	_ =	shalt  }
0x76: {  	_ =	shalt  }
0x77: {  	_ =	shalt  }
0x78: {  	_ =	shalt  }
0x79: {  	_ =	shalt  }
0x7a: {  	_ =	shalt  }
0x7b: {  	_ =	shalt  }
0x7c: {  	_ =	shalt  }
0x7d: {  	_ =	shalt  }
0x7e: {  	_ =	shalt  }
0x7f: {  	_ =	shalt  }
0x80: {  	_ =	shalt  }
0x81: {  	_ =	shalt  }
0x82: {  	_ =	shalt  }
0x83: {  	_ =	shalt  }
0x84: {  	_ =	shalt  }
0x85: {  	_ =	shalt  }
0x86: {  	_ =	shalt  }
0x87: {  	_ =	shalt  }
.Lfunc_end0:
.L_simem_size_0:
called_computation.1_lowered:
.L_overlay_start_0:
0x88: {  	s2 =	sld [smem:$0x3FD9]  }
0x89: {  	s3 =	sld [smem:$0x3FFE];
	_ =	sdelay $0x1  }
0x8a: {  	s1 =	srdreg.scid  }
0x8b: {  	s0 =	sand.u32 $0x1, s1  }
0x8c: {  	s16 =	sshll.u32 s0, $0xA;
	s2 =	sadd.s32 s3, s2  }
0x8d: {  	s2 =	sadd.s32 s2, s16  }
0x8e: {  	[smem:$0x3F9E] =	sst s2  }
0x8f: {  	_ = 	snop  }
0x90: {  	(tm) =	ssettm $0x1  }
0x91: {  	s17 =	sld [smem:$0x3FFB];
	_ =	sdelay $0x3  }
0x92: {  	_ =	strace s17  }
0x93: {  	s2 =	sld [smem:$0x3FFC];
	_ =	sdelay $0x3  }
0x94: {  	_ =	strace s2  }
0x95: {  	s2 =	sld [smem:$0x3FFD];
	_ =	sdelay $0x3  }
0x96: {  	_ =	strace s2  }
0x97: {  	_ =	strace $0x8FFFFFFF  }
0x98: {  	s18 =	sld [smem:$0x3FDB];
	_ =	sdelay $0x1  }
0x99: {  	s19 =	simm.s32 $_scs_section_size  }
0x9a: {  	s4 =	simm.s32 $_size__tile_overlayer_lowered;
	s5 =	simm.s32 $_tile_overlayer_lowered  }
0x9b: {  	s22 =	simm.s32 $0x1BFF;
	s21 =	sshll.u32 s5, $0x1;
	s2 =	sadd.s32 s19, s18  }
0x9c: {  	s6 =	simm.s32 $0x0;
	s20 =	sshll.u32 s4, $0x1;
	s4 =	sadd.s32 s21, s2  }
0x9d: {  	[timem:s6], [sflag:s22] =	dma.local [hbm:s4], s20  }
0x9e: {  	_ =	swait.ge [sflag:s22], s20  }
0x9f: {  	s3 =	ssub.s32 $0x0, s20;
	[sflag:s22] =	ssyncset.done $0x0  }
0xa0: {  	[sflag:s22] =	ssyncadd.s32 s3;
	_ =	sdelay $0x1  }
0xa1: {  	s23 =	simm.s32 $0x1B8B  }
0xa2: {  	_ =	swait.ge [sflag:s23], $0x1  }
0xa3: {  	[sflag:s23] =	ssyncset.done $0x0  }
0xa4: {  	s25 =	simm.s32 $0x1B8E;
	s24 =	sld [smem:$0x3FFE];
	[sflag:s23] =	ssyncadd.s32 $0xFFFFFFFF  }
0xa5: {  	s26 =	simm.s32 $execute0_lowered;
	[smem:$0x3FD2] =	sst s25  }
0xa6: {  	s4 =	sshll.u32 s26, $0x1;
	_ =	strace $0x80000049;
	[dreg:$0x1] =	wrdreg $0xFFFFFFFF  }
0xa7: {  	s28 =	simm.s32 $_size_execute0_lowered;
	s2 =	sadd.s32 s2, s4;
	[dreg:$0x0] =	wrdreg $0x0  }
0xa8: {  	s4 =	sshll.u32 s28, $0x1;
	[dreg:$0x2] =	wrdreg s2  }
0xa9: {  	[dreg:$0x3] =	wrdreg s4  }
0xaa: {  	[dreg:$0x4] =	wrdreg $0xC0  }
0xab: {  	_ =	task [dreg:s6], $0x5FFFF  }
0xac: {  	[dreg:$0x1] =	wrdreg $0xFFFFFFFF  }
0xad: {  	[dreg:$0x0] =	wrdreg $0x60  }
0xae: {  	[dreg:$0x2] =	wrdreg s24  }
0xaf: {  	[dreg:$0x3] =	wrdreg $0x9  }
0xb0: {  	_ =	task.clear_ibuf [dreg:s6], $0x4FFFF;
	_ =	strace $0x90000049  }
0xb1: {  	s29 =	simm.s32 $0x9;
	_ =	strace $0x8000004B  }
0xb2: {  	_ =	swait.ge [sflag:s29], $0x1  }
0xb3: {  	[sflag:s29] =	ssyncadd.s32 $0xFFFFFFFF  }
0xb4: {  	_ =	strace $0x9000004B  }
0xb5: {  	_ =	sfence  }
0xb6: {  	s30 =	sld [smem:$0x0];
	_ =	sdelay $0x2  }
0xb7: {  	s31 =	sshll.u32 s1, $0xD;
	s1 =	sshrl.u32 s1, $0x2  }
0xb8: {  	s3 =	sand.u32 $0x4000, s31;
	s1 =	sadd.s32 s1, s30  }
0xb9: {  	s0 =	sor.u32 s3, s0;
	s1 =	sshll.u32 s1, $0x11  }
0xba: {  	s0 =	sor.u32 s1, s0  }
0xbb: {  	s0 =	sadd.s32 $0x8F2B, s0  }
0xbc: {  	[sflag:s0] =	ssyncadd.remote.s32 $0x1  }
0xbd: {  	_ =	sfence.sel $0xFFFF  }
0xbe: {  	[dreg:$0x0] =	wrdreg $0xFFFFFFFF;
	(pc) =	sbr.abs _section_cstart, $3  }
0xbf: {  	[dreg:$0x1] =	wrdreg $0xFFFFFFFF  }
0xc0: {  	_ =	task.clear_ibuf [dreg:s6], $0x2FFFF;
	_ =	strace $0x9FFFFFFF  }
0xc1: {  	(tm) =	ssettm $0x7FFFFFFF  }
tec
execute0_lowered:
.L_overlay_start_1:
0x0: {  	(tag) =	ssettag $0x1  }
0x1: {  	s4 =	rddreg [dreg:$0x0]  }
0x2: {  	s0 =	rddreg [dreg:$0x1];
	s3 =	srdreg.scid  }
0x3: {  	s2 =	simm.s32 $0x0;
	s1 =	stileid.u32;
	s11 =	simm.s32 $0x1000  }
0x4: {  	s12 =	simm.s32 $0x5000;
	s13 =	simm.s32 $0x1;
	s14 =	simm.s32 $0x2  }
0x5: {  	s15 =	simm.s32 $0x3;
	s16 =	simm.s32 $0x4;
	s17 =	simm.s32 $0x0  }
0x6: {  	s6 =	sand.u32 $0x1, s3;
	[smem:$0x7FF] =	sst s2;
	s29 =	sshll.u32 s1, $0xD  }
0x7: {  	s3 =	sadd.s32 $0x28A00, s4;
	s10 =	sadd.s32 $0x4CA00, s4;
	s30 =	sshll.u32 s1, $0x11  }
0x8: {  	s5 =	sshll.u32 s6, $0xC;
	_ =	strace $0x8000004A;
	s7 =	ssub.s32 $0x2, s6  }
0x9: {  	s31 =	sshll.u32 s6, $0x10;
	s5 =	sor.u32 s5, s29;
	s9 =	sshrl.u32 s7, $0x1  }
0xa: {  	s8 =	sshrl.u32 s5, $0x3;
	s7 =	ssub.s32 s7, s9;
	s5 =	sshll.u32 s5, $0x4  }
0xb: {  	s9 =	simm.s32 $0x5;
	s8 =	sadd.s32 s8, s4;
	s5 =	sadd.s32 s10, s5  }
0xc: {  	s6 =	smax.u32 s7, $0x1;
	s4 =	sadd.s32 $0x48A00, s8;
	s8 =	sadd.s32 s30, s10  }
0xd: {  	s7 =	sadd.s32 $0x800, s5;
	s10 =	simm.s32 $0x80;
	s8 =	sadd.s32 s31, s8  }
.LBB2_1:
0xe: {  	[tilespmem:s2], [sflag:$0x5] =	stream.linear.gather [hbm4b:s4+s2], $0x1000, $0x38;
	[tilespmem:$0x9000] =	vst v63  }
0xf: {  	_ =	swait.ge [sflag:s9], $0x1000  }
0x10: {  	[sflag:s9] =	ssyncset.done $0x0  }
0x11: {  	[sflag:s9] =	ssyncadd.s32 $0xFFFFF000  }
0x12: {  	[tilespmem:s11], [sflag:$0x1] =	stream.indirect.gather [hbm4b:s3+s10], $0x80, s2, s10, $0xb8;
	[tilespmem:$0x9000] =	vst v63  }
0x13: {  	_ = 	snop  }
0x14: {  	[tilespmem:s12], [sflag:$0x2] =	stream.indirect.gather [hbm4b:s3+s10], $0x80, s10, s10, $0xb8;
	[tilespmem:$0x9000] =	vst v63  }
0x15: {  	_ =	swait.ge [sflag:s13], $0x4000  }
0x16: {  	[sflag:s13] =	ssyncset.done $0x0  }
0x17: {  	[sflag:s13] =	ssyncadd.s32 $0xFFFFC000  }
0x18: {  	[hbm4b:s5+s2] =	stream.linear.scatter [tilespmem:s11], [sflag:$0x3], $0x4000, $0x38;
	[tilespmem:$0x9000] =	vst v63  }
0x19: {  	_ =	swait.ge [sflag:s14], $0x4000  }
0x1a: {  	[sflag:s14] =	ssyncset.done $0x0  }
0x1b: {  	[sflag:s14] =	ssyncadd.s32 $0xFFFFC000  }
0x1c: {  	[hbm4b:s7+s2] =	stream.linear.scatter [tilespmem:s12], [sflag:$0x4], $0x4000, $0x38;
	[tilespmem:$0x9000] =	vst v63  }
0x1d: {  	_ =	swait.ge [sflag:s15], $0x4000  }
0x1e: {  	[sflag:s15] =	ssyncset.done $0x0  }
0x1f: {  	s18 =	simm.s32 $0x100;
	[sflag:s15] =	ssyncadd.s32 $0xFFFFC000  }
0x20: {  	[tilespmem:s11], [sflag:$0x1] =	stream.indirect.gather [hbm4b:s3+s10], $0x80, s18, s10, $0xb8;
	[tilespmem:$0x9000] =	vst v63  }
0x21: {  	_ =	swait.ge [sflag:s16], $0x4000  }
0x22: {  	[sflag:s16] =	ssyncset.done $0x0  }
0x23: {  	s30 =	simm.s32 $0x180;
	[sflag:s16] =	ssyncadd.s32 $0xFFFFC000  }
0x24: {  	[tilespmem:s12], [sflag:$0x2] =	stream.indirect.gather [hbm4b:s3+s10], $0x80, s30, s10, $0xb8;
	[tilespmem:$0x9000] =	vst v63  }
0x25: {  	_ =	swait.ge [sflag:s13], $0x4000  }
0x26: {  	s19 =	sadd.s32 $0x0, s8;
	[sflag:s13] =	ssyncset.done $0x0  }
0x27: {  	s31 =	sadd.s32 $0x1000, s19;
	[sflag:s13] =	ssyncadd.s32 $0xFFFFC000  }
0x28: {  	[hbm4b:s31+s2] =	stream.linear.scatter [tilespmem:s11], [sflag:$0x3], $0x4000, $0x38;
	[tilespmem:$0x9000] =	vst v63  }
0x29: {  	_ =	swait.ge [sflag:s14], $0x4000  }
0x2a: {  	s20 =	sadd.s32 $0x1800, s19;
	[sflag:s14] =	ssyncset.done $0x0  }
0x2b: {  	s19 =	simm.s32 $0x200;
	s18 =	simm.s32 $0x1000;
	[sflag:s14] =	ssyncadd.s32 $0xFFFFC000  }
.LBB2_2:
0x2c: {  	[hbm4b:s20+s2] =	stream.linear.scatter [tilespmem:s12], [sflag:$0x4], $0x4000, $0x38;
	[tilespmem:$0x9000] =	vst v63  }
0x2d: {  	s20 =	smov.u32 s18  }
0x2e: {  	p0 =	sne.s32 s18, $0xE000;
	s18 =	sadd.s32 $0x1000, s18;
	_ =	swait.ge [sflag:s15], $0x4000  }
0x2f: {  	[sflag:s15] =	ssyncset.done $0x0  }
0x30: {  	[sflag:s15] =	ssyncadd.s32 $0xFFFFC000  }
0x31: {  	[tilespmem:s11], [sflag:$0x1] =	stream.indirect.gather [hbm4b:s3+s10], $0x80, s19, s10, $0xb8;
	[tilespmem:$0x9000] =	vst v63  }
0x32: {  	_ =	swait.ge [sflag:s16], $0x4000  }
0x33: {  	[sflag:s16] =	ssyncset.done $0x0  }
0x34: {  	s21 =	sadd.s32 $0x80, s19;
	[sflag:s16] =	ssyncadd.s32 $0xFFFFC000  }
0x35: {  	[tilespmem:s12], [sflag:$0x2] =	stream.indirect.gather [hbm4b:s3+s10], $0x80, s21, s10, $0xb8;
	[tilespmem:$0x9000] =	vst v63  }
0x36: {  	_ =	swait.ge [sflag:s13], $0x4000  }
0x37: {  	s20 =	sadd.s32 s20, s8;
	[sflag:s13] =	ssyncset.done $0x0  }
.Ltmp0:
0x38: {  	s21 =	sadd.s32 $0x1000, s20;
	[sflag:s13] =	ssyncadd.s32 $0xFFFFC000;
	(pc) =	sbr.rel @p0 .LBB2_2-.Ltmp0, $4  }
0x39: {  	[hbm4b:s21+s2] =	stream.linear.scatter [tilespmem:s11], [sflag:$0x3], $0x4000, $0x38;
	[tilespmem:$0x9000] =	vst v63  }
0x3a: {  	_ =	swait.ge [sflag:s14], $0x4000  }
0x3b: {  	[sflag:s14] =	ssyncset.done $0x0  }
0x3c: {  	s19 =	sadd.s32 $0x100, s19;
	s20 =	sadd.s32 $0x1800, s20;
	[sflag:s14] =	ssyncadd.s32 $0xFFFFC000  }
0x3d: {  	[hbm4b:s20+s2] =	stream.linear.scatter [tilespmem:s12], [sflag:$0x4], $0x4000, $0x38;
	[tilespmem:$0x9000] =	vst v63  }
0x3e: {  	s17 =	sadd.s32 $0x1, s17  }
0x3f: {  	_ =	swait.ge [sflag:s15], $0x4000;
	p0 =	sne.s32 s17, s6  }
.Ltmp1:
0x40: {  	[sflag:s15] =	ssyncset.done $0x0;
	(pc) =	sbr.rel @p0 .LBB2_1-.Ltmp1, $4  }
0x41: {  	[sflag:s15] =	ssyncadd.s32 $0xFFFFC000  }
0x42: {  	_ =	swait.ge [sflag:s16], $0x4000  }
0x43: {  	[sflag:s16] =	ssyncset.done $0x0  }
0x44: {  	[sflag:s16] =	ssyncadd.s32 $0xFFFFC000  }
0x45: {  	_ =	sfence.sel $0x180000  }
0x46: {  	[bflag:$0x0] =	sbarrier.arrive $0xFFFF  }
0x47: {  	p0 =	sne.s32 s1, $0x0;
	_ =	strace $0x9000004A  }
0x48: {  	s0 =	sadd.s32 @!p0 $0x100000, s0;
	[bflag:$0x2] =	sbarrier.arrive $0xFFFF  }
0x49: {  	[sflag:s0] =	ssyncadd.tile.s32 @!p0 $0x1;
	_ =	shalt  }
.Lfunc_end2:
_tile_overlayer_lowered:
.L_overlay_start_2:
0x4a: {  	(tag) =	ssettag $0x2  }
0x4b: {  	s0 =	rddreg [dreg:$0x0];
	s2 =	stileid.u32  }
0x4c: {  	s1 =	rddreg [dreg:$0x1];
	p0 =	sne.s32 s2, $0x0  }
0x4d: {  	s3 =	rddreg [dreg:$0x2];
	[bflag:$0x3] =	sbarrier.arrive $0xFFFF;
	s2 =	simm.s32 @!p0 $0x1C05  }
0x4e: {  	[timem:s3], [sflag:s2] =	dma.local @!p0 [hbm:s0], s1  }
0x4f: {  	s0 =	simm.s32 @!p0 $0x5  }
0x50: {  	_ =	swait.ge @!p0 [sflag:s0], s1  }
0x51: {  	s1 =	ssub.s32 @!p0 $0x0, s1;
	[sflag:s0] =	ssyncset.done @!p0 $0x0  }
0x52: {  	[sflag:s0] =	ssyncadd.s32 @!p0 s1  }
0x53: {  	[bflag:$0x3] =	sbarrier.arrive $0xFFFF  }
0x54: {  	_ =	shalt  }

// kernel: kernel.27.cloned.1.call-start
scs
__scs_entry_jumppad:
0x0: {  	(pc) =	sbr.rel $0x88, $3  }
0x1: {  	(tag) =	ssettag $0x0;
	lr =	simm.s32 $0x1  }
0x2: {  	[smem:$0x3F77] =	sst lr;
	_ =	strace $0xD0000000  }
0x3: {  	_ = 	snop  }
0x4: {  	_ = 	snop  }
0x5: {  	_ = 	snop  }
0x6: {  	_ = 	snop  }
0x7: {  	_ = 	snop  }
__scs_overlays_trampoline_lowered:
0x8: {  	[smem:$0x3F86] =	sst s0  }
0x9: {  	[smem:$0x3F87] =	sst s1  }
0xa: {  	[smem:$0x3F88] =	sst s2  }
0xb: {  	[smem:$0x3F89] =	sst s3  }
0xc: {  	[smem:$0x3F8A] =	sst s4  }
0xd: {  	[smem:$0x3F8B] =	sst s5  }
0xe: {  	[smem:$0x3F8C] =	sst s6  }
0xf: {  	[smem:$0x3F8D] =	sst s7  }
0x10: {  	[smem:$0x3F8E] =	sst s8  }
0x11: {  	[smem:$0x3F8F] =	sst s9;
	s0 =	simm.s32 @!p0 $0x0  }
0x12: {  	s1 =	sld [smem:$0x3F75];
	s0 =	simm.s32 @p0 $0x1  }
0x13: {  	[smem:$0x3F90] =	sst s0;
	s0 =	simm.s32 @!p1 $0x0  }
0x14: {  	s2 =	sld [smem:$0x3F74];
	s0 =	simm.s32 @p1 $0x1  }
0x15: {  	[smem:$0x3F91] =	sst s0;
	s0 =	simm.s32 @!p2 $0x0  }
0x16: {  	s3 =	sld [smem:$0x3FDB];
	s0 =	simm.s32 @p2 $0x1  }
0x17: {  	s4 =	simm.s32 $0x1BF5;
	[smem:$0x3F93] =	sst s0  }
0x18: {  	s0 =	sld [smem:$0x3F76];
	_ =	swait.ge [sflag:s4], $0x0  }
0x19: {  	s7 =	sld [smem:$0x3F77]  }
0x1a: {  	s8 =	sadd.s32 $0xFFFFE003, lr  }
0x1b: {  	s9 =	sadd.s32 $0xFFFFFEF7, lr;
	s5 =	simm.s32 $0xFFFFFFFF;
	p2 =	slt.u32 s8, $0xFFFFF086  }
0x1c: {  	p1 =	slt.u32 s9, $0xF7A;
	s5 =	simm.s32 @!p2 $0x0  }
0x1d: {  	s5 =	simm.s32 @p1 $0x1;
	p0 =	seq.s32 s7, s2  }
0x1e: {  	s7 =	smul.u32 @!p0 $0xF7A, s2;
	p2 =	seq.s32 @!p0 s5, $0x0  }
0x1f: {  	s9 =	smul.u32 $0xF7A, s1;
	s8 =	simm.s32 @!p0 $0x1BF5;
	p2 =	por !p2, p0  }
0x20: {  	[sflag:s8] =	ssyncset.s32 @!p0 $0xFFFFF086;
	s6 =	sadd.s32 @!p0 s3, s7;
	s7 =	simm.s32 @!p0 $0x108  }
0x21: {  	s3 =	sadd.s32 s3, s9;
	s6 =	sadd.s32 @!p0 $0x88, s6;
	s7 =	simm.s32 @p2 $0x1082  }
0x22: {  	[simem:s7], [sflag:s8] =	dma.local @!p0 [hbm:s6], $0xF7A  }
0x23: {  	s9 =	sor.u32 $0xD0000000, s2;
	s6 =	simm.s32 $0x108;
	_ =	swait.ge @!p0 [sflag:s8], $0x0  }
0x24: {  	s3 =	sadd.s32 $0x88, s3;
	s6 =	simm.s32 @!p1 $0x1082;
	[sflag:s4] =	ssyncset.s32 $0xFFFFF086  }
0x25: {  	[simem:s6], [sflag:s4] =	dma.local [hbm:s3], $0xF7A  }
0x26: {  	[smem:$0x3F77] =	sst s1;
	(tag) =	ssettag s2;
	_ =	strace s9  }
0x27: {  	s1 =	sld [smem:$0x3F87]  }
0x28: {  	s2 =	sld [smem:$0x3F88]  }
0x29: {  	s4 =	sld [smem:$0x3F8A]  }
0x2a: {  	p0 =	seq.s32 s5, $0x0;
	s5 =	sld [smem:$0x3F8B]  }
0x2b: {  	s6 =	sld [smem:$0x3F8C]  }
0x2c: {  	s7 =	sld [smem:$0x3F8D]  }
0x2d: {  	s3 =	simm.s32 $0x108;
	s8 =	sld [smem:$0x3F8E]  }
0x2e: {  	s3 =	simm.s32 @!p0 $0x1082;
	s9 =	sld [smem:$0x3F8F]  }
0x2f: {  	lr =	sadd.s32 s0, s3;
	s0 =	sld [smem:$0x3F86]  }
0x30: {  	s3 =	sld [smem:$0x3F89]  }
0x31: {  	[smem:$0x3F92] =	sst s10  }
0x32: {  	s10 =	sld [smem:$0x3F90];
	_ =	sdelay $0x3  }
0x33: {  	p0 =	seq.s32 s10, $0x1;
	s10 =	sld [smem:$0x3F92];
	_ =	sdelay $0x3  }
0x34: {  	[smem:$0x3F92] =	sst s10  }
0x35: {  	s10 =	sld [smem:$0x3F91];
	_ =	sdelay $0x3  }
0x36: {  	p1 =	seq.s32 s10, $0x1;
	s10 =	sld [smem:$0x3F92];
	_ =	sdelay $0x3  }
0x37: {  	[smem:$0x3F92] =	sst s10  }
0x38: {  	s10 =	sld [smem:$0x3F93]  }
0x39: {  	_ = 	snop;
	(pc) =	sbr.ind lr, $3  }
0x3a: {  	_ = 	snop  }
0x3b: {  	_ = 	snop  }
0x3c: {  	p2 =	seq.s32 s10, $0x1;
	s10 =	sld [smem:$0x3F92]  }
0x3d: {  	_ =	shalt  }
0x3e: {  	_ =	shalt  }
0x3f: {  	_ =	shalt  }
0x40: {  	_ =	shalt  }
0x41: {  	_ =	shalt  }
0x42: {  	_ =	shalt  }
0x43: {  	_ =	shalt  }
0x44: {  	_ =	shalt  }
0x45: {  	_ =	shalt  }
0x46: {  	_ =	shalt  }
0x47: {  	_ =	shalt  }
0x48: {  	_ =	shalt  }
0x49: {  	_ =	shalt  }
0x4a: {  	_ =	shalt  }
0x4b: {  	_ =	shalt  }
0x4c: {  	_ =	shalt  }
0x4d: {  	_ =	shalt  }
0x4e: {  	_ =	shalt  }
0x4f: {  	_ =	shalt  }
0x50: {  	_ =	shalt  }
0x51: {  	_ =	shalt  }
0x52: {  	_ =	shalt  }
0x53: {  	_ =	shalt  }
0x54: {  	_ =	shalt  }
0x55: {  	_ =	shalt  }
0x56: {  	_ =	shalt  }
0x57: {  	_ =	shalt  }
0x58: {  	_ =	shalt  }
0x59: {  	_ =	shalt  }
0x5a: {  	_ =	shalt  }
0x5b: {  	_ =	shalt  }
0x5c: {  	_ =	shalt  }
0x5d: {  	_ =	shalt  }
0x5e: {  	_ =	shalt  }
0x5f: {  	_ =	shalt  }
0x60: {  	_ =	shalt  }
0x61: {  	_ =	shalt  }
0x62: {  	_ =	shalt  }
0x63: {  	_ =	shalt  }
0x64: {  	_ =	shalt  }
0x65: {  	_ =	shalt  }
0x66: {  	_ =	shalt  }
0x67: {  	_ =	shalt  }
0x68: {  	_ =	shalt  }
0x69: {  	_ =	shalt  }
0x6a: {  	_ =	shalt  }
0x6b: {  	_ =	shalt  }
0x6c: {  	_ =	shalt  }
0x6d: {  	_ =	shalt  }
0x6e: {  	_ =	shalt  }
0x6f: {  	_ =	shalt  }
0x70: {  	_ =	shalt  }
0x71: {  	_ =	shalt  }
0x72: {  	_ =	shalt  }
0x73: {  	_ =	shalt  }
0x74: {  	_ =	shalt  }
0x75: {  	_ =	shalt  }
0x76: {  	_ =	shalt  }
0x77: {  	_ =	shalt  }
0x78: {  	_ =	shalt  }
0x79: {  	_ =	shalt  }
0x7a: {  	_ =	shalt  }
0x7b: {  	_ =	shalt  }
0x7c: {  	_ =	shalt  }
0x7d: {  	_ =	shalt  }
0x7e: {  	_ =	shalt  }
0x7f: {  	_ =	shalt  }
0x80: {  	_ =	shalt  }
0x81: {  	_ =	shalt  }
0x82: {  	_ =	shalt  }
0x83: {  	_ =	shalt  }
0x84: {  	_ =	shalt  }
0x85: {  	_ =	shalt  }
0x86: {  	_ =	shalt  }
0x87: {  	_ =	shalt  }
.Lfunc_end0:
.L_simem_size_0:
called_computation.2_lowered:
.L_overlay_start_0:
0x88: {  	s2 =	sld [smem:$0x3FD9]  }
0x89: {  	s3 =	sld [smem:$0x3FFE];
	_ =	sdelay $0x1  }
0x8a: {  	s1 =	srdreg.scid  }
0x8b: {  	s0 =	sand.u32 $0x1, s1  }
0x8c: {  	s16 =	sshll.u32 s0, $0xA;
	s2 =	sadd.s32 s3, s2  }
0x8d: {  	s2 =	sadd.s32 s2, s16  }
0x8e: {  	[smem:$0x3F9E] =	sst s2  }
0x8f: {  	_ = 	snop  }
0x90: {  	(tm) =	ssettm $0x1  }
0x91: {  	s17 =	sld [smem:$0x3FFB];
	_ =	sdelay $0x3  }
0x92: {  	_ =	strace s17  }
0x93: {  	s2 =	sld [smem:$0x3FFC];
	_ =	sdelay $0x3  }
0x94: {  	_ =	strace s2  }
0x95: {  	s2 =	sld [smem:$0x3FFD];
	_ =	sdelay $0x3  }
0x96: {  	_ =	strace s2  }
0x97: {  	_ =	strace $0x8FFFFFFF  }
0x98: {  	s18 =	sld [smem:$0x3FDB];
	_ =	sdelay $0x1  }
0x99: {  	s19 =	simm.s32 $_scs_section_size  }
0x9a: {  	s4 =	simm.s32 $_size__tile_overlayer_lowered;
	s5 =	simm.s32 $_tile_overlayer_lowered  }
0x9b: {  	s22 =	simm.s32 $0x1BFF;
	s21 =	sshll.u32 s5, $0x1;
	s2 =	sadd.s32 s19, s18  }
0x9c: {  	s6 =	simm.s32 $0x0;
	s20 =	sshll.u32 s4, $0x1;
	s4 =	sadd.s32 s21, s2  }
0x9d: {  	[timem:s6], [sflag:s22] =	dma.local [hbm:s4], s20  }
0x9e: {  	_ =	swait.ge [sflag:s22], s20  }
0x9f: {  	s3 =	ssub.s32 $0x0, s20;
	[sflag:s22] =	ssyncset.done $0x0  }
0xa0: {  	[sflag:s22] =	ssyncadd.s32 s3;
	_ =	sdelay $0x1  }
0xa1: {  	s23 =	simm.s32 $0x1B8B  }
0xa2: {  	_ =	swait.ge [sflag:s23], $0x1  }
0xa3: {  	[sflag:s23] =	ssyncset.done $0x0  }
0xa4: {  	s25 =	simm.s32 $0x1B8E;
	s24 =	sld [smem:$0x3FFE];
	[sflag:s23] =	ssyncadd.s32 $0xFFFFFFFF  }
0xa5: {  	s26 =	simm.s32 $execute0_lowered;
	[smem:$0x3FD2] =	sst s25  }
0xa6: {  	s4 =	sshll.u32 s26, $0x1;
	_ =	strace $0x8000004C;
	[dreg:$0x1] =	wrdreg $0xFFFFFFFF  }
0xa7: {  	s28 =	simm.s32 $_size_execute0_lowered;
	s2 =	sadd.s32 s2, s4;
	[dreg:$0x0] =	wrdreg $0x0  }
0xa8: {  	s4 =	sshll.u32 s28, $0x1;
	[dreg:$0x2] =	wrdreg s2  }
0xa9: {  	[dreg:$0x3] =	wrdreg s4  }
0xaa: {  	[dreg:$0x4] =	wrdreg $0xC0  }
0xab: {  	_ =	task [dreg:s6], $0x5FFFF  }
0xac: {  	[dreg:$0x1] =	wrdreg $0xFFFFFFFF  }
0xad: {  	[dreg:$0x0] =	wrdreg $0x60  }
0xae: {  	[dreg:$0x2] =	wrdreg s24  }
0xaf: {  	[dreg:$0x3] =	wrdreg $0x9  }
0xb0: {  	_ =	task.clear_ibuf [dreg:s6], $0x4FFFF;
	_ =	strace $0x9000004C  }
0xb1: {  	s29 =	simm.s32 $0x9;
	_ =	strace $0x8000004E  }
0xb2: {  	_ =	swait.ge [sflag:s29], $0x1  }
0xb3: {  	[sflag:s29] =	ssyncadd.s32 $0xFFFFFFFF  }
0xb4: {  	_ =	strace $0x9000004E  }
0xb5: {  	_ =	sfence  }
0xb6: {  	s30 =	sld [smem:$0x0];
	_ =	sdelay $0x2  }
0xb7: {  	s31 =	sshll.u32 s1, $0xD;
	s1 =	sshrl.u32 s1, $0x2  }
0xb8: {  	s3 =	sand.u32 $0x4000, s31;
	s1 =	sadd.s32 s1, s30  }
0xb9: {  	s0 =	sor.u32 s3, s0;
	s1 =	sshll.u32 s1, $0x11  }
0xba: {  	s0 =	sor.u32 s1, s0  }
0xbb: {  	s0 =	sadd.s32 $0x8F2B, s0  }
0xbc: {  	[sflag:s0] =	ssyncadd.remote.s32 $0x1  }
0xbd: {  	_ =	sfence.sel $0xFFFF  }
0xbe: {  	[dreg:$0x0] =	wrdreg $0xFFFFFFFF;
	(pc) =	sbr.abs _section_cstart, $3  }
0xbf: {  	[dreg:$0x1] =	wrdreg $0xFFFFFFFF  }
0xc0: {  	_ =	task.clear_ibuf [dreg:s6], $0x2FFFF;
	_ =	strace $0x9FFFFFFF  }
0xc1: {  	(tm) =	ssettm $0x7FFFFFFF  }
tec
execute0_lowered:
.L_overlay_start_1:
0x0: {  	(tag) =	ssettag $0x1  }
0x1: {  	s4 =	rddreg [dreg:$0x0]  }
0x2: {  	s0 =	rddreg [dreg:$0x1];
	s3 =	srdreg.scid  }
0x3: {  	s2 =	simm.s32 $0x0;
	s1 =	stileid.u32;
	s11 =	simm.s32 $0x1000  }
0x4: {  	s12 =	simm.s32 $0x5000;
	s13 =	simm.s32 $0x1;
	s14 =	simm.s32 $0x2  }
0x5: {  	s15 =	simm.s32 $0x3;
	s16 =	simm.s32 $0x4;
	s17 =	simm.s32 $0x0  }
0x6: {  	s6 =	sand.u32 $0x1, s3;
	[smem:$0x7FF] =	sst s2;
	s29 =	sshll.u32 s1, $0xD  }
0x7: {  	s3 =	sadd.s32 $0x48A00, s4;
	s10 =	sadd.s32 $0x6CA00, s4;
	s30 =	sshll.u32 s1, $0x11  }
0x8: {  	s5 =	sshll.u32 s6, $0xC;
	_ =	strace $0x8000004D;
	s7 =	ssub.s32 $0x2, s6  }
0x9: {  	s31 =	sshll.u32 s6, $0x10;
	s5 =	sor.u32 s5, s29;
	s9 =	sshrl.u32 s7, $0x1  }
0xa: {  	s8 =	sshrl.u32 s5, $0x3;
	s7 =	ssub.s32 s7, s9;
	s5 =	sshll.u32 s5, $0x4  }
0xb: {  	s9 =	simm.s32 $0x5;
	s8 =	sadd.s32 s8, s4;
	s5 =	sadd.s32 s10, s5  }
0xc: {  	s6 =	smax.u32 s7, $0x1;
	s4 =	sadd.s32 $0x68A00, s8;
	s8 =	sadd.s32 s30, s10  }
0xd: {  	s7 =	sadd.s32 $0x800, s5;
	s10 =	simm.s32 $0x80;
	s8 =	sadd.s32 s31, s8  }
.LBB2_1:
0xe: {  	[tilespmem:s2], [sflag:$0x5] =	stream.linear.gather [hbm4b:s4+s2], $0x1000, $0x38;
	[tilespmem:$0x9000] =	vst v63  }
0xf: {  	_ =	swait.ge [sflag:s9], $0x1000  }
0x10: {  	[sflag:s9] =	ssyncset.done $0x0  }
0x11: {  	[sflag:s9] =	ssyncadd.s32 $0xFFFFF000  }
0x12: {  	[tilespmem:s11], [sflag:$0x1] =	stream.indirect.gather [hbm4b:s3+s10], $0x80, s2, s10, $0xb8;
	[tilespmem:$0x9000] =	vst v63  }
0x13: {  	_ = 	snop  }
0x14: {  	[tilespmem:s12], [sflag:$0x2] =	stream.indirect.gather [hbm4b:s3+s10], $0x80, s10, s10, $0xb8;
	[tilespmem:$0x9000] =	vst v63  }
0x15: {  	_ =	swait.ge [sflag:s13], $0x4000  }
0x16: {  	[sflag:s13] =	ssyncset.done $0x0  }
0x17: {  	[sflag:s13] =	ssyncadd.s32 $0xFFFFC000  }
0x18: {  	[hbm4b:s5+s2] =	stream.linear.scatter [tilespmem:s11], [sflag:$0x3], $0x4000, $0x38;
	[tilespmem:$0x9000] =	vst v63  }
0x19: {  	_ =	swait.ge [sflag:s14], $0x4000  }
0x1a: {  	[sflag:s14] =	ssyncset.done $0x0  }
0x1b: {  	[sflag:s14] =	ssyncadd.s32 $0xFFFFC000  }
0x1c: {  	[hbm4b:s7+s2] =	stream.linear.scatter [tilespmem:s12], [sflag:$0x4], $0x4000, $0x38;
	[tilespmem:$0x9000] =	vst v63  }
0x1d: {  	_ =	swait.ge [sflag:s15], $0x4000  }
0x1e: {  	[sflag:s15] =	ssyncset.done $0x0  }
0x1f: {  	s18 =	simm.s32 $0x100;
	[sflag:s15] =	ssyncadd.s32 $0xFFFFC000  }
0x20: {  	[tilespmem:s11], [sflag:$0x1] =	stream.indirect.gather [hbm4b:s3+s10], $0x80, s18, s10, $0xb8;
	[tilespmem:$0x9000] =	vst v63  }
0x21: {  	_ =	swait.ge [sflag:s16], $0x4000  }
0x22: {  	[sflag:s16] =	ssyncset.done $0x0  }
0x23: {  	s30 =	simm.s32 $0x180;
	[sflag:s16] =	ssyncadd.s32 $0xFFFFC000  }
0x24: {  	[tilespmem:s12], [sflag:$0x2] =	stream.indirect.gather [hbm4b:s3+s10], $0x80, s30, s10, $0xb8;
	[tilespmem:$0x9000] =	vst v63  }
0x25: {  	_ =	swait.ge [sflag:s13], $0x4000  }
0x26: {  	s19 =	sadd.s32 $0x0, s8;
	[sflag:s13] =	ssyncset.done $0x0  }
0x27: {  	s31 =	sadd.s32 $0x1000, s19;
	[sflag:s13] =	ssyncadd.s32 $0xFFFFC000  }
0x28: {  	[hbm4b:s31+s2] =	stream.linear.scatter [tilespmem:s11], [sflag:$0x3], $0x4000, $0x38;
	[tilespmem:$0x9000] =	vst v63  }
0x29: {  	_ =	swait.ge [sflag:s14], $0x4000  }
0x2a: {  	s20 =	sadd.s32 $0x1800, s19;
	[sflag:s14] =	ssyncset.done $0x0  }
0x2b: {  	s19 =	simm.s32 $0x200;
	s18 =	simm.s32 $0x1000;
	[sflag:s14] =	ssyncadd.s32 $0xFFFFC000  }
.LBB2_2:
0x2c: {  	[hbm4b:s20+s2] =	stream.linear.scatter [tilespmem:s12], [sflag:$0x4], $0x4000, $0x38;
	[tilespmem:$0x9000] =	vst v63  }
0x2d: {  	s20 =	smov.u32 s18  }
0x2e: {  	p0 =	sne.s32 s18, $0xE000;
	s18 =	sadd.s32 $0x1000, s18;
	_ =	swait.ge [sflag:s15], $0x4000  }
0x2f: {  	[sflag:s15] =	ssyncset.done $0x0  }
0x30: {  	[sflag:s15] =	ssyncadd.s32 $0xFFFFC000  }
0x31: {  	[tilespmem:s11], [sflag:$0x1] =	stream.indirect.gather [hbm4b:s3+s10], $0x80, s19, s10, $0xb8;
	[tilespmem:$0x9000] =	vst v63  }
0x32: {  	_ =	swait.ge [sflag:s16], $0x4000  }
0x33: {  	[sflag:s16] =	ssyncset.done $0x0  }
0x34: {  	s21 =	sadd.s32 $0x80, s19;
	[sflag:s16] =	ssyncadd.s32 $0xFFFFC000  }
0x35: {  	[tilespmem:s12], [sflag:$0x2] =	stream.indirect.gather [hbm4b:s3+s10], $0x80, s21, s10, $0xb8;
	[tilespmem:$0x9000] =	vst v63  }
0x36: {  	_ =	swait.ge [sflag:s13], $0x4000  }
0x37: {  	s20 =	sadd.s32 s20, s8;
	[sflag:s13] =	ssyncset.done $0x0  }
.Ltmp0:
0x38: {  	s21 =	sadd.s32 $0x1000, s20;
	[sflag:s13] =	ssyncadd.s32 $0xFFFFC000;
	(pc) =	sbr.rel @p0 .LBB2_2-.Ltmp0, $4  }
0x39: {  	[hbm4b:s21+s2] =	stream.linear.scatter [tilespmem:s11], [sflag:$0x3], $0x4000, $0x38;
	[tilespmem:$0x9000] =	vst v63  }
0x3a: {  	_ =	swait.ge [sflag:s14], $0x4000  }
0x3b: {  	[sflag:s14] =	ssyncset.done $0x0  }
0x3c: {  	s19 =	sadd.s32 $0x100, s19;
	s20 =	sadd.s32 $0x1800, s20;
	[sflag:s14] =	ssyncadd.s32 $0xFFFFC000  }
0x3d: {  	[hbm4b:s20+s2] =	stream.linear.scatter [tilespmem:s12], [sflag:$0x4], $0x4000, $0x38;
	[tilespmem:$0x9000] =	vst v63  }
0x3e: {  	s17 =	sadd.s32 $0x1, s17  }
0x3f: {  	_ =	swait.ge [sflag:s15], $0x4000;
	p0 =	sne.s32 s17, s6  }
.Ltmp1:
0x40: {  	[sflag:s15] =	ssyncset.done $0x0;
	(pc) =	sbr.rel @p0 .LBB2_1-.Ltmp1, $4  }
0x41: {  	[sflag:s15] =	ssyncadd.s32 $0xFFFFC000  }
0x42: {  	_ =	swait.ge [sflag:s16], $0x4000  }
0x43: {  	[sflag:s16] =	ssyncset.done $0x0  }
0x44: {  	[sflag:s16] =	ssyncadd.s32 $0xFFFFC000  }
0x45: {  	_ =	sfence.sel $0x180000  }
0x46: {  	[bflag:$0x0] =	sbarrier.arrive $0xFFFF  }
0x47: {  	p0 =	sne.s32 s1, $0x0;
	_ =	strace $0x9000004D  }
0x48: {  	s0 =	sadd.s32 @!p0 $0x100000, s0;
	[bflag:$0x2] =	sbarrier.arrive $0xFFFF  }
0x49: {  	[sflag:s0] =	ssyncadd.tile.s32 @!p0 $0x1;
	_ =	shalt  }
.Lfunc_end2:
_tile_overlayer_lowered:
.L_overlay_start_2:
0x4a: {  	(tag) =	ssettag $0x2  }
0x4b: {  	s0 =	rddreg [dreg:$0x0];
	s2 =	stileid.u32  }
0x4c: {  	s1 =	rddreg [dreg:$0x1];
	p0 =	sne.s32 s2, $0x0  }
0x4d: {  	s3 =	rddreg [dreg:$0x2];
	[bflag:$0x3] =	sbarrier.arrive $0xFFFF;
	s2 =	simm.s32 @!p0 $0x1C05  }
0x4e: {  	[timem:s3], [sflag:s2] =	dma.local @!p0 [hbm:s0], s1  }
0x4f: {  	s0 =	simm.s32 @!p0 $0x5  }
0x50: {  	_ =	swait.ge @!p0 [sflag:s0], s1  }
0x51: {  	s1 =	ssub.s32 @!p0 $0x0, s1;
	[sflag:s0] =	ssyncset.done @!p0 $0x0  }
0x52: {  	[sflag:s0] =	ssyncadd.s32 @!p0 s1  }
0x53: {  	[bflag:$0x3] =	sbarrier.arrive $0xFFFF  }
0x54: {  	_ =	shalt  }

</sc_bundles>
